<compile_context>
chip_gen: v7x
topology: tpu7x:2x2x1
jax: 0.10.2.dev20260603
libtpu: 0.0.44.dev20260713+nightly
codegen_flags: <defaults>
</compile_context>

<pallas_src>
import functools

import jax
import jax.numpy as jnp
from jax import lax
from jax.experimental import pallas as pl
from jax.experimental.pallas import tpu as pltpu
from jax.experimental.pallas import tpu_sc as plsc

R = 128
C = 32768
K = 8
L = 16
NC, NS = 2, 16
NW = NC * NS
RPW = R // NW
NV = C // L
G = 8
NG = NV // G
NB = NG // G
CAP = 2048

NEG = float("-inf")
IMAX = 2**31 - 1


def _select_merge(load, nv, static_nv):

    def step(j, c):
        bv, bi = c
        v, ci = load(j)
        rv, ri = plsc.sort_key_val(v, ci, descending=False)
        sel = bv >= rv
        uv = jnp.where(sel, bv, rv)
        ui = jnp.where(sel, bi, ri)
        mv2, mi2 = plsc.sort_key_val(uv, ui, descending=True)
        return (mv2, mi2)

    init = (jnp.full((L,), NEG, jnp.float32), jnp.full((L,), IMAX, jnp.int32))
    return lax.fori_loop(0, static_nv if static_nv else nv, step, init)


@functools.partial(
    pl.kernel,
    out_type=(
        jax.ShapeDtypeStruct((R * K,), jnp.float32),
        jax.ShapeDtypeStruct((R * K,), jnp.int32),
    ),
    mesh=plsc.VectorSubcoreMesh(
        core_axis_name="c", subcore_axis_name="s", num_cores=NC, num_subcores=NS
    ),
    compiler_params=pltpu.CompilerParams(needs_layout_passes=False),
    scratch_types=[
        pltpu.VMEM((2 * C,), jnp.float32),
        pltpu.VMEM((NG * L,), jnp.float32),
        pltpu.VMEM((CAP + L,), jnp.float32),
        pltpu.VMEM((CAP + L,), jnp.int32),
        pltpu.VMEM((RPW * K + L,), jnp.float32),
        pltpu.VMEM((RPW * K + L,), jnp.int32),
        pltpu.VMEM((L,), jnp.int32),
        pltpu.SMEM((2,), jnp.int32),
        pltpu.SemaphoreType.DMA,
        pltpu.SemaphoreType.DMA,
    ],
)
def _sc_topk(
    x_hbm, oval_hbm, oidx_hbm,
    row_v, summ_v, cval_v, cidx_v, sval_v, sidx_v, tmp_v, cnt_s, sem0, sem1,
):
    def popcnt(mask):
        return plsc.all_reduce_population_count(mask)[0]

    wid = lax.axis_index("s") * NC + lax.axis_index("c")
    row0 = wid * RPW
    iota = lax.broadcasted_iota(jnp.int32, (L,), 0)

    pltpu.async_copy(x_hbm.at[row0], row_v.at[pl.ds(0, C)], sem0)
    pltpu.async_copy(x_hbm.at[row0 + 1], row_v.at[pl.ds(C, C)], sem1)

    def pair_body(h, _):
        for b, sem in ((0, sem0), (1, sem1)):
            off = b * C
            rl = 2 * h + b
            pltpu.make_async_copy(
                x_hbm.at[row0], row_v.at[pl.ds(off, C)], sem
            ).wait()

            def pa(i, carry, off=off):
                m16 = carry[0]
                ss = list(carry[1:])
                vs = [row_v[pl.ds(off + (i * G + g) * L, L)] for g in range(G)]
                for g in range(G):
                    ss[g] = ss[g] + jnp.exp(vs[g])
                while len(vs) > 1:
                    vs = [
                        jnp.maximum(vs[2 * k], vs[2 * k + 1])
                        for k in range(len(vs) // 2)
                    ]
                summ_v[pl.ds(i * L, L)] = vs[0]
                return (jnp.maximum(m16, vs[0]), *ss)

            acc = plsc.parallel_loop(
                0, NG, 1, unroll=2,
                carry=(jnp.full((L,), NEG, jnp.float32),)
                + tuple(jnp.zeros((L,), jnp.float32) for _ in range(G)),
            )(pa)
            m16 = acc[0]
            ss = list(acc[1:])
            while len(ss) > 1:
                ss = [ss[2 * k] + ss[2 * k + 1] for k in range(len(ss) // 2)]
            sv = jnp.full((L,), jnp.sum(ss[0]), jnp.float32)

            sk, _ = plsc.sort_key_val(m16, iota, descending=True)
            t = jnp.max(jnp.where(iota == K - 1, sk, NEG))
            tv = jnp.full((L,), t, jnp.float32)

            cnt_s[0] = jnp.int32(0)
            cnt_s[1] = jnp.int32(0)

            def pb(j, z, off=off, tv=tv):
                mks, anym = [], None
                for g in range(G):
                    mk = summ_v[pl.ds((j * G + g) * L, L)] >= tv
                    mks.append(mk)
                    anym = mk if anym is None else (anym | mk)

                @pl.when(popcnt(anym) > 0)
                def _():
                    for g in range(G):

                        @pl.when(popcnt(mks[g]) > 0)
                        def _(g=g):
                            gid = j * G + g

                            @pl.when(cnt_s[0] + G * L <= CAP)
                            def _():
                                def visit(hh, zz):
                                    base = (gid * G + hh) * L
                                    v = row_v[pl.ds(off + base, L)]
                                    mk2 = v >= tv
                                    cg = popcnt(mk2)
                                    p = cnt_s[0]
                                    plsc.store_compressed(
                                        cval_v.at[pl.ds(p, L)], v, mask=mk2
                                    )
                                    plsc.store_compressed(
                                        cidx_v.at[pl.ds(p, L)],
                                        base + iota,
                                        mask=mk2,
                                    )
                                    cnt_s[0] = p + cg
                                    cnt_s[1] = cnt_s[1] + cg
                                    return zz

                                lax.fori_loop(0, G, visit, 0)

                            @pl.when(cnt_s[0] + G * L > CAP)
                            def _():
                                cnt_s[1] = cnt_s[1] + 1

                return z

            lax.fori_loop(0, NB, pb, 0)
            n = cnt_s[0]
            total = cnt_s[1]

            cval_v[pl.ds(n, L)] = jnp.full((L,), NEG, jnp.float32)
            cidx_v[pl.ds(n, L)] = jnp.full((L,), IMAX, jnp.int32)

            @pl.when(total == n)
            def _():
                def load(j):
                    return cval_v[pl.ds(j * L, L)], cidx_v[pl.ds(j * L, L)]

                accv, acci = _select_merge(load, (n + L - 1) // L, None)
                plsc.store_compressed(
                    sval_v.at[pl.ds(rl * K, L)], jnp.exp(accv) / sv, mask=iota < K
                )
                plsc.store_compressed(
                    sidx_v.at[pl.ds(rl * K, L)], acci, mask=iota < K
                )

            @pl.when(total != n)
            def _():
                def load(j, off=off):
                    return row_v[pl.ds(off + j * L, L)], j * L + iota

                accv, acci = _select_merge(load, None, NV)
                plsc.store_compressed(
                    sval_v.at[pl.ds(rl * K, L)], jnp.exp(accv) / sv, mask=iota < K
                )
                plsc.store_compressed(
                    sidx_v.at[pl.ds(rl * K, L)], acci, mask=iota < K
                )

            @pl.when(h < 1)
            def _():
                pltpu.async_copy(
                    x_hbm.at[row0 + rl + 2], row_v.at[pl.ds(off, C)], sem
                )

        return 0

    lax.fori_loop(0, RPW // 2, pair_body, 0)
    nout = RPW * K
    pltpu.sync_copy(
        sval_v.at[pl.ds(0, nout)], oval_hbm.at[pl.ds(wid * nout, nout)]
    )
    pltpu.sync_copy(
        sidx_v.at[pl.ds(0, nout)], oidx_hbm.at[pl.ds(wid * nout, nout)]
    )


def kernel(x):
    vals, idx = _sc_topk(x)
    return vals.reshape(R, K), idx.reshape(R, K)

# --- scband reference (transcript-rebuilt; emitter-appended) ---
"""Pipeline reference for scband-softmax-top-k-12214886989879 (READ-ONLY COPY).

The authoritative reference and input builder live on the scoring server;
editing this copy changes nothing except your own understanding.
"""

import jax, jax.numpy as jnp
import numpy as np

TOP_K = 8

def setup_inputs(seed: int = 0) -> dict:
    key = jax.random.key(seed)
    x = jax.random.normal(key, (128, 32768), dtype=jnp.float32)
    return {"x": x}

def reference(x):
    # SoftmaxTopK: softmax over dim=-1, then top-k values and indices
    probs = jax.nn.softmax(x, axis=-1)
    topk_vals, topk_idx = jax.lax.top_k(probs, TOP_K)
    return topk_vals, topk_idx

if __name__ == "__main__":
    import jax
    _d = setup_inputs()
    print(jax.jit(kernel)(*tuple(_d.values())))

</pallas_src>

<mosaic_0001>
#map = affine_map<(d0, d1) -> (0, 0)>
#map1 = affine_map<(d0, d1) -> (0)>
module attributes {stable_mosaic.version = 14 : i64} {
  func.func @_sc_topk(%arg0: i32, %arg1: i32, %arg2: memref<128x32768xf32, #tpu.memory_space<hbm>>, %arg3: memref<1024xf32, #tpu.memory_space<hbm>>, %arg4: memref<1024xi32, #tpu.memory_space<hbm>>, %arg5: memref<65536xf32, #tpu.memory_space<vmem>>, %arg6: memref<4096xf32, #tpu.memory_space<vmem>>, %arg7: memref<2064xf32, #tpu.memory_space<vmem>>, %arg8: memref<2064xi32, #tpu.memory_space<vmem>>, %arg9: memref<48xf32, #tpu.memory_space<vmem>>, %arg10: memref<48xi32, #tpu.memory_space<vmem>>, %arg11: memref<16xi32, #tpu.memory_space<vmem>>, %arg12: memref<2xi32, #tpu.memory_space<smem>>, %arg13: memref<!tpu.dma_semaphore, #tpu.memory_space<semaphore_mem>>, %arg14: memref<!tpu.dma_semaphore, #tpu.memory_space<semaphore_mem>>) attributes {dimension_semantics = [#tpu.dimension_semantics<core_parallel>, #tpu.dimension_semantics<subcore_parallel>], iteration_bounds = array<i64: 2, 16>, scalar_prefetch = 0 : i64, scratch_operands = 10 : i64, tpu.core_type = #tpu.core_type<sc_vector_subcore>, window_params = [{transform_indices = #map}, {transform_indices = #map1}, {transform_indices = #map1}]} {
    %mul3A = arith.constant 2 : i32
    %mul3A_0 = arith.muli %arg1, %mul3A : i32
    %add3A = arith.addi %mul3A_0, %arg0 : i32
    %mul3A_1 = arith.constant 4 : i32
    %mul3A_2 = arith.muli %add3A, %mul3A_1 : i32
    %iota3A = tpu.iota {dimensions = array<i32: 0>} : vector<16xi32>
    %dma_start3A = arith.constant 0 : i32
    %dma_start3A_3 = tpu.memref_slice %arg5[%dma_start3A] : memref<65536xf32, #tpu.memory_space<vmem>> -> memref<32768xf32, #tpu.memory_space<vmem>>
    %dma_start3A_4 = arith.constant 0 : i32
    %dma_start3A_5 = tpu.memref_slice %arg2[%mul3A_2, %dma_start3A_4] : memref<128x32768xf32, #tpu.memory_space<hbm>> -> memref<1x32768xf32, #tpu.memory_space<hbm>>
    %dma_start3A_6 = tpu.memref_squeeze %dma_start3A_5 : memref<1x32768xf32, #tpu.memory_space<hbm>> -> memref<32768xf32, #tpu.memory_space<hbm>>
    %dma_start3A_7 = arith.constant 0 : i32
    %dma_start3A_8 = tpu.memref_slice %arg5[%dma_start3A_7] : memref<65536xf32, #tpu.memory_space<vmem>> -> memref<32768xf32, #tpu.memory_space<vmem>>
    %dma_start3A_9 = arith.constant 0 : i32
    %dma_start3A_10 = tpu.memref_slice %arg2[%mul3A_2, %dma_start3A_9] : memref<128x32768xf32, #tpu.memory_space<hbm>> -> memref<1x32768xf32, #tpu.memory_space<hbm>>
    %dma_start3A_11 = tpu.memref_squeeze %dma_start3A_10 : memref<1x32768xf32, #tpu.memory_space<hbm>> -> memref<32768xf32, #tpu.memory_space<hbm>>
    tpu.enqueue_dma source(%dma_start3A_11 : memref<32768xf32, #tpu.memory_space<hbm>>) target(%dma_start3A_8 : memref<32768xf32, #tpu.memory_space<vmem>>) target_semaphore(%arg13 : memref<!tpu.dma_semaphore, #tpu.memory_space<semaphore_mem>>)
    %add3A_12 = arith.constant 1 : i32
    %add3A_13 = arith.addi %mul3A_2, %add3A_12 : i32
    %dma_start3A_14 = arith.constant 32768 : i32
    %dma_start3A_15 = tpu.memref_slice %arg5[%dma_start3A_14] : memref<65536xf32, #tpu.memory_space<vmem>> -> memref<32768xf32, #tpu.memory_space<vmem>>
    %dma_start3A_16 = arith.constant 0 : i32
    %dma_start3A_17 = tpu.memref_slice %arg2[%add3A_13, %dma_start3A_16] : memref<128x32768xf32, #tpu.memory_space<hbm>> -> memref<1x32768xf32, #tpu.memory_space<hbm>>
    %dma_start3A_18 = tpu.memref_squeeze %dma_start3A_17 : memref<1x32768xf32, #tpu.memory_space<hbm>> -> memref<32768xf32, #tpu.memory_space<hbm>>
    %dma_start3A_19 = arith.constant 32768 : i32
    %dma_start3A_20 = tpu.memref_slice %arg5[%dma_start3A_19] : memref<65536xf32, #tpu.memory_space<vmem>> -> memref<32768xf32, #tpu.memory_space<vmem>>
    %dma_start3A_21 = arith.constant 0 : i32
    %dma_start3A_22 = tpu.memref_slice %arg2[%add3A_13, %dma_start3A_21] : memref<128x32768xf32, #tpu.memory_space<hbm>> -> memref<1x32768xf32, #tpu.memory_space<hbm>>
    %dma_start3A_23 = tpu.memref_squeeze %dma_start3A_22 : memref<1x32768xf32, #tpu.memory_space<hbm>> -> memref<32768xf32, #tpu.memory_space<hbm>>
    tpu.enqueue_dma source(%dma_start3A_23 : memref<32768xf32, #tpu.memory_space<hbm>>) target(%dma_start3A_20 : memref<32768xf32, #tpu.memory_space<vmem>>) target_semaphore(%arg14 : memref<!tpu.dma_semaphore, #tpu.memory_space<semaphore_mem>>)
    %scan3A = arith.constant 0 : i32
    %scan3A_24 = arith.constant 0 : i32
    %scan3A_25 = arith.constant 2 : i32
    %scan3A_26 = arith.addi %scan3A_24, %scan3A_25 : i32
    %scan3A_27 = arith.constant 1 : i32
    %scan3A_28 = scf.for %scan3A_34 = %scan3A_24 to %scan3A_26 step %scan3A_27 iter_args(%scan3A_35 = %scan3A) -> (i32)  : i32 {
      %mul3A_36 = arith.constant 2 : i32
      %mul3A_37 = arith.muli %mul3A_36, %scan3A_34 : i32
      %add3A_38 = arith.constant 0 : i32
      %add3A_39 = arith.addi %mul3A_37, %add3A_38 : i32
      %dma_wait3A = arith.constant 0 : i32
      %dma_wait3A_40 = tpu.memref_slice %arg5[%dma_wait3A] : memref<65536xf32, #tpu.memory_space<vmem>> -> memref<32768xf32, #tpu.memory_space<vmem>>
      %dma_wait3A_41 = arith.constant 0 : i32
      %dma_wait3A_42 = tpu.memref_slice %arg2[%mul3A_2, %dma_wait3A_41] : memref<128x32768xf32, #tpu.memory_space<hbm>> -> memref<1x32768xf32, #tpu.memory_space<hbm>>
      %dma_wait3A_43 = tpu.memref_squeeze %dma_wait3A_42 : memref<1x32768xf32, #tpu.memory_space<hbm>> -> memref<32768xf32, #tpu.memory_space<hbm>>
      %dma_wait3A_44 = arith.constant 0 : i32
      %dma_wait3A_45 = tpu.memref_slice %arg5[%dma_wait3A_44] : memref<65536xf32, #tpu.memory_space<vmem>> -> memref<32768xf32, #tpu.memory_space<vmem>>
      %dma_wait3A_46 = arith.constant 0 : i32
      %dma_wait3A_47 = tpu.memref_slice %arg2[%mul3A_2, %dma_wait3A_46] : memref<128x32768xf32, #tpu.memory_space<hbm>> -> memref<1x32768xf32, #tpu.memory_space<hbm>>
      %dma_wait3A_48 = tpu.memref_squeeze %dma_wait3A_47 : memref<1x32768xf32, #tpu.memory_space<hbm>> -> memref<32768xf32, #tpu.memory_space<hbm>>
      tpu.wait_dma2 semaphore(%arg13 : memref<!tpu.dma_semaphore, #tpu.memory_space<semaphore_mem>>) src(%dma_wait3A_48 : memref<32768xf32, #tpu.memory_space<hbm>>) dst(%dma_wait3A_45 : memref<32768xf32, #tpu.memory_space<vmem>>)
      %broadcast_in_dim3A = arith.constant 0xFF800000 : f32
      %broadcast_in_dim3A_49 = vector.broadcast %broadcast_in_dim3A : f32 to vector<16xf32>
      %broadcast_in_dim3A_50 = arith.constant 0.000000e+00 : f32
      %broadcast_in_dim3A_51 = vector.broadcast %broadcast_in_dim3A_50 : f32 to vector<16xf32>
      %broadcast_in_dim3A_52 = arith.constant 0.000000e+00 : f32
      %broadcast_in_dim3A_53 = vector.broadcast %broadcast_in_dim3A_52 : f32 to vector<16xf32>
      %broadcast_in_dim3A_54 = arith.constant 0.000000e+00 : f32
      %broadcast_in_dim3A_55 = vector.broadcast %broadcast_in_dim3A_54 : f32 to vector<16xf32>
      %broadcast_in_dim3A_56 = arith.constant 0.000000e+00 : f32
      %broadcast_in_dim3A_57 = vector.broadcast %broadcast_in_dim3A_56 : f32 to vector<16xf32>
      %broadcast_in_dim3A_58 = arith.constant 0.000000e+00 : f32
      %broadcast_in_dim3A_59 = vector.broadcast %broadcast_in_dim3A_58 : f32 to vector<16xf32>
      %broadcast_in_dim3A_60 = arith.constant 0.000000e+00 : f32
      %broadcast_in_dim3A_61 = vector.broadcast %broadcast_in_dim3A_60 : f32 to vector<16xf32>
      %broadcast_in_dim3A_62 = arith.constant 0.000000e+00 : f32
      %broadcast_in_dim3A_63 = vector.broadcast %broadcast_in_dim3A_62 : f32 to vector<16xf32>
      %broadcast_in_dim3A_64 = arith.constant 0.000000e+00 : f32
      %broadcast_in_dim3A_65 = vector.broadcast %broadcast_in_dim3A_64 : f32 to vector<16xf32>
      %parallel_loop3A = arith.constant 0 : i32
      %parallel_loop3A_66 = arith.constant 256 : i32
      %parallel_loop3A_67 = arith.constant 1 : i32
      %parallel_loop3A_68:9 = scf.for %parallel_loop3A_230 = %parallel_loop3A to %parallel_loop3A_66 step %parallel_loop3A_67 iter_args(%parallel_loop3A_231 = %broadcast_in_dim3A_49, %parallel_loop3A_232 = %broadcast_in_dim3A_51, %parallel_loop3A_233 = %broadcast_in_dim3A_53, %parallel_loop3A_234 = %broadcast_in_dim3A_55, %parallel_loop3A_235 = %broadcast_in_dim3A_57, %parallel_loop3A_236 = %broadcast_in_dim3A_59, %parallel_loop3A_237 = %broadcast_in_dim3A_61, %parallel_loop3A_238 = %broadcast_in_dim3A_63, %parallel_loop3A_239 = %broadcast_in_dim3A_65) -> (vector<16xf32>, vector<16xf32>, vector<16xf32>, vector<16xf32>, vector<16xf32>, vector<16xf32>, vector<16xf32>, vector<16xf32>, vector<16xf32>)  : i32 {
        %parallel_loop3A_240 = arith.constant 8 : i32
        %parallel_loop3A_241 = arith.muli %parallel_loop3A_230, %parallel_loop3A_240 : i32
        %parallel_loop3A_242 = arith.constant 0 : i32
        %parallel_loop3A_243 = arith.addi %parallel_loop3A_241, %parallel_loop3A_242 : i32
        %parallel_loop3A_244 = arith.constant 16 : i32
        %parallel_loop3A_245 = arith.muli %parallel_loop3A_243, %parallel_loop3A_244 : i32
        %parallel_loop3A_246 = arith.constant 0 : i32
        %parallel_loop3A_247 = arith.addi %parallel_loop3A_246, %parallel_loop3A_245 : i32
        %parallel_loop3A_248 = arith.index_cast %parallel_loop3A_247 : i32 to index
        %parallel_loop3A_249 = tpu.vector_load %arg5[%parallel_loop3A_248] {strides = array<i32>} : memref<65536xf32, #tpu.memory_space<vmem>>, vector<16xf32>,
        %parallel_loop3A_250 = arith.constant 8 : i32
        %parallel_loop3A_251 = arith.muli %parallel_loop3A_230, %parallel_loop3A_250 : i32
        %parallel_loop3A_252 = arith.constant 1 : i32
        %parallel_loop3A_253 = arith.addi %parallel_loop3A_251, %parallel_loop3A_252 : i32
        %parallel_loop3A_254 = arith.constant 16 : i32
        %parallel_loop3A_255 = arith.muli %parallel_loop3A_253, %parallel_loop3A_254 : i32
        %parallel_loop3A_256 = arith.constant 0 : i32
        %parallel_loop3A_257 = arith.addi %parallel_loop3A_256, %parallel_loop3A_255 : i32
        %parallel_loop3A_258 = arith.index_cast %parallel_loop3A_257 : i32 to index
        %parallel_loop3A_259 = tpu.vector_load %arg5[%parallel_loop3A_258] {strides = array<i32>} : memref<65536xf32, #tpu.memory_space<vmem>>, vector<16xf32>,
        %parallel_loop3A_260 = arith.constant 8 : i32
        %parallel_loop3A_261 = arith.muli %parallel_loop3A_230, %parallel_loop3A_260 : i32
        %parallel_loop3A_262 = arith.constant 2 : i32
        %parallel_loop3A_263 = arith.addi %parallel_loop3A_261, %parallel_loop3A_262 : i32
        %parallel_loop3A_264 = arith.constant 16 : i32
        %parallel_loop3A_265 = arith.muli %parallel_loop3A_263, %parallel_loop3A_264 : i32
        %parallel_loop3A_266 = arith.constant 0 : i32
        %parallel_loop3A_267 = arith.addi %parallel_loop3A_266, %parallel_loop3A_265 : i32
        %parallel_loop3A_268 = arith.index_cast %parallel_loop3A_267 : i32 to index
        %parallel_loop3A_269 = tpu.vector_load %arg5[%parallel_loop3A_268] {strides = array<i32>} : memref<65536xf32, #tpu.memory_space<vmem>>, vector<16xf32>,
        %parallel_loop3A_270 = arith.constant 8 : i32
        %parallel_loop3A_271 = arith.muli %parallel_loop3A_230, %parallel_loop3A_270 : i32
        %parallel_loop3A_272 = arith.constant 3 : i32
        %parallel_loop3A_273 = arith.addi %parallel_loop3A_271, %parallel_loop3A_272 : i32
        %parallel_loop3A_274 = arith.constant 16 : i32
        %parallel_loop3A_275 = arith.muli %parallel_loop3A_273, %parallel_loop3A_274 : i32
        %parallel_loop3A_276 = arith.constant 0 : i32
        %parallel_loop3A_277 = arith.addi %parallel_loop3A_276, %parallel_loop3A_275 : i32
        %parallel_loop3A_278 = arith.index_cast %parallel_loop3A_277 : i32 to index
        %parallel_loop3A_279 = tpu.vector_load %arg5[%parallel_loop3A_278] {strides = array<i32>} : memref<65536xf32, #tpu.memory_space<vmem>>, vector<16xf32>,
        %parallel_loop3A_280 = arith.constant 8 : i32
        %parallel_loop3A_281 = arith.muli %parallel_loop3A_230, %parallel_loop3A_280 : i32
        %parallel_loop3A_282 = arith.constant 4 : i32
        %parallel_loop3A_283 = arith.addi %parallel_loop3A_281, %parallel_loop3A_282 : i32
        %parallel_loop3A_284 = arith.constant 16 : i32
        %parallel_loop3A_285 = arith.muli %parallel_loop3A_283, %parallel_loop3A_284 : i32
        %parallel_loop3A_286 = arith.constant 0 : i32
        %parallel_loop3A_287 = arith.addi %parallel_loop3A_286, %parallel_loop3A_285 : i32
        %parallel_loop3A_288 = arith.index_cast %parallel_loop3A_287 : i32 to index
        %parallel_loop3A_289 = tpu.vector_load %arg5[%parallel_loop3A_288] {strides = array<i32>} : memref<65536xf32, #tpu.memory_space<vmem>>, vector<16xf32>,
        %parallel_loop3A_290 = arith.constant 8 : i32
        %parallel_loop3A_291 = arith.muli %parallel_loop3A_230, %parallel_loop3A_290 : i32
        %parallel_loop3A_292 = arith.constant 5 : i32
        %parallel_loop3A_293 = arith.addi %parallel_loop3A_291, %parallel_loop3A_292 : i32
        %parallel_loop3A_294 = arith.constant 16 : i32
        %parallel_loop3A_295 = arith.muli %parallel_loop3A_293, %parallel_loop3A_294 : i32
        %parallel_loop3A_296 = arith.constant 0 : i32
        %parallel_loop3A_297 = arith.addi %parallel_loop3A_296, %parallel_loop3A_295 : i32
        %parallel_loop3A_298 = arith.index_cast %parallel_loop3A_297 : i32 to index
        %parallel_loop3A_299 = tpu.vector_load %arg5[%parallel_loop3A_298] {strides = array<i32>} : memref<65536xf32, #tpu.memory_space<vmem>>, vector<16xf32>,
        %parallel_loop3A_300 = arith.constant 8 : i32
        %parallel_loop3A_301 = arith.muli %parallel_loop3A_230, %parallel_loop3A_300 : i32
        %parallel_loop3A_302 = arith.constant 6 : i32
        %parallel_loop3A_303 = arith.addi %parallel_loop3A_301, %parallel_loop3A_302 : i32
        %parallel_loop3A_304 = arith.constant 16 : i32
        %parallel_loop3A_305 = arith.muli %parallel_loop3A_303, %parallel_loop3A_304 : i32
        %parallel_loop3A_306 = arith.constant 0 : i32
        %parallel_loop3A_307 = arith.addi %parallel_loop3A_306, %parallel_loop3A_305 : i32
        %parallel_loop3A_308 = arith.index_cast %parallel_loop3A_307 : i32 to index
        %parallel_loop3A_309 = tpu.vector_load %arg5[%parallel_loop3A_308] {strides = array<i32>} : memref<65536xf32, #tpu.memory_space<vmem>>, vector<16xf32>,
        %parallel_loop3A_310 = arith.constant 8 : i32
        %parallel_loop3A_311 = arith.muli %parallel_loop3A_230, %parallel_loop3A_310 : i32
        %parallel_loop3A_312 = arith.constant 7 : i32
        %parallel_loop3A_313 = arith.addi %parallel_loop3A_311, %parallel_loop3A_312 : i32
        %parallel_loop3A_314 = arith.constant 16 : i32
        %parallel_loop3A_315 = arith.muli %parallel_loop3A_313, %parallel_loop3A_314 : i32
        %parallel_loop3A_316 = arith.constant 0 : i32
        %parallel_loop3A_317 = arith.addi %parallel_loop3A_316, %parallel_loop3A_315 : i32
        %parallel_loop3A_318 = arith.index_cast %parallel_loop3A_317 : i32 to index
        %parallel_loop3A_319 = tpu.vector_load %arg5[%parallel_loop3A_318] {strides = array<i32>} : memref<65536xf32, #tpu.memory_space<vmem>>, vector<16xf32>,
        %parallel_loop3A_320 = math.exp %parallel_loop3A_249 : vector<16xf32>
        %parallel_loop3A_321 = arith.addf %parallel_loop3A_232, %parallel_loop3A_320 : vector<16xf32>
        %parallel_loop3A_322 = math.exp %parallel_loop3A_259 : vector<16xf32>
        %parallel_loop3A_323 = arith.addf %parallel_loop3A_233, %parallel_loop3A_322 : vector<16xf32>
        %parallel_loop3A_324 = math.exp %parallel_loop3A_269 : vector<16xf32>
        %parallel_loop3A_325 = arith.addf %parallel_loop3A_234, %parallel_loop3A_324 : vector<16xf32>
        %parallel_loop3A_326 = math.exp %parallel_loop3A_279 : vector<16xf32>
        %parallel_loop3A_327 = arith.addf %parallel_loop3A_235, %parallel_loop3A_326 : vector<16xf32>
        %parallel_loop3A_328 = math.exp %parallel_loop3A_289 : vector<16xf32>
        %parallel_loop3A_329 = arith.addf %parallel_loop3A_236, %parallel_loop3A_328 : vector<16xf32>
        %parallel_loop3A_330 = math.exp %parallel_loop3A_299 : vector<16xf32>
        %parallel_loop3A_331 = arith.addf %parallel_loop3A_237, %parallel_loop3A_330 : vector<16xf32>
        %parallel_loop3A_332 = math.exp %parallel_loop3A_309 : vector<16xf32>
        %parallel_loop3A_333 = arith.addf %parallel_loop3A_238, %parallel_loop3A_332 : vector<16xf32>
        %parallel_loop3A_334 = math.exp %parallel_loop3A_319 : vector<16xf32>
        %parallel_loop3A_335 = arith.addf %parallel_loop3A_239, %parallel_loop3A_334 : vector<16xf32>
        %parallel_loop3A_336 = arith.maximumf %parallel_loop3A_249, %parallel_loop3A_259 : vector<16xf32>
        %parallel_loop3A_337 = arith.maximumf %parallel_loop3A_269, %parallel_loop3A_279 : vector<16xf32>
        %parallel_loop3A_338 = arith.maximumf %parallel_loop3A_289, %parallel_loop3A_299 : vector<16xf32>
        %parallel_loop3A_339 = arith.maximumf %parallel_loop3A_309, %parallel_loop3A_319 : vector<16xf32>
        %parallel_loop3A_340 = arith.maximumf %parallel_loop3A_336, %parallel_loop3A_337 : vector<16xf32>
        %parallel_loop3A_341 = arith.maximumf %parallel_loop3A_338, %parallel_loop3A_339 : vector<16xf32>
        %parallel_loop3A_342 = arith.maximumf %parallel_loop3A_340, %parallel_loop3A_341 : vector<16xf32>
        %parallel_loop3A_343 = arith.constant 16 : i32
        %parallel_loop3A_344 = arith.muli %parallel_loop3A_230, %parallel_loop3A_343 : i32
        %parallel_loop3A_345 = arith.index_cast %parallel_loop3A_344 : i32 to index
        %parallel_loop3A_346 = tpu.vector_load %arg6[%parallel_loop3A_345] {strides = array<i32>} : memref<4096xf32, #tpu.memory_space<vmem>>, vector<16xf32>,
        tpu.vector_store %arg6[%parallel_loop3A_345], %parallel_loop3A_342 {strides = array<i32>} : memref<4096xf32, #tpu.memory_space<vmem>>, vector<16xf32>,
        %parallel_loop3A_347 = arith.maximumf %parallel_loop3A_231, %parallel_loop3A_342 : vector<16xf32>
        scf.yield %parallel_loop3A_347, %parallel_loop3A_321, %parallel_loop3A_323, %parallel_loop3A_325, %parallel_loop3A_327, %parallel_loop3A_329, %parallel_loop3A_331, %parallel_loop3A_333, %parallel_loop3A_335 : vector<16xf32>, vector<16xf32>, vector<16xf32>, vector<16xf32>, vector<16xf32>, vector<16xf32>, vector<16xf32>, vector<16xf32>, vector<16xf32>
      } {sc.loop_unroll_factor = 2 : i64, sc.parallel_access}
      %add3A_69 = arith.addf %parallel_loop3A_68#1, %parallel_loop3A_68#2 : vector<16xf32>
      %add3A_70 = arith.addf %parallel_loop3A_68#3, %parallel_loop3A_68#4 : vector<16xf32>
      %add3A_71 = arith.addf %parallel_loop3A_68#5, %parallel_loop3A_68#6 : vector<16xf32>
      %add3A_72 = arith.addf %parallel_loop3A_68#7, %parallel_loop3A_68#8 : vector<16xf32>
      %add3A_73 = arith.addf %add3A_69, %add3A_70 : vector<16xf32>
      %add3A_74 = arith.addf %add3A_71, %add3A_72 : vector<16xf32>
      %add3A_75 = arith.addf %add3A_73, %add3A_74 : vector<16xf32>
      %reduce_sum3A = arith.constant true
      %reduce_sum3A_76 = vector.broadcast %reduce_sum3A : i1 to vector<16xi1>
      %reduce_sum3A_77 = tpu.scan <sum>, %add3A_75 masked %reduce_sum3A_76 : vector<16xf32>, vector<16xi1> -> vector<16xf32>
      %reduce_sum3A_78 = vector.extract %reduce_sum3A_77[15] : f32 from vector<16xf32>
      %broadcast_in_dim3A_79 = vector.broadcast %reduce_sum3A_78 : f32 to vector<16xf32>
      %masked_sort3A = arith.constant dense<true> : vector<16xi1>
      %masked_sort3A_80, %masked_sort3A_81, %masked_sort3A_82 = tpu.sort %parallel_loop3A_68#0, %iota3A masked %masked_sort3A {descending = true} : (vector<16xf32>, vector<16xi32>, vector<16xi1>) -> (vector<16xi1>, vector<16xf32>, vector<16xi32>)
      %eq3A = arith.constant 7 : i32
      %eq3A_83 = vector.broadcast %eq3A : i32 to vector<16xi32>
      %eq3A_84 = arith.cmpi eq, %iota3A, %eq3A_83 : vector<16xi32>
      %jit3A = arith.constant 0xFF800000 : f32
      %broadcast_in_dim3A_85 = vector.broadcast %jit3A : f32 to vector<16xf32>
      %select_n3A = arith.select %eq3A_84, %masked_sort3A_81, %broadcast_in_dim3A_85 : vector<16xi1>, vector<16xf32>
      %reduce_max3A = arith.constant true
      %reduce_max3A_86 = vector.broadcast %reduce_max3A : i1 to vector<16xi1>
      %reduce_max3A_87 = tpu.scan <max>, %select_n3A masked %reduce_max3A_86 : vector<16xf32>, vector<16xi1> -> vector<16xf32>
      %reduce_max3A_88 = vector.extract %reduce_max3A_87[15] : f32 from vector<16xf32>
      %broadcast_in_dim3A_89 = vector.broadcast %reduce_max3A_88 : f32 to vector<16xf32>
      %swap3A = arith.constant 0 : i32
      %swap3A_90 = arith.constant 0 : i32
      %swap3A_91 = arith.index_cast %swap3A_90 : i32 to index
      %swap3A_92 = memref.load %arg12[%swap3A_91] : memref<2xi32, #tpu.memory_space<smem>>
      memref.store %swap3A, %arg12[%swap3A_91] : memref<2xi32, #tpu.memory_space<smem>>
      %swap3A_93 = arith.constant 0 : i32
      %swap3A_94 = arith.constant 1 : i32
      %swap3A_95 = arith.index_cast %swap3A_94 : i32 to index
      %swap3A_96 = memref.load %arg12[%swap3A_95] : memref<2xi32, #tpu.memory_space<smem>>
      memref.store %swap3A_93, %arg12[%swap3A_95] : memref<2xi32, #tpu.memory_space<smem>>
      %scan3A_97 = arith.constant 0 : i32
      %scan3A_98 = arith.constant 0 : i32
      %scan3A_99 = arith.constant 32 : i32
      %scan3A_100 = arith.addi %scan3A_98, %scan3A_99 : i32
      %scan3A_101 = arith.constant 1 : i32
      scf.for %scan3A_230 = %scan3A_98 to %scan3A_100 step %scan3A_101  : i32 {
        %mul3A_231 = arith.constant 8 : i32
        %mul3A_232 = arith.muli %scan3A_230, %mul3A_231 : i32
        %add3A_233 = arith.constant 0 : i32
        %add3A_234 = arith.addi %mul3A_232, %add3A_233 : i32
        %mul3A_235 = arith.constant 16 : i32
        %mul3A_236 = arith.muli %add3A_234, %mul3A_235 : i32
        %get3A_237 = arith.index_cast %mul3A_236 : i32 to index
        %get3A_238 = tpu.vector_load %arg6[%get3A_237] {strides = array<i32>} : memref<4096xf32, #tpu.memory_space<vmem>>, vector<16xf32>,
        %ge3A = arith.cmpf oge, %get3A_238, %broadcast_in_dim3A_89 : vector<16xf32>
        %mul3A_239 = arith.constant 8 : i32
        %mul3A_240 = arith.muli %scan3A_230, %mul3A_239 : i32
        %add3A_241 = arith.constant 1 : i32
        %add3A_242 = arith.addi %mul3A_240, %add3A_241 : i32
        %mul3A_243 = arith.constant 16 : i32
        %mul3A_244 = arith.muli %add3A_242, %mul3A_243 : i32
        %get3A_245 = arith.index_cast %mul3A_244 : i32 to index
        %get3A_246 = tpu.vector_load %arg6[%get3A_245] {strides = array<i32>} : memref<4096xf32, #tpu.memory_space<vmem>>, vector<16xf32>,
        %ge3A_247 = arith.cmpf oge, %get3A_246, %broadcast_in_dim3A_89 : vector<16xf32>
        %or3A = arith.ori %ge3A, %ge3A_247 : vector<16xi1>
        %mul3A_248 = arith.constant 8 : i32
        %mul3A_249 = arith.muli %scan3A_230, %mul3A_248 : i32
        %add3A_250 = arith.constant 2 : i32
        %add3A_251 = arith.addi %mul3A_249, %add3A_250 : i32
        %mul3A_252 = arith.constant 16 : i32
        %mul3A_253 = arith.muli %add3A_251, %mul3A_252 : i32
        %get3A_254 = arith.index_cast %mul3A_253 : i32 to index
        %get3A_255 = tpu.vector_load %arg6[%get3A_254] {strides = array<i32>} : memref<4096xf32, #tpu.memory_space<vmem>>, vector<16xf32>,
        %ge3A_256 = arith.cmpf oge, %get3A_255, %broadcast_in_dim3A_89 : vector<16xf32>
        %or3A_257 = arith.ori %or3A, %ge3A_256 : vector<16xi1>
        %mul3A_258 = arith.constant 8 : i32
        %mul3A_259 = arith.muli %scan3A_230, %mul3A_258 : i32
        %add3A_260 = arith.constant 3 : i32
        %add3A_261 = arith.addi %mul3A_259, %add3A_260 : i32
        %mul3A_262 = arith.constant 16 : i32
        %mul3A_263 = arith.muli %add3A_261, %mul3A_262 : i32
        %get3A_264 = arith.index_cast %mul3A_263 : i32 to index
        %get3A_265 = tpu.vector_load %arg6[%get3A_264] {strides = array<i32>} : memref<4096xf32, #tpu.memory_space<vmem>>, vector<16xf32>,
        %ge3A_266 = arith.cmpf oge, %get3A_265, %broadcast_in_dim3A_89 : vector<16xf32>
        %or3A_267 = arith.ori %or3A_257, %ge3A_266 : vector<16xi1>
        %mul3A_268 = arith.constant 8 : i32
        %mul3A_269 = arith.muli %scan3A_230, %mul3A_268 : i32
        %add3A_270 = arith.constant 4 : i32
        %add3A_271 = arith.addi %mul3A_269, %add3A_270 : i32
        %mul3A_272 = arith.constant 16 : i32
        %mul3A_273 = arith.muli %add3A_271, %mul3A_272 : i32
        %get3A_274 = arith.index_cast %mul3A_273 : i32 to index
        %get3A_275 = tpu.vector_load %arg6[%get3A_274] {strides = array<i32>} : memref<4096xf32, #tpu.memory_space<vmem>>, vector<16xf32>,
        %ge3A_276 = arith.cmpf oge, %get3A_275, %broadcast_in_dim3A_89 : vector<16xf32>
        %or3A_277 = arith.ori %or3A_267, %ge3A_276 : vector<16xi1>
        %mul3A_278 = arith.constant 8 : i32
        %mul3A_279 = arith.muli %scan3A_230, %mul3A_278 : i32
        %add3A_280 = arith.constant 5 : i32
        %add3A_281 = arith.addi %mul3A_279, %add3A_280 : i32
        %mul3A_282 = arith.constant 16 : i32
        %mul3A_283 = arith.muli %add3A_281, %mul3A_282 : i32
        %get3A_284 = arith.index_cast %mul3A_283 : i32 to index
        %get3A_285 = tpu.vector_load %arg6[%get3A_284] {strides = array<i32>} : memref<4096xf32, #tpu.memory_space<vmem>>, vector<16xf32>,
        %ge3A_286 = arith.cmpf oge, %get3A_285, %broadcast_in_dim3A_89 : vector<16xf32>
        %or3A_287 = arith.ori %or3A_277, %ge3A_286 : vector<16xi1>
        %mul3A_288 = arith.constant 8 : i32
        %mul3A_289 = arith.muli %scan3A_230, %mul3A_288 : i32
        %add3A_290 = arith.constant 6 : i32
        %add3A_291 = arith.addi %mul3A_289, %add3A_290 : i32
        %mul3A_292 = arith.constant 16 : i32
        %mul3A_293 = arith.muli %add3A_291, %mul3A_292 : i32
        %get3A_294 = arith.index_cast %mul3A_293 : i32 to index
        %get3A_295 = tpu.vector_load %arg6[%get3A_294] {strides = array<i32>} : memref<4096xf32, #tpu.memory_space<vmem>>, vector<16xf32>,
        %ge3A_296 = arith.cmpf oge, %get3A_295, %broadcast_in_dim3A_89 : vector<16xf32>
        %or3A_297 = arith.ori %or3A_287, %ge3A_296 : vector<16xi1>
        %mul3A_298 = arith.constant 8 : i32
        %mul3A_299 = arith.muli %scan3A_230, %mul3A_298 : i32
        %add3A_300 = arith.constant 7 : i32
        %add3A_301 = arith.addi %mul3A_299, %add3A_300 : i32
        %mul3A_302 = arith.constant 16 : i32
        %mul3A_303 = arith.muli %add3A_301, %mul3A_302 : i32
        %get3A_304 = arith.index_cast %mul3A_303 : i32 to index
        %get3A_305 = tpu.vector_load %arg6[%get3A_304] {strides = array<i32>} : memref<4096xf32, #tpu.memory_space<vmem>>, vector<16xf32>,
        %ge3A_306 = arith.cmpf oge, %get3A_305, %broadcast_in_dim3A_89 : vector<16xf32>
        %or3A_307 = arith.ori %or3A_297, %ge3A_306 : vector<16xi1>
        %all_reduce_population_count3A = tpu.all_reduce %or3A_307 {dim = 0 : i64, kind = #tpu.reduction_kind<sum>} : vector<16xi1> -> vector<16xi32>
        %slice3A = vector.extract_strided_slice %all_reduce_population_count3A {offsets = [0], sizes = [1], strides = [1]} : vector<16xi32> to vector<1xi32>
        %squeeze3A = vector.extract %slice3A[0] : i32 from vector<1xi32>
        %gt3A = arith.constant 0 : i32
        %gt3A_308 = arith.cmpi sgt, %squeeze3A, %gt3A : i32
        %convert_element_type3A_309 = arith.extui %gt3A_308 : i1 to i32
        %cond3A_310 = arith.constant 0 : i32
        %cond3A_311 = arith.cmpi ne, %convert_element_type3A_309, %cond3A_310 : i32
        scf.if %cond3A_311 {
          %all_reduce_population_count3A_312 = tpu.all_reduce %ge3A {dim = 0 : i64, kind = #tpu.reduction_kind<sum>} : vector<16xi1> -> vector<16xi32>
          %slice3A_313 = vector.extract_strided_slice %all_reduce_population_count3A_312 {offsets = [0], sizes = [1], strides = [1]} : vector<16xi32> to vector<1xi32>
          %squeeze3A_314 = vector.extract %slice3A_313[0] : i32 from vector<1xi32>
          %gt3A_315 = arith.constant 0 : i32
          %gt3A_316 = arith.cmpi sgt, %squeeze3A_314, %gt3A_315 : i32
          %convert_element_type3A_317 = arith.extui %gt3A_316 : i1 to i32
          %cond3A_318 = arith.constant 0 : i32
          %cond3A_319 = arith.cmpi ne, %convert_element_type3A_317, %cond3A_318 : i32
          scf.if %cond3A_319 {
            %mul3A_376 = arith.constant 8 : i32
            %mul3A_377 = arith.muli %scan3A_230, %mul3A_376 : i32
            %add3A_378 = arith.constant 0 : i32
            %add3A_379 = arith.addi %mul3A_377, %add3A_378 : i32
            %get3A_380 = arith.constant 0 : i32
            %get3A_381 = arith.index_cast %get3A_380 : i32 to index
            %get3A_382 = memref.load %arg12[%get3A_381] : memref<2xi32, #tpu.memory_space<smem>>
            %add3A_383 = arith.constant 128 : i32
            %add3A_384 = arith.addi %get3A_382, %add3A_383 : i32
            %le3A = arith.constant 2048 : i32
            %le3A_385 = arith.cmpi sle, %add3A_384, %le3A : i32
            %convert_element_type3A_386 = arith.extui %le3A_385 : i1 to i32
            %cond3A_387 = arith.constant 0 : i32
            %cond3A_388 = arith.cmpi ne, %convert_element_type3A_386, %cond3A_387 : i32
            scf.if %cond3A_388 {
              %scan3A_399 = arith.constant 0 : i32
              %scan3A_400 = arith.constant 0 : i32
              %scan3A_401 = arith.constant 8 : i32
              %scan3A_402 = arith.addi %scan3A_400, %scan3A_401 : i32
              %scan3A_403 = arith.constant 1 : i32
              scf.for %scan3A_405 = %scan3A_400 to %scan3A_402 step %scan3A_403  : i32 {
                %mul3A_406 = arith.constant 8 : i32
                %mul3A_407 = arith.muli %add3A_379, %mul3A_406 : i32
                %add3A_408 = arith.addi %mul3A_407, %scan3A_405 : i32
                %mul3A_409 = arith.constant 16 : i32
                %mul3A_410 = arith.muli %add3A_408, %mul3A_409 : i32
                %add3A_411 = arith.constant 0 : i32
                %add3A_412 = arith.addi %add3A_411, %mul3A_410 : i32
                %get3A_413 = arith.index_cast %add3A_412 : i32 to index
                %get3A_414 = tpu.vector_load %arg5[%get3A_413] {strides = array<i32>} : memref<65536xf32, #tpu.memory_space<vmem>>, vector<16xf32>,
                %ge3A_415 = arith.cmpf oge, %get3A_414, %broadcast_in_dim3A_89 : vector<16xf32>
                %all_reduce_population_count3A_416 = tpu.all_reduce %ge3A_415 {dim = 0 : i64, kind = #tpu.reduction_kind<sum>} : vector<16xi1> -> vector<16xi32>
                %slice3A_417 = vector.extract_strided_slice %all_reduce_population_count3A_416 {offsets = [0], sizes = [1], strides = [1]} : vector<16xi32> to vector<1xi32>
                %squeeze3A_418 = vector.extract %slice3A_417[0] : i32 from vector<1xi32>
                %get3A_419 = arith.constant 0 : i32
                %get3A_420 = arith.index_cast %get3A_419 : i32 to index
                %get3A_421 = memref.load %arg12[%get3A_420] : memref<2xi32, #tpu.memory_space<smem>>
                %swap3A_422 = arith.index_cast %get3A_421 : i32 to index
                %swap3A_423 = tpu.vector_load %arg7[%swap3A_422] masked %ge3A_415 {strides = array<i32>} : memref<2064xf32, #tpu.memory_space<vmem>>, vector<16xf32>, vector<16xi1>
                tpu.vector_store %arg7[%swap3A_422], %get3A_414 masked %ge3A_415 {strides = array<i32>} : memref<2064xf32, #tpu.memory_space<vmem>>, vector<16xf32>, vector<16xi1>
                %add3A_424 = vector.broadcast %mul3A_410 : i32 to vector<16xi32>
                %add3A_425 = arith.addi %add3A_424, %iota3A : vector<16xi32>
                %swap3A_426 = arith.index_cast %get3A_421 : i32 to index
                %swap3A_427 = tpu.vector_load %arg8[%swap3A_426] masked %ge3A_415 {strides = array<i32>} : memref<2064xi32, #tpu.memory_space<vmem>>, vector<16xi32>, vector<16xi1>
                tpu.vector_store %arg8[%swap3A_426], %add3A_425 masked %ge3A_415 {strides = array<i32>} : memref<2064xi32, #tpu.memory_space<vmem>>, vector<16xi32>, vector<16xi1>
                %add3A_428 = arith.addi %get3A_421, %squeeze3A_418 : i32
                %swap3A_429 = arith.constant 0 : i32
                %swap3A_430 = arith.index_cast %swap3A_429 : i32 to index
                %swap3A_431 = memref.load %arg12[%swap3A_430] : memref<2xi32, #tpu.memory_space<smem>>
                memref.store %add3A_428, %arg12[%swap3A_430] : memref<2xi32, #tpu.memory_space<smem>>
                %get3A_432 = arith.constant 1 : i32
                %get3A_433 = arith.index_cast %get3A_432 : i32 to index
                %get3A_434 = memref.load %arg12[%get3A_433] : memref<2xi32, #tpu.memory_space<smem>>
                %add3A_435 = arith.addi %get3A_434, %squeeze3A_418 : i32
                %swap3A_436 = arith.constant 1 : i32
                %swap3A_437 = arith.index_cast %swap3A_436 : i32 to index
                %swap3A_438 = memref.load %arg12[%swap3A_437] : memref<2xi32, #tpu.memory_space<smem>>
                memref.store %add3A_435, %arg12[%swap3A_437] : memref<2xi32, #tpu.memory_space<smem>>
              }
              %scan3A_404 = arith.constant 8 : i32
            } else {
            }
            %get3A_389 = arith.constant 0 : i32
            %get3A_390 = arith.index_cast %get3A_389 : i32 to index
            %get3A_391 = memref.load %arg12[%get3A_390] : memref<2xi32, #tpu.memory_space<smem>>
            %add3A_392 = arith.constant 128 : i32
            %add3A_393 = arith.addi %get3A_391, %add3A_392 : i32
            %gt3A_394 = arith.constant 2048 : i32
            %gt3A_395 = arith.cmpi sgt, %add3A_393, %gt3A_394 : i32
            %convert_element_type3A_396 = arith.extui %gt3A_395 : i1 to i32
            %cond3A_397 = arith.constant 0 : i32
            %cond3A_398 = arith.cmpi ne, %convert_element_type3A_396, %cond3A_397 : i32
            scf.if %cond3A_398 {
              %get3A_399 = arith.constant 1 : i32
              %get3A_400 = arith.index_cast %get3A_399 : i32 to index
              %get3A_401 = memref.load %arg12[%get3A_400] : memref<2xi32, #tpu.memory_space<smem>>
              %add3A_402 = arith.constant 1 : i32
              %add3A_403 = arith.addi %get3A_401, %add3A_402 : i32
              %swap3A_404 = arith.constant 1 : i32
              %swap3A_405 = arith.index_cast %swap3A_404 : i32 to index
              %swap3A_406 = memref.load %arg12[%swap3A_405] : memref<2xi32, #tpu.memory_space<smem>>
              memref.store %add3A_403, %arg12[%swap3A_405] : memref<2xi32, #tpu.memory_space<smem>>
            } else {
            }
          } else {
          }
          %all_reduce_population_count3A_320 = tpu.all_reduce %ge3A_247 {dim = 0 : i64, kind = #tpu.reduction_kind<sum>} : vector<16xi1> -> vector<16xi32>
          %slice3A_321 = vector.extract_strided_slice %all_reduce_population_count3A_320 {offsets = [0], sizes = [1], strides = [1]} : vector<16xi32> to vector<1xi32>
          %squeeze3A_322 = vector.extract %slice3A_321[0] : i32 from vector<1xi32>
          %gt3A_323 = arith.constant 0 : i32
          %gt3A_324 = arith.cmpi sgt, %squeeze3A_322, %gt3A_323 : i32
          %convert_element_type3A_325 = arith.extui %gt3A_324 : i1 to i32
          %cond3A_326 = arith.constant 0 : i32
          %cond3A_327 = arith.cmpi ne, %convert_element_type3A_325, %cond3A_326 : i32
          scf.if %cond3A_327 {
            %mul3A_376 = arith.constant 8 : i32
            %mul3A_377 = arith.muli %scan3A_230, %mul3A_376 : i32
            %add3A_378 = arith.constant 1 : i32
            %add3A_379 = arith.addi %mul3A_377, %add3A_378 : i32
            %get3A_380 = arith.constant 0 : i32
            %get3A_381 = arith.index_cast %get3A_380 : i32 to index
            %get3A_382 = memref.load %arg12[%get3A_381] : memref<2xi32, #tpu.memory_space<smem>>
            %add3A_383 = arith.constant 128 : i32
            %add3A_384 = arith.addi %get3A_382, %add3A_383 : i32
            %le3A = arith.constant 2048 : i32
            %le3A_385 = arith.cmpi sle, %add3A_384, %le3A : i32
            %convert_element_type3A_386 = arith.extui %le3A_385 : i1 to i32
            %cond3A_387 = arith.constant 0 : i32
            %cond3A_388 = arith.cmpi ne, %convert_element_type3A_386, %cond3A_387 : i32
            scf.if %cond3A_388 {
              %scan3A_399 = arith.constant 0 : i32
              %scan3A_400 = arith.constant 0 : i32
              %scan3A_401 = arith.constant 8 : i32
              %scan3A_402 = arith.addi %scan3A_400, %scan3A_401 : i32
              %scan3A_403 = arith.constant 1 : i32
              scf.for %scan3A_405 = %scan3A_400 to %scan3A_402 step %scan3A_403  : i32 {
                %mul3A_406 = arith.constant 8 : i32
                %mul3A_407 = arith.muli %add3A_379, %mul3A_406 : i32
                %add3A_408 = arith.addi %mul3A_407, %scan3A_405 : i32
                %mul3A_409 = arith.constant 16 : i32
                %mul3A_410 = arith.muli %add3A_408, %mul3A_409 : i32
                %add3A_411 = arith.constant 0 : i32
                %add3A_412 = arith.addi %add3A_411, %mul3A_410 : i32
                %get3A_413 = arith.index_cast %add3A_412 : i32 to index
                %get3A_414 = tpu.vector_load %arg5[%get3A_413] {strides = array<i32>} : memref<65536xf32, #tpu.memory_space<vmem>>, vector<16xf32>,
                %ge3A_415 = arith.cmpf oge, %get3A_414, %broadcast_in_dim3A_89 : vector<16xf32>
                %all_reduce_population_count3A_416 = tpu.all_reduce %ge3A_415 {dim = 0 : i64, kind = #tpu.reduction_kind<sum>} : vector<16xi1> -> vector<16xi32>
                %slice3A_417 = vector.extract_strided_slice %all_reduce_population_count3A_416 {offsets = [0], sizes = [1], strides = [1]} : vector<16xi32> to vector<1xi32>
                %squeeze3A_418 = vector.extract %slice3A_417[0] : i32 from vector<1xi32>
                %get3A_419 = arith.constant 0 : i32
                %get3A_420 = arith.index_cast %get3A_419 : i32 to index
                %get3A_421 = memref.load %arg12[%get3A_420] : memref<2xi32, #tpu.memory_space<smem>>
                %swap3A_422 = arith.index_cast %get3A_421 : i32 to index
                %swap3A_423 = tpu.vector_load %arg7[%swap3A_422] masked %ge3A_415 {strides = array<i32>} : memref<2064xf32, #tpu.memory_space<vmem>>, vector<16xf32>, vector<16xi1>
                tpu.vector_store %arg7[%swap3A_422], %get3A_414 masked %ge3A_415 {strides = array<i32>} : memref<2064xf32, #tpu.memory_space<vmem>>, vector<16xf32>, vector<16xi1>
                %add3A_424 = vector.broadcast %mul3A_410 : i32 to vector<16xi32>
                %add3A_425 = arith.addi %add3A_424, %iota3A : vector<16xi32>
                %swap3A_426 = arith.index_cast %get3A_421 : i32 to index
                %swap3A_427 = tpu.vector_load %arg8[%swap3A_426] masked %ge3A_415 {strides = array<i32>} : memref<2064xi32, #tpu.memory_space<vmem>>, vector<16xi32>, vector<16xi1>
                tpu.vector_store %arg8[%swap3A_426], %add3A_425 masked %ge3A_415 {strides = array<i32>} : memref<2064xi32, #tpu.memory_space<vmem>>, vector<16xi32>, vector<16xi1>
                %add3A_428 = arith.addi %get3A_421, %squeeze3A_418 : i32
                %swap3A_429 = arith.constant 0 : i32
                %swap3A_430 = arith.index_cast %swap3A_429 : i32 to index
                %swap3A_431 = memref.load %arg12[%swap3A_430] : memref<2xi32, #tpu.memory_space<smem>>
                memref.store %add3A_428, %arg12[%swap3A_430] : memref<2xi32, #tpu.memory_space<smem>>
                %get3A_432 = arith.constant 1 : i32
                %get3A_433 = arith.index_cast %get3A_432 : i32 to index
                %get3A_434 = memref.load %arg12[%get3A_433] : memref<2xi32, #tpu.memory_space<smem>>
                %add3A_435 = arith.addi %get3A_434, %squeeze3A_418 : i32
                %swap3A_436 = arith.constant 1 : i32
                %swap3A_437 = arith.index_cast %swap3A_436 : i32 to index
                %swap3A_438 = memref.load %arg12[%swap3A_437] : memref<2xi32, #tpu.memory_space<smem>>
                memref.store %add3A_435, %arg12[%swap3A_437] : memref<2xi32, #tpu.memory_space<smem>>
              }
              %scan3A_404 = arith.constant 8 : i32
            } else {
            }
            %get3A_389 = arith.constant 0 : i32
            %get3A_390 = arith.index_cast %get3A_389 : i32 to index
            %get3A_391 = memref.load %arg12[%get3A_390] : memref<2xi32, #tpu.memory_space<smem>>
            %add3A_392 = arith.constant 128 : i32
            %add3A_393 = arith.addi %get3A_391, %add3A_392 : i32
            %gt3A_394 = arith.constant 2048 : i32
            %gt3A_395 = arith.cmpi sgt, %add3A_393, %gt3A_394 : i32
            %convert_element_type3A_396 = arith.extui %gt3A_395 : i1 to i32
            %cond3A_397 = arith.constant 0 : i32
            %cond3A_398 = arith.cmpi ne, %convert_element_type3A_396, %cond3A_397 : i32
            scf.if %cond3A_398 {
              %get3A_399 = arith.constant 1 : i32
              %get3A_400 = arith.index_cast %get3A_399 : i32 to index
              %get3A_401 = memref.load %arg12[%get3A_400] : memref<2xi32, #tpu.memory_space<smem>>
              %add3A_402 = arith.constant 1 : i32
              %add3A_403 = arith.addi %get3A_401, %add3A_402 : i32
              %swap3A_404 = arith.constant 1 : i32
              %swap3A_405 = arith.index_cast %swap3A_404 : i32 to index
              %swap3A_406 = memref.load %arg12[%swap3A_405] : memref<2xi32, #tpu.memory_space<smem>>
              memref.store %add3A_403, %arg12[%swap3A_405] : memref<2xi32, #tpu.memory_space<smem>>
            } else {
            }
          } else {
          }
          %all_reduce_population_count3A_328 = tpu.all_reduce %ge3A_256 {dim = 0 : i64, kind = #tpu.reduction_kind<sum>} : vector<16xi1> -> vector<16xi32>
          %slice3A_329 = vector.extract_strided_slice %all_reduce_population_count3A_328 {offsets = [0], sizes = [1], strides = [1]} : vector<16xi32> to vector<1xi32>
          %squeeze3A_330 = vector.extract %slice3A_329[0] : i32 from vector<1xi32>
          %gt3A_331 = arith.constant 0 : i32
          %gt3A_332 = arith.cmpi sgt, %squeeze3A_330, %gt3A_331 : i32
          %convert_element_type3A_333 = arith.extui %gt3A_332 : i1 to i32
          %cond3A_334 = arith.constant 0 : i32
          %cond3A_335 = arith.cmpi ne, %convert_element_type3A_333, %cond3A_334 : i32
          scf.if %cond3A_335 {
            %mul3A_376 = arith.constant 8 : i32
            %mul3A_377 = arith.muli %scan3A_230, %mul3A_376 : i32
            %add3A_378 = arith.constant 2 : i32
            %add3A_379 = arith.addi %mul3A_377, %add3A_378 : i32
            %get3A_380 = arith.constant 0 : i32
            %get3A_381 = arith.index_cast %get3A_380 : i32 to index
            %get3A_382 = memref.load %arg12[%get3A_381] : memref<2xi32, #tpu.memory_space<smem>>
            %add3A_383 = arith.constant 128 : i32
            %add3A_384 = arith.addi %get3A_382, %add3A_383 : i32
            %le3A = arith.constant 2048 : i32
            %le3A_385 = arith.cmpi sle, %add3A_384, %le3A : i32
            %convert_element_type3A_386 = arith.extui %le3A_385 : i1 to i32
            %cond3A_387 = arith.constant 0 : i32
            %cond3A_388 = arith.cmpi ne, %convert_element_type3A_386, %cond3A_387 : i32
            scf.if %cond3A_388 {
              %scan3A_399 = arith.constant 0 : i32
              %scan3A_400 = arith.constant 0 : i32
              %scan3A_401 = arith.constant 8 : i32
              %scan3A_402 = arith.addi %scan3A_400, %scan3A_401 : i32
              %scan3A_403 = arith.constant 1 : i32
              scf.for %scan3A_405 = %scan3A_400 to %scan3A_402 step %scan3A_403  : i32 {
                %mul3A_406 = arith.constant 8 : i32
                %mul3A_407 = arith.muli %add3A_379, %mul3A_406 : i32
                %add3A_408 = arith.addi %mul3A_407, %scan3A_405 : i32
                %mul3A_409 = arith.constant 16 : i32
                %mul3A_410 = arith.muli %add3A_408, %mul3A_409 : i32
                %add3A_411 = arith.constant 0 : i32
                %add3A_412 = arith.addi %add3A_411, %mul3A_410 : i32
                %get3A_413 = arith.index_cast %add3A_412 : i32 to index
                %get3A_414 = tpu.vector_load %arg5[%get3A_413] {strides = array<i32>} : memref<65536xf32, #tpu.memory_space<vmem>>, vector<16xf32>,
                %ge3A_415 = arith.cmpf oge, %get3A_414, %broadcast_in_dim3A_89 : vector<16xf32>
                %all_reduce_population_count3A_416 = tpu.all_reduce %ge3A_415 {dim = 0 : i64, kind = #tpu.reduction_kind<sum>} : vector<16xi1> -> vector<16xi32>
                %slice3A_417 = vector.extract_strided_slice %all_reduce_population_count3A_416 {offsets = [0], sizes = [1], strides = [1]} : vector<16xi32> to vector<1xi32>
                %squeeze3A_418 = vector.extract %slice3A_417[0] : i32 from vector<1xi32>
                %get3A_419 = arith.constant 0 : i32
                %get3A_420 = arith.index_cast %get3A_419 : i32 to index
                %get3A_421 = memref.load %arg12[%get3A_420] : memref<2xi32, #tpu.memory_space<smem>>
                %swap3A_422 = arith.index_cast %get3A_421 : i32 to index
                %swap3A_423 = tpu.vector_load %arg7[%swap3A_422] masked %ge3A_415 {strides = array<i32>} : memref<2064xf32, #tpu.memory_space<vmem>>, vector<16xf32>, vector<16xi1>
                tpu.vector_store %arg7[%swap3A_422], %get3A_414 masked %ge3A_415 {strides = array<i32>} : memref<2064xf32, #tpu.memory_space<vmem>>, vector<16xf32>, vector<16xi1>
                %add3A_424 = vector.broadcast %mul3A_410 : i32 to vector<16xi32>
                %add3A_425 = arith.addi %add3A_424, %iota3A : vector<16xi32>
                %swap3A_426 = arith.index_cast %get3A_421 : i32 to index
                %swap3A_427 = tpu.vector_load %arg8[%swap3A_426] masked %ge3A_415 {strides = array<i32>} : memref<2064xi32, #tpu.memory_space<vmem>>, vector<16xi32>, vector<16xi1>
                tpu.vector_store %arg8[%swap3A_426], %add3A_425 masked %ge3A_415 {strides = array<i32>} : memref<2064xi32, #tpu.memory_space<vmem>>, vector<16xi32>, vector<16xi1>
                %add3A_428 = arith.addi %get3A_421, %squeeze3A_418 : i32
                %swap3A_429 = arith.constant 0 : i32
                %swap3A_430 = arith.index_cast %swap3A_429 : i32 to index
                %swap3A_431 = memref.load %arg12[%swap3A_430] : memref<2xi32, #tpu.memory_space<smem>>
                memref.store %add3A_428, %arg12[%swap3A_430] : memref<2xi32, #tpu.memory_space<smem>>
                %get3A_432 = arith.constant 1 : i32
                %get3A_433 = arith.index_cast %get3A_432 : i32 to index
                %get3A_434 = memref.load %arg12[%get3A_433] : memref<2xi32, #tpu.memory_space<smem>>
                %add3A_435 = arith.addi %get3A_434, %squeeze3A_418 : i32
                %swap3A_436 = arith.constant 1 : i32
                %swap3A_437 = arith.index_cast %swap3A_436 : i32 to index
                %swap3A_438 = memref.load %arg12[%swap3A_437] : memref<2xi32, #tpu.memory_space<smem>>
                memref.store %add3A_435, %arg12[%swap3A_437] : memref<2xi32, #tpu.memory_space<smem>>
              }
              %scan3A_404 = arith.constant 8 : i32
            } else {
            }
            %get3A_389 = arith.constant 0 : i32
            %get3A_390 = arith.index_cast %get3A_389 : i32 to index
            %get3A_391 = memref.load %arg12[%get3A_390] : memref<2xi32, #tpu.memory_space<smem>>
            %add3A_392 = arith.constant 128 : i32
            %add3A_393 = arith.addi %get3A_391, %add3A_392 : i32
            %gt3A_394 = arith.constant 2048 : i32
            %gt3A_395 = arith.cmpi sgt, %add3A_393, %gt3A_394 : i32
            %convert_element_type3A_396 = arith.extui %gt3A_395 : i1 to i32
            %cond3A_397 = arith.constant 0 : i32
            %cond3A_398 = arith.cmpi ne, %convert_element_type3A_396, %cond3A_397 : i32
            scf.if %cond3A_398 {
              %get3A_399 = arith.constant 1 : i32
              %get3A_400 = arith.index_cast %get3A_399 : i32 to index
              %get3A_401 = memref.load %arg12[%get3A_400] : memref<2xi32, #tpu.memory_space<smem>>
              %add3A_402 = arith.constant 1 : i32
              %add3A_403 = arith.addi %get3A_401, %add3A_402 : i32
              %swap3A_404 = arith.constant 1 : i32
              %swap3A_405 = arith.index_cast %swap3A_404 : i32 to index
              %swap3A_406 = memref.load %arg12[%swap3A_405] : memref<2xi32, #tpu.memory_space<smem>>
              memref.store %add3A_403, %arg12[%swap3A_405] : memref<2xi32, #tpu.memory_space<smem>>
            } else {
            }
          } else {
          }
          %all_reduce_population_count3A_336 = tpu.all_reduce %ge3A_266 {dim = 0 : i64, kind = #tpu.reduction_kind<sum>} : vector<16xi1> -> vector<16xi32>
          %slice3A_337 = vector.extract_strided_slice %all_reduce_population_count3A_336 {offsets = [0], sizes = [1], strides = [1]} : vector<16xi32> to vector<1xi32>
          %squeeze3A_338 = vector.extract %slice3A_337[0] : i32 from vector<1xi32>
          %gt3A_339 = arith.constant 0 : i32
          %gt3A_340 = arith.cmpi sgt, %squeeze3A_338, %gt3A_339 : i32
          %convert_element_type3A_341 = arith.extui %gt3A_340 : i1 to i32
          %cond3A_342 = arith.constant 0 : i32
          %cond3A_343 = arith.cmpi ne, %convert_element_type3A_341, %cond3A_342 : i32
          scf.if %cond3A_343 {
            %mul3A_376 = arith.constant 8 : i32
            %mul3A_377 = arith.muli %scan3A_230, %mul3A_376 : i32
            %add3A_378 = arith.constant 3 : i32
            %add3A_379 = arith.addi %mul3A_377, %add3A_378 : i32
            %get3A_380 = arith.constant 0 : i32
            %get3A_381 = arith.index_cast %get3A_380 : i32 to index
            %get3A_382 = memref.load %arg12[%get3A_381] : memref<2xi32, #tpu.memory_space<smem>>
            %add3A_383 = arith.constant 128 : i32
            %add3A_384 = arith.addi %get3A_382, %add3A_383 : i32
            %le3A = arith.constant 2048 : i32
            %le3A_385 = arith.cmpi sle, %add3A_384, %le3A : i32
            %convert_element_type3A_386 = arith.extui %le3A_385 : i1 to i32
            %cond3A_387 = arith.constant 0 : i32
            %cond3A_388 = arith.cmpi ne, %convert_element_type3A_386, %cond3A_387 : i32
            scf.if %cond3A_388 {
              %scan3A_399 = arith.constant 0 : i32
              %scan3A_400 = arith.constant 0 : i32
              %scan3A_401 = arith.constant 8 : i32
              %scan3A_402 = arith.addi %scan3A_400, %scan3A_401 : i32
              %scan3A_403 = arith.constant 1 : i32
              scf.for %scan3A_405 = %scan3A_400 to %scan3A_402 step %scan3A_403  : i32 {
                %mul3A_406 = arith.constant 8 : i32
                %mul3A_407 = arith.muli %add3A_379, %mul3A_406 : i32
                %add3A_408 = arith.addi %mul3A_407, %scan3A_405 : i32
                %mul3A_409 = arith.constant 16 : i32
                %mul3A_410 = arith.muli %add3A_408, %mul3A_409 : i32
                %add3A_411 = arith.constant 0 : i32
                %add3A_412 = arith.addi %add3A_411, %mul3A_410 : i32
                %get3A_413 = arith.index_cast %add3A_412 : i32 to index
                %get3A_414 = tpu.vector_load %arg5[%get3A_413] {strides = array<i32>} : memref<65536xf32, #tpu.memory_space<vmem>>, vector<16xf32>,
                %ge3A_415 = arith.cmpf oge, %get3A_414, %broadcast_in_dim3A_89 : vector<16xf32>
                %all_reduce_population_count3A_416 = tpu.all_reduce %ge3A_415 {dim = 0 : i64, kind = #tpu.reduction_kind<sum>} : vector<16xi1> -> vector<16xi32>
                %slice3A_417 = vector.extract_strided_slice %all_reduce_population_count3A_416 {offsets = [0], sizes = [1], strides = [1]} : vector<16xi32> to vector<1xi32>
                %squeeze3A_418 = vector.extract %slice3A_417[0] : i32 from vector<1xi32>
                %get3A_419 = arith.constant 0 : i32
                %get3A_420 = arith.index_cast %get3A_419 : i32 to index
                %get3A_421 = memref.load %arg12[%get3A_420] : memref<2xi32, #tpu.memory_space<smem>>
                %swap3A_422 = arith.index_cast %get3A_421 : i32 to index
                %swap3A_423 = tpu.vector_load %arg7[%swap3A_422] masked %ge3A_415 {strides = array<i32>} : memref<2064xf32, #tpu.memory_space<vmem>>, vector<16xf32>, vector<16xi1>
                tpu.vector_store %arg7[%swap3A_422], %get3A_414 masked %ge3A_415 {strides = array<i32>} : memref<2064xf32, #tpu.memory_space<vmem>>, vector<16xf32>, vector<16xi1>
                %add3A_424 = vector.broadcast %mul3A_410 : i32 to vector<16xi32>
                %add3A_425 = arith.addi %add3A_424, %iota3A : vector<16xi32>
                %swap3A_426 = arith.index_cast %get3A_421 : i32 to index
                %swap3A_427 = tpu.vector_load %arg8[%swap3A_426] masked %ge3A_415 {strides = array<i32>} : memref<2064xi32, #tpu.memory_space<vmem>>, vector<16xi32>, vector<16xi1>
                tpu.vector_store %arg8[%swap3A_426], %add3A_425 masked %ge3A_415 {strides = array<i32>} : memref<2064xi32, #tpu.memory_space<vmem>>, vector<16xi32>, vector<16xi1>
                %add3A_428 = arith.addi %get3A_421, %squeeze3A_418 : i32
                %swap3A_429 = arith.constant 0 : i32
                %swap3A_430 = arith.index_cast %swap3A_429 : i32 to index
                %swap3A_431 = memref.load %arg12[%swap3A_430] : memref<2xi32, #tpu.memory_space<smem>>
                memref.store %add3A_428, %arg12[%swap3A_430] : memref<2xi32, #tpu.memory_space<smem>>
                %get3A_432 = arith.constant 1 : i32
                %get3A_433 = arith.index_cast %get3A_432 : i32 to index
                %get3A_434 = memref.load %arg12[%get3A_433] : memref<2xi32, #tpu.memory_space<smem>>
                %add3A_435 = arith.addi %get3A_434, %squeeze3A_418 : i32
                %swap3A_436 = arith.constant 1 : i32
                %swap3A_437 = arith.index_cast %swap3A_436 : i32 to index
                %swap3A_438 = memref.load %arg12[%swap3A_437] : memref<2xi32, #tpu.memory_space<smem>>
                memref.store %add3A_435, %arg12[%swap3A_437] : memref<2xi32, #tpu.memory_space<smem>>
              }
              %scan3A_404 = arith.constant 8 : i32
            } else {
            }
            %get3A_389 = arith.constant 0 : i32
            %get3A_390 = arith.index_cast %get3A_389 : i32 to index
            %get3A_391 = memref.load %arg12[%get3A_390] : memref<2xi32, #tpu.memory_space<smem>>
            %add3A_392 = arith.constant 128 : i32
            %add3A_393 = arith.addi %get3A_391, %add3A_392 : i32
            %gt3A_394 = arith.constant 2048 : i32
            %gt3A_395 = arith.cmpi sgt, %add3A_393, %gt3A_394 : i32
            %convert_element_type3A_396 = arith.extui %gt3A_395 : i1 to i32
            %cond3A_397 = arith.constant 0 : i32
            %cond3A_398 = arith.cmpi ne, %convert_element_type3A_396, %cond3A_397 : i32
            scf.if %cond3A_398 {
              %get3A_399 = arith.constant 1 : i32
              %get3A_400 = arith.index_cast %get3A_399 : i32 to index
              %get3A_401 = memref.load %arg12[%get3A_400] : memref<2xi32, #tpu.memory_space<smem>>
              %add3A_402 = arith.constant 1 : i32
              %add3A_403 = arith.addi %get3A_401, %add3A_402 : i32
              %swap3A_404 = arith.constant 1 : i32
              %swap3A_405 = arith.index_cast %swap3A_404 : i32 to index
              %swap3A_406 = memref.load %arg12[%swap3A_405] : memref<2xi32, #tpu.memory_space<smem>>
              memref.store %add3A_403, %arg12[%swap3A_405] : memref<2xi32, #tpu.memory_space<smem>>
            } else {
            }
          } else {
          }
          %all_reduce_population_count3A_344 = tpu.all_reduce %ge3A_276 {dim = 0 : i64, kind = #tpu.reduction_kind<sum>} : vector<16xi1> -> vector<16xi32>
          %slice3A_345 = vector.extract_strided_slice %all_reduce_population_count3A_344 {offsets = [0], sizes = [1], strides = [1]} : vector<16xi32> to vector<1xi32>
          %squeeze3A_346 = vector.extract %slice3A_345[0] : i32 from vector<1xi32>
          %gt3A_347 = arith.constant 0 : i32
          %gt3A_348 = arith.cmpi sgt, %squeeze3A_346, %gt3A_347 : i32
          %convert_element_type3A_349 = arith.extui %gt3A_348 : i1 to i32
          %cond3A_350 = arith.constant 0 : i32
          %cond3A_351 = arith.cmpi ne, %convert_element_type3A_349, %cond3A_350 : i32
          scf.if %cond3A_351 {
            %mul3A_376 = arith.constant 8 : i32
            %mul3A_377 = arith.muli %scan3A_230, %mul3A_376 : i32
            %add3A_378 = arith.constant 4 : i32
            %add3A_379 = arith.addi %mul3A_377, %add3A_378 : i32
            %get3A_380 = arith.constant 0 : i32
            %get3A_381 = arith.index_cast %get3A_380 : i32 to index
            %get3A_382 = memref.load %arg12[%get3A_381] : memref<2xi32, #tpu.memory_space<smem>>
            %add3A_383 = arith.constant 128 : i32
            %add3A_384 = arith.addi %get3A_382, %add3A_383 : i32
            %le3A = arith.constant 2048 : i32
            %le3A_385 = arith.cmpi sle, %add3A_384, %le3A : i32
            %convert_element_type3A_386 = arith.extui %le3A_385 : i1 to i32
            %cond3A_387 = arith.constant 0 : i32
            %cond3A_388 = arith.cmpi ne, %convert_element_type3A_386, %cond3A_387 : i32
            scf.if %cond3A_388 {
              %scan3A_399 = arith.constant 0 : i32
              %scan3A_400 = arith.constant 0 : i32
              %scan3A_401 = arith.constant 8 : i32
              %scan3A_402 = arith.addi %scan3A_400, %scan3A_401 : i32
              %scan3A_403 = arith.constant 1 : i32
              scf.for %scan3A_405 = %scan3A_400 to %scan3A_402 step %scan3A_403  : i32 {
                %mul3A_406 = arith.constant 8 : i32
                %mul3A_407 = arith.muli %add3A_379, %mul3A_406 : i32
                %add3A_408 = arith.addi %mul3A_407, %scan3A_405 : i32
                %mul3A_409 = arith.constant 16 : i32
                %mul3A_410 = arith.muli %add3A_408, %mul3A_409 : i32
                %add3A_411 = arith.constant 0 : i32
                %add3A_412 = arith.addi %add3A_411, %mul3A_410 : i32
                %get3A_413 = arith.index_cast %add3A_412 : i32 to index
                %get3A_414 = tpu.vector_load %arg5[%get3A_413] {strides = array<i32>} : memref<65536xf32, #tpu.memory_space<vmem>>, vector<16xf32>,
                %ge3A_415 = arith.cmpf oge, %get3A_414, %broadcast_in_dim3A_89 : vector<16xf32>
                %all_reduce_population_count3A_416 = tpu.all_reduce %ge3A_415 {dim = 0 : i64, kind = #tpu.reduction_kind<sum>} : vector<16xi1> -> vector<16xi32>
                %slice3A_417 = vector.extract_strided_slice %all_reduce_population_count3A_416 {offsets = [0], sizes = [1], strides = [1]} : vector<16xi32> to vector<1xi32>
                %squeeze3A_418 = vector.extract %slice3A_417[0] : i32 from vector<1xi32>
                %get3A_419 = arith.constant 0 : i32
                %get3A_420 = arith.index_cast %get3A_419 : i32 to index
                %get3A_421 = memref.load %arg12[%get3A_420] : memref<2xi32, #tpu.memory_space<smem>>
                %swap3A_422 = arith.index_cast %get3A_421 : i32 to index
                %swap3A_423 = tpu.vector_load %arg7[%swap3A_422] masked %ge3A_415 {strides = array<i32>} : memref<2064xf32, #tpu.memory_space<vmem>>, vector<16xf32>, vector<16xi1>
                tpu.vector_store %arg7[%swap3A_422], %get3A_414 masked %ge3A_415 {strides = array<i32>} : memref<2064xf32, #tpu.memory_space<vmem>>, vector<16xf32>, vector<16xi1>
                %add3A_424 = vector.broadcast %mul3A_410 : i32 to vector<16xi32>
                %add3A_425 = arith.addi %add3A_424, %iota3A : vector<16xi32>
                %swap3A_426 = arith.index_cast %get3A_421 : i32 to index
                %swap3A_427 = tpu.vector_load %arg8[%swap3A_426] masked %ge3A_415 {strides = array<i32>} : memref<2064xi32, #tpu.memory_space<vmem>>, vector<16xi32>, vector<16xi1>
                tpu.vector_store %arg8[%swap3A_426], %add3A_425 masked %ge3A_415 {strides = array<i32>} : memref<2064xi32, #tpu.memory_space<vmem>>, vector<16xi32>, vector<16xi1>
                %add3A_428 = arith.addi %get3A_421, %squeeze3A_418 : i32
                %swap3A_429 = arith.constant 0 : i32
                %swap3A_430 = arith.index_cast %swap3A_429 : i32 to index
                %swap3A_431 = memref.load %arg12[%swap3A_430] : memref<2xi32, #tpu.memory_space<smem>>
                memref.store %add3A_428, %arg12[%swap3A_430] : memref<2xi32, #tpu.memory_space<smem>>
                %get3A_432 = arith.constant 1 : i32
                %get3A_433 = arith.index_cast %get3A_432 : i32 to index
                %get3A_434 = memref.load %arg12[%get3A_433] : memref<2xi32, #tpu.memory_space<smem>>
                %add3A_435 = arith.addi %get3A_434, %squeeze3A_418 : i32
                %swap3A_436 = arith.constant 1 : i32
                %swap3A_437 = arith.index_cast %swap3A_436 : i32 to index
                %swap3A_438 = memref.load %arg12[%swap3A_437] : memref<2xi32, #tpu.memory_space<smem>>
                memref.store %add3A_435, %arg12[%swap3A_437] : memref<2xi32, #tpu.memory_space<smem>>
              }
              %scan3A_404 = arith.constant 8 : i32
            } else {
            }
            %get3A_389 = arith.constant 0 : i32
            %get3A_390 = arith.index_cast %get3A_389 : i32 to index
            %get3A_391 = memref.load %arg12[%get3A_390] : memref<2xi32, #tpu.memory_space<smem>>
            %add3A_392 = arith.constant 128 : i32
            %add3A_393 = arith.addi %get3A_391, %add3A_392 : i32
            %gt3A_394 = arith.constant 2048 : i32
            %gt3A_395 = arith.cmpi sgt, %add3A_393, %gt3A_394 : i32
            %convert_element_type3A_396 = arith.extui %gt3A_395 : i1 to i32
            %cond3A_397 = arith.constant 0 : i32
            %cond3A_398 = arith.cmpi ne, %convert_element_type3A_396, %cond3A_397 : i32
            scf.if %cond3A_398 {
              %get3A_399 = arith.constant 1 : i32
              %get3A_400 = arith.index_cast %get3A_399 : i32 to index
              %get3A_401 = memref.load %arg12[%get3A_400] : memref<2xi32, #tpu.memory_space<smem>>
              %add3A_402 = arith.constant 1 : i32
              %add3A_403 = arith.addi %get3A_401, %add3A_402 : i32
              %swap3A_404 = arith.constant 1 : i32
              %swap3A_405 = arith.index_cast %swap3A_404 : i32 to index
              %swap3A_406 = memref.load %arg12[%swap3A_405] : memref<2xi32, #tpu.memory_space<smem>>
              memref.store %add3A_403, %arg12[%swap3A_405] : memref<2xi32, #tpu.memory_space<smem>>
            } else {
            }
          } else {
          }
          %all_reduce_population_count3A_352 = tpu.all_reduce %ge3A_286 {dim = 0 : i64, kind = #tpu.reduction_kind<sum>} : vector<16xi1> -> vector<16xi32>
          %slice3A_353 = vector.extract_strided_slice %all_reduce_population_count3A_352 {offsets = [0], sizes = [1], strides = [1]} : vector<16xi32> to vector<1xi32>
          %squeeze3A_354 = vector.extract %slice3A_353[0] : i32 from vector<1xi32>
          %gt3A_355 = arith.constant 0 : i32
          %gt3A_356 = arith.cmpi sgt, %squeeze3A_354, %gt3A_355 : i32
          %convert_element_type3A_357 = arith.extui %gt3A_356 : i1 to i32
          %cond3A_358 = arith.constant 0 : i32
          %cond3A_359 = arith.cmpi ne, %convert_element_type3A_357, %cond3A_358 : i32
          scf.if %cond3A_359 {
            %mul3A_376 = arith.constant 8 : i32
            %mul3A_377 = arith.muli %scan3A_230, %mul3A_376 : i32
            %add3A_378 = arith.constant 5 : i32
            %add3A_379 = arith.addi %mul3A_377, %add3A_378 : i32
            %get3A_380 = arith.constant 0 : i32
            %get3A_381 = arith.index_cast %get3A_380 : i32 to index
            %get3A_382 = memref.load %arg12[%get3A_381] : memref<2xi32, #tpu.memory_space<smem>>
            %add3A_383 = arith.constant 128 : i32
            %add3A_384 = arith.addi %get3A_382, %add3A_383 : i32
            %le3A = arith.constant 2048 : i32
            %le3A_385 = arith.cmpi sle, %add3A_384, %le3A : i32
            %convert_element_type3A_386 = arith.extui %le3A_385 : i1 to i32
            %cond3A_387 = arith.constant 0 : i32
            %cond3A_388 = arith.cmpi ne, %convert_element_type3A_386, %cond3A_387 : i32
            scf.if %cond3A_388 {
              %scan3A_399 = arith.constant 0 : i32
              %scan3A_400 = arith.constant 0 : i32
              %scan3A_401 = arith.constant 8 : i32
              %scan3A_402 = arith.addi %scan3A_400, %scan3A_401 : i32
              %scan3A_403 = arith.constant 1 : i32
              scf.for %scan3A_405 = %scan3A_400 to %scan3A_402 step %scan3A_403  : i32 {
                %mul3A_406 = arith.constant 8 : i32
                %mul3A_407 = arith.muli %add3A_379, %mul3A_406 : i32
                %add3A_408 = arith.addi %mul3A_407, %scan3A_405 : i32
                %mul3A_409 = arith.constant 16 : i32
                %mul3A_410 = arith.muli %add3A_408, %mul3A_409 : i32
                %add3A_411 = arith.constant 0 : i32
                %add3A_412 = arith.addi %add3A_411, %mul3A_410 : i32
                %get3A_413 = arith.index_cast %add3A_412 : i32 to index
                %get3A_414 = tpu.vector_load %arg5[%get3A_413] {strides = array<i32>} : memref<65536xf32, #tpu.memory_space<vmem>>, vector<16xf32>,
                %ge3A_415 = arith.cmpf oge, %get3A_414, %broadcast_in_dim3A_89 : vector<16xf32>
                %all_reduce_population_count3A_416 = tpu.all_reduce %ge3A_415 {dim = 0 : i64, kind = #tpu.reduction_kind<sum>} : vector<16xi1> -> vector<16xi32>
                %slice3A_417 = vector.extract_strided_slice %all_reduce_population_count3A_416 {offsets = [0], sizes = [1], strides = [1]} : vector<16xi32> to vector<1xi32>
                %squeeze3A_418 = vector.extract %slice3A_417[0] : i32 from vector<1xi32>
                %get3A_419 = arith.constant 0 : i32
                %get3A_420 = arith.index_cast %get3A_419 : i32 to index
                %get3A_421 = memref.load %arg12[%get3A_420] : memref<2xi32, #tpu.memory_space<smem>>
                %swap3A_422 = arith.index_cast %get3A_421 : i32 to index
                %swap3A_423 = tpu.vector_load %arg7[%swap3A_422] masked %ge3A_415 {strides = array<i32>} : memref<2064xf32, #tpu.memory_space<vmem>>, vector<16xf32>, vector<16xi1>
                tpu.vector_store %arg7[%swap3A_422], %get3A_414 masked %ge3A_415 {strides = array<i32>} : memref<2064xf32, #tpu.memory_space<vmem>>, vector<16xf32>, vector<16xi1>
                %add3A_424 = vector.broadcast %mul3A_410 : i32 to vector<16xi32>
                %add3A_425 = arith.addi %add3A_424, %iota3A : vector<16xi32>
                %swap3A_426 = arith.index_cast %get3A_421 : i32 to index
                %swap3A_427 = tpu.vector_load %arg8[%swap3A_426] masked %ge3A_415 {strides = array<i32>} : memref<2064xi32, #tpu.memory_space<vmem>>, vector<16xi32>, vector<16xi1>
                tpu.vector_store %arg8[%swap3A_426], %add3A_425 masked %ge3A_415 {strides = array<i32>} : memref<2064xi32, #tpu.memory_space<vmem>>, vector<16xi32>, vector<16xi1>
                %add3A_428 = arith.addi %get3A_421, %squeeze3A_418 : i32
                %swap3A_429 = arith.constant 0 : i32
                %swap3A_430 = arith.index_cast %swap3A_429 : i32 to index
                %swap3A_431 = memref.load %arg12[%swap3A_430] : memref<2xi32, #tpu.memory_space<smem>>
                memref.store %add3A_428, %arg12[%swap3A_430] : memref<2xi32, #tpu.memory_space<smem>>
                %get3A_432 = arith.constant 1 : i32
                %get3A_433 = arith.index_cast %get3A_432 : i32 to index
                %get3A_434 = memref.load %arg12[%get3A_433] : memref<2xi32, #tpu.memory_space<smem>>
                %add3A_435 = arith.addi %get3A_434, %squeeze3A_418 : i32
                %swap3A_436 = arith.constant 1 : i32
                %swap3A_437 = arith.index_cast %swap3A_436 : i32 to index
                %swap3A_438 = memref.load %arg12[%swap3A_437] : memref<2xi32, #tpu.memory_space<smem>>
                memref.store %add3A_435, %arg12[%swap3A_437] : memref<2xi32, #tpu.memory_space<smem>>
              }
              %scan3A_404 = arith.constant 8 : i32
            } else {
            }
            %get3A_389 = arith.constant 0 : i32
            %get3A_390 = arith.index_cast %get3A_389 : i32 to index
            %get3A_391 = memref.load %arg12[%get3A_390] : memref<2xi32, #tpu.memory_space<smem>>
            %add3A_392 = arith.constant 128 : i32
            %add3A_393 = arith.addi %get3A_391, %add3A_392 : i32
            %gt3A_394 = arith.constant 2048 : i32
            %gt3A_395 = arith.cmpi sgt, %add3A_393, %gt3A_394 : i32
            %convert_element_type3A_396 = arith.extui %gt3A_395 : i1 to i32
            %cond3A_397 = arith.constant 0 : i32
            %cond3A_398 = arith.cmpi ne, %convert_element_type3A_396, %cond3A_397 : i32
            scf.if %cond3A_398 {
              %get3A_399 = arith.constant 1 : i32
              %get3A_400 = arith.index_cast %get3A_399 : i32 to index
              %get3A_401 = memref.load %arg12[%get3A_400] : memref<2xi32, #tpu.memory_space<smem>>
              %add3A_402 = arith.constant 1 : i32
              %add3A_403 = arith.addi %get3A_401, %add3A_402 : i32
              %swap3A_404 = arith.constant 1 : i32
              %swap3A_405 = arith.index_cast %swap3A_404 : i32 to index
              %swap3A_406 = memref.load %arg12[%swap3A_405] : memref<2xi32, #tpu.memory_space<smem>>
              memref.store %add3A_403, %arg12[%swap3A_405] : memref<2xi32, #tpu.memory_space<smem>>
            } else {
            }
          } else {
          }
          %all_reduce_population_count3A_360 = tpu.all_reduce %ge3A_296 {dim = 0 : i64, kind = #tpu.reduction_kind<sum>} : vector<16xi1> -> vector<16xi32>
          %slice3A_361 = vector.extract_strided_slice %all_reduce_population_count3A_360 {offsets = [0], sizes = [1], strides = [1]} : vector<16xi32> to vector<1xi32>
          %squeeze3A_362 = vector.extract %slice3A_361[0] : i32 from vector<1xi32>
          %gt3A_363 = arith.constant 0 : i32
          %gt3A_364 = arith.cmpi sgt, %squeeze3A_362, %gt3A_363 : i32
          %convert_element_type3A_365 = arith.extui %gt3A_364 : i1 to i32
          %cond3A_366 = arith.constant 0 : i32
          %cond3A_367 = arith.cmpi ne, %convert_element_type3A_365, %cond3A_366 : i32
          scf.if %cond3A_367 {
            %mul3A_376 = arith.constant 8 : i32
            %mul3A_377 = arith.muli %scan3A_230, %mul3A_376 : i32
            %add3A_378 = arith.constant 6 : i32
            %add3A_379 = arith.addi %mul3A_377, %add3A_378 : i32
            %get3A_380 = arith.constant 0 : i32
            %get3A_381 = arith.index_cast %get3A_380 : i32 to index
            %get3A_382 = memref.load %arg12[%get3A_381] : memref<2xi32, #tpu.memory_space<smem>>
            %add3A_383 = arith.constant 128 : i32
            %add3A_384 = arith.addi %get3A_382, %add3A_383 : i32
            %le3A = arith.constant 2048 : i32
            %le3A_385 = arith.cmpi sle, %add3A_384, %le3A : i32
            %convert_element_type3A_386 = arith.extui %le3A_385 : i1 to i32
            %cond3A_387 = arith.constant 0 : i32
            %cond3A_388 = arith.cmpi ne, %convert_element_type3A_386, %cond3A_387 : i32
            scf.if %cond3A_388 {
              %scan3A_399 = arith.constant 0 : i32
              %scan3A_400 = arith.constant 0 : i32
              %scan3A_401 = arith.constant 8 : i32
              %scan3A_402 = arith.addi %scan3A_400, %scan3A_401 : i32
              %scan3A_403 = arith.constant 1 : i32
              scf.for %scan3A_405 = %scan3A_400 to %scan3A_402 step %scan3A_403  : i32 {
                %mul3A_406 = arith.constant 8 : i32
                %mul3A_407 = arith.muli %add3A_379, %mul3A_406 : i32
                %add3A_408 = arith.addi %mul3A_407, %scan3A_405 : i32
                %mul3A_409 = arith.constant 16 : i32
                %mul3A_410 = arith.muli %add3A_408, %mul3A_409 : i32
                %add3A_411 = arith.constant 0 : i32
                %add3A_412 = arith.addi %add3A_411, %mul3A_410 : i32
                %get3A_413 = arith.index_cast %add3A_412 : i32 to index
                %get3A_414 = tpu.vector_load %arg5[%get3A_413] {strides = array<i32>} : memref<65536xf32, #tpu.memory_space<vmem>>, vector<16xf32>,
                %ge3A_415 = arith.cmpf oge, %get3A_414, %broadcast_in_dim3A_89 : vector<16xf32>
                %all_reduce_population_count3A_416 = tpu.all_reduce %ge3A_415 {dim = 0 : i64, kind = #tpu.reduction_kind<sum>} : vector<16xi1> -> vector<16xi32>
                %slice3A_417 = vector.extract_strided_slice %all_reduce_population_count3A_416 {offsets = [0], sizes = [1], strides = [1]} : vector<16xi32> to vector<1xi32>
                %squeeze3A_418 = vector.extract %slice3A_417[0] : i32 from vector<1xi32>
                %get3A_419 = arith.constant 0 : i32
                %get3A_420 = arith.index_cast %get3A_419 : i32 to index
                %get3A_421 = memref.load %arg12[%get3A_420] : memref<2xi32, #tpu.memory_space<smem>>
                %swap3A_422 = arith.index_cast %get3A_421 : i32 to index
                %swap3A_423 = tpu.vector_load %arg7[%swap3A_422] masked %ge3A_415 {strides = array<i32>} : memref<2064xf32, #tpu.memory_space<vmem>>, vector<16xf32>, vector<16xi1>
                tpu.vector_store %arg7[%swap3A_422], %get3A_414 masked %ge3A_415 {strides = array<i32>} : memref<2064xf32, #tpu.memory_space<vmem>>, vector<16xf32>, vector<16xi1>
                %add3A_424 = vector.broadcast %mul3A_410 : i32 to vector<16xi32>
                %add3A_425 = arith.addi %add3A_424, %iota3A : vector<16xi32>
                %swap3A_426 = arith.index_cast %get3A_421 : i32 to index
                %swap3A_427 = tpu.vector_load %arg8[%swap3A_426] masked %ge3A_415 {strides = array<i32>} : memref<2064xi32, #tpu.memory_space<vmem>>, vector<16xi32>, vector<16xi1>
                tpu.vector_store %arg8[%swap3A_426], %add3A_425 masked %ge3A_415 {strides = array<i32>} : memref<2064xi32, #tpu.memory_space<vmem>>, vector<16xi32>, vector<16xi1>
                %add3A_428 = arith.addi %get3A_421, %squeeze3A_418 : i32
                %swap3A_429 = arith.constant 0 : i32
                %swap3A_430 = arith.index_cast %swap3A_429 : i32 to index
                %swap3A_431 = memref.load %arg12[%swap3A_430] : memref<2xi32, #tpu.memory_space<smem>>
                memref.store %add3A_428, %arg12[%swap3A_430] : memref<2xi32, #tpu.memory_space<smem>>
                %get3A_432 = arith.constant 1 : i32
                %get3A_433 = arith.index_cast %get3A_432 : i32 to index
                %get3A_434 = memref.load %arg12[%get3A_433] : memref<2xi32, #tpu.memory_space<smem>>
                %add3A_435 = arith.addi %get3A_434, %squeeze3A_418 : i32
                %swap3A_436 = arith.constant 1 : i32
                %swap3A_437 = arith.index_cast %swap3A_436 : i32 to index
                %swap3A_438 = memref.load %arg12[%swap3A_437] : memref<2xi32, #tpu.memory_space<smem>>
                memref.store %add3A_435, %arg12[%swap3A_437] : memref<2xi32, #tpu.memory_space<smem>>
              }
              %scan3A_404 = arith.constant 8 : i32
            } else {
            }
            %get3A_389 = arith.constant 0 : i32
            %get3A_390 = arith.index_cast %get3A_389 : i32 to index
            %get3A_391 = memref.load %arg12[%get3A_390] : memref<2xi32, #tpu.memory_space<smem>>
            %add3A_392 = arith.constant 128 : i32
            %add3A_393 = arith.addi %get3A_391, %add3A_392 : i32
            %gt3A_394 = arith.constant 2048 : i32
            %gt3A_395 = arith.cmpi sgt, %add3A_393, %gt3A_394 : i32
            %convert_element_type3A_396 = arith.extui %gt3A_395 : i1 to i32
            %cond3A_397 = arith.constant 0 : i32
            %cond3A_398 = arith.cmpi ne, %convert_element_type3A_396, %cond3A_397 : i32
            scf.if %cond3A_398 {
              %get3A_399 = arith.constant 1 : i32
              %get3A_400 = arith.index_cast %get3A_399 : i32 to index
              %get3A_401 = memref.load %arg12[%get3A_400] : memref<2xi32, #tpu.memory_space<smem>>
              %add3A_402 = arith.constant 1 : i32
              %add3A_403 = arith.addi %get3A_401, %add3A_402 : i32
              %swap3A_404 = arith.constant 1 : i32
              %swap3A_405 = arith.index_cast %swap3A_404 : i32 to index
              %swap3A_406 = memref.load %arg12[%swap3A_405] : memref<2xi32, #tpu.memory_space<smem>>
              memref.store %add3A_403, %arg12[%swap3A_405] : memref<2xi32, #tpu.memory_space<smem>>
            } else {
            }
          } else {
          }
          %all_reduce_population_count3A_368 = tpu.all_reduce %ge3A_306 {dim = 0 : i64, kind = #tpu.reduction_kind<sum>} : vector<16xi1> -> vector<16xi32>
          %slice3A_369 = vector.extract_strided_slice %all_reduce_population_count3A_368 {offsets = [0], sizes = [1], strides = [1]} : vector<16xi32> to vector<1xi32>
          %squeeze3A_370 = vector.extract %slice3A_369[0] : i32 from vector<1xi32>
          %gt3A_371 = arith.constant 0 : i32
          %gt3A_372 = arith.cmpi sgt, %squeeze3A_370, %gt3A_371 : i32
          %convert_element_type3A_373 = arith.extui %gt3A_372 : i1 to i32
          %cond3A_374 = arith.constant 0 : i32
          %cond3A_375 = arith.cmpi ne, %convert_element_type3A_373, %cond3A_374 : i32
          scf.if %cond3A_375 {
            %mul3A_376 = arith.constant 8 : i32
            %mul3A_377 = arith.muli %scan3A_230, %mul3A_376 : i32
            %add3A_378 = arith.constant 7 : i32
            %add3A_379 = arith.addi %mul3A_377, %add3A_378 : i32
            %get3A_380 = arith.constant 0 : i32
            %get3A_381 = arith.index_cast %get3A_380 : i32 to index
            %get3A_382 = memref.load %arg12[%get3A_381] : memref<2xi32, #tpu.memory_space<smem>>
            %add3A_383 = arith.constant 128 : i32
            %add3A_384 = arith.addi %get3A_382, %add3A_383 : i32
            %le3A = arith.constant 2048 : i32
            %le3A_385 = arith.cmpi sle, %add3A_384, %le3A : i32
            %convert_element_type3A_386 = arith.extui %le3A_385 : i1 to i32
            %cond3A_387 = arith.constant 0 : i32
            %cond3A_388 = arith.cmpi ne, %convert_element_type3A_386, %cond3A_387 : i32
            scf.if %cond3A_388 {
              %scan3A_399 = arith.constant 0 : i32
              %scan3A_400 = arith.constant 0 : i32
              %scan3A_401 = arith.constant 8 : i32
              %scan3A_402 = arith.addi %scan3A_400, %scan3A_401 : i32
              %scan3A_403 = arith.constant 1 : i32
              scf.for %scan3A_405 = %scan3A_400 to %scan3A_402 step %scan3A_403  : i32 {
                %mul3A_406 = arith.constant 8 : i32
                %mul3A_407 = arith.muli %add3A_379, %mul3A_406 : i32
                %add3A_408 = arith.addi %mul3A_407, %scan3A_405 : i32
                %mul3A_409 = arith.constant 16 : i32
                %mul3A_410 = arith.muli %add3A_408, %mul3A_409 : i32
                %add3A_411 = arith.constant 0 : i32
                %add3A_412 = arith.addi %add3A_411, %mul3A_410 : i32
                %get3A_413 = arith.index_cast %add3A_412 : i32 to index
                %get3A_414 = tpu.vector_load %arg5[%get3A_413] {strides = array<i32>} : memref<65536xf32, #tpu.memory_space<vmem>>, vector<16xf32>,
                %ge3A_415 = arith.cmpf oge, %get3A_414, %broadcast_in_dim3A_89 : vector<16xf32>
                %all_reduce_population_count3A_416 = tpu.all_reduce %ge3A_415 {dim = 0 : i64, kind = #tpu.reduction_kind<sum>} : vector<16xi1> -> vector<16xi32>
                %slice3A_417 = vector.extract_strided_slice %all_reduce_population_count3A_416 {offsets = [0], sizes = [1], strides = [1]} : vector<16xi32> to vector<1xi32>
                %squeeze3A_418 = vector.extract %slice3A_417[0] : i32 from vector<1xi32>
                %get3A_419 = arith.constant 0 : i32
                %get3A_420 = arith.index_cast %get3A_419 : i32 to index
                %get3A_421 = memref.load %arg12[%get3A_420] : memref<2xi32, #tpu.memory_space<smem>>
                %swap3A_422 = arith.index_cast %get3A_421 : i32 to index
                %swap3A_423 = tpu.vector_load %arg7[%swap3A_422] masked %ge3A_415 {strides = array<i32>} : memref<2064xf32, #tpu.memory_space<vmem>>, vector<16xf32>, vector<16xi1>
                tpu.vector_store %arg7[%swap3A_422], %get3A_414 masked %ge3A_415 {strides = array<i32>} : memref<2064xf32, #tpu.memory_space<vmem>>, vector<16xf32>, vector<16xi1>
                %add3A_424 = vector.broadcast %mul3A_410 : i32 to vector<16xi32>
                %add3A_425 = arith.addi %add3A_424, %iota3A : vector<16xi32>
                %swap3A_426 = arith.index_cast %get3A_421 : i32 to index
                %swap3A_427 = tpu.vector_load %arg8[%swap3A_426] masked %ge3A_415 {strides = array<i32>} : memref<2064xi32, #tpu.memory_space<vmem>>, vector<16xi32>, vector<16xi1>
                tpu.vector_store %arg8[%swap3A_426], %add3A_425 masked %ge3A_415 {strides = array<i32>} : memref<2064xi32, #tpu.memory_space<vmem>>, vector<16xi32>, vector<16xi1>
                %add3A_428 = arith.addi %get3A_421, %squeeze3A_418 : i32
                %swap3A_429 = arith.constant 0 : i32
                %swap3A_430 = arith.index_cast %swap3A_429 : i32 to index
                %swap3A_431 = memref.load %arg12[%swap3A_430] : memref<2xi32, #tpu.memory_space<smem>>
                memref.store %add3A_428, %arg12[%swap3A_430] : memref<2xi32, #tpu.memory_space<smem>>
                %get3A_432 = arith.constant 1 : i32
                %get3A_433 = arith.index_cast %get3A_432 : i32 to index
                %get3A_434 = memref.load %arg12[%get3A_433] : memref<2xi32, #tpu.memory_space<smem>>
                %add3A_435 = arith.addi %get3A_434, %squeeze3A_418 : i32
                %swap3A_436 = arith.constant 1 : i32
                %swap3A_437 = arith.index_cast %swap3A_436 : i32 to index
                %swap3A_438 = memref.load %arg12[%swap3A_437] : memref<2xi32, #tpu.memory_space<smem>>
                memref.store %add3A_435, %arg12[%swap3A_437] : memref<2xi32, #tpu.memory_space<smem>>
              }
              %scan3A_404 = arith.constant 8 : i32
            } else {
            }
            %get3A_389 = arith.constant 0 : i32
            %get3A_390 = arith.index_cast %get3A_389 : i32 to index
            %get3A_391 = memref.load %arg12[%get3A_390] : memref<2xi32, #tpu.memory_space<smem>>
            %add3A_392 = arith.constant 128 : i32
            %add3A_393 = arith.addi %get3A_391, %add3A_392 : i32
            %gt3A_394 = arith.constant 2048 : i32
            %gt3A_395 = arith.cmpi sgt, %add3A_393, %gt3A_394 : i32
            %convert_element_type3A_396 = arith.extui %gt3A_395 : i1 to i32
            %cond3A_397 = arith.constant 0 : i32
            %cond3A_398 = arith.cmpi ne, %convert_element_type3A_396, %cond3A_397 : i32
            scf.if %cond3A_398 {
              %get3A_399 = arith.constant 1 : i32
              %get3A_400 = arith.index_cast %get3A_399 : i32 to index
              %get3A_401 = memref.load %arg12[%get3A_400] : memref<2xi32, #tpu.memory_space<smem>>
              %add3A_402 = arith.constant 1 : i32
              %add3A_403 = arith.addi %get3A_401, %add3A_402 : i32
              %swap3A_404 = arith.constant 1 : i32
              %swap3A_405 = arith.index_cast %swap3A_404 : i32 to index
              %swap3A_406 = memref.load %arg12[%swap3A_405] : memref<2xi32, #tpu.memory_space<smem>>
              memref.store %add3A_403, %arg12[%swap3A_405] : memref<2xi32, #tpu.memory_space<smem>>
            } else {
            }
          } else {
          }
        } else {
        }
      }
      %scan3A_102 = arith.constant 32 : i32
      %get3A = arith.constant 0 : i32
      %get3A_103 = arith.index_cast %get3A : i32 to index
      %get3A_104 = memref.load %arg12[%get3A_103] : memref<2xi32, #tpu.memory_space<smem>>
      %get3A_105 = arith.constant 1 : i32
      %get3A_106 = arith.index_cast %get3A_105 : i32 to index
      %get3A_107 = memref.load %arg12[%get3A_106] : memref<2xi32, #tpu.memory_space<smem>>
      %broadcast_in_dim3A_108 = arith.constant 0xFF800000 : f32
      %broadcast_in_dim3A_109 = vector.broadcast %broadcast_in_dim3A_108 : f32 to vector<16xf32>
      %swap3A_110 = arith.index_cast %get3A_104 : i32 to index
      %swap3A_111 = tpu.vector_load %arg7[%swap3A_110] {strides = array<i32>} : memref<2064xf32, #tpu.memory_space<vmem>>, vector<16xf32>,
      tpu.vector_store %arg7[%swap3A_110], %broadcast_in_dim3A_109 {strides = array<i32>} : memref<2064xf32, #tpu.memory_space<vmem>>, vector<16xf32>,
      %broadcast_in_dim3A_112 = arith.constant 2147483647 : i32
      %broadcast_in_dim3A_113 = vector.broadcast %broadcast_in_dim3A_112 : i32 to vector<16xi32>
      %swap3A_114 = arith.index_cast %get3A_104 : i32 to index
      %swap3A_115 = tpu.vector_load %arg8[%swap3A_114] {strides = array<i32>} : memref<2064xi32, #tpu.memory_space<vmem>>, vector<16xi32>,
      tpu.vector_store %arg8[%swap3A_114], %broadcast_in_dim3A_113 {strides = array<i32>} : memref<2064xi32, #tpu.memory_space<vmem>>, vector<16xi32>,
      %eq3A_116 = arith.cmpi eq, %get3A_107, %get3A_104 : i32
      %convert_element_type3A = arith.extui %eq3A_116 : i1 to i32
      %cond3A = arith.constant 0 : i32
      %cond3A_117 = arith.cmpi ne, %convert_element_type3A, %cond3A : i32
      scf.if %cond3A_117 {
        %add3A_230 = arith.constant 16 : i32
        %add3A_231 = arith.addi %get3A_104, %add3A_230 : i32
        %sub3A = arith.constant 1 : i32
        %sub3A_232 = arith.subi %add3A_231, %sub3A : i32
        %jit3A_233 = arith.constant 16 : i32
        %div3A = arith.divsi %sub3A_232, %jit3A_233 : i32
        %sign3A = arith.constant 0 : i32
        %sign3A_234 = arith.cmpi sgt, %sub3A_232, %sign3A : i32
        %sign3A_235 = arith.extui %sign3A_234 : i1 to i32
        %sign3A_236 = arith.constant 0 : i32
        %sign3A_237 = arith.cmpi slt, %sub3A_232, %sign3A_236 : i32
        %sign3A_238 = arith.extui %sign3A_237 : i1 to i32
        %sign3A_239 = arith.subi %sign3A_235, %sign3A_238 : i32
        %sign3A_240 = arith.constant 0 : i32
        %sign3A_241 = arith.cmpi sgt, %jit3A_233, %sign3A_240 : i32
        %sign3A_242 = arith.extui %sign3A_241 : i1 to i32
        %sign3A_243 = arith.constant 0 : i32
        %sign3A_244 = arith.cmpi slt, %jit3A_233, %sign3A_243 : i32
        %sign3A_245 = arith.extui %sign3A_244 : i1 to i32
        %sign3A_246 = arith.subi %sign3A_242, %sign3A_245 : i32
        %ne3A_247 = arith.cmpi ne, %sign3A_239, %sign3A_246 : i32
        %rem3A = arith.remsi %sub3A_232, %jit3A_233 : i32
        %ne3A_248 = arith.constant 0 : i32
        %ne3A_249 = arith.cmpi ne, %rem3A, %ne3A_248 : i32
        %and3A = arith.andi %ne3A_247, %ne3A_249 : i1
        %sub3A_250 = arith.constant 1 : i32
        %sub3A_251 = arith.subi %div3A, %sub3A_250 : i32
        %select_n3A_252 = arith.select %and3A, %sub3A_251, %div3A : i32
        %broadcast_in_dim3A_253 = arith.constant 0xFF800000 : f32
        %broadcast_in_dim3A_254 = vector.broadcast %broadcast_in_dim3A_253 : f32 to vector<16xf32>
        %broadcast_in_dim3A_255 = arith.constant 2147483647 : i32
        %broadcast_in_dim3A_256 = vector.broadcast %broadcast_in_dim3A_255 : i32 to vector<16xi32>
        %while3A = arith.constant 0 : i32
        %while3A_257 = arith.subi %select_n3A_252, %while3A : i32
        %while3A_258 = arith.addi %while3A, %while3A_257 : i32
        %while3A_259 = arith.constant 1 : i32
        %while3A_260 = arith.divsi %while3A_257, %while3A_259 : i32
        %while3A_261 = arith.muli %while3A_260, %while3A_259 : i32
        %while3A_262 = arith.addi %while3A, %while3A_261 : i32
        %while3A_263 = arith.constant 1 : i32
        %while3A_264:2 = scf.for %while3A_282 = %while3A to %while3A_262 step %while3A_263 iter_args(%while3A_283 = %broadcast_in_dim3A_254, %while3A_284 = %broadcast_in_dim3A_256) -> (vector<16xf32>, vector<16xi32>)  : i32 {
          %mul3A_285 = arith.constant 16 : i32
          %mul3A_286 = arith.muli %while3A_282, %mul3A_285 : i32
          %get3A_287 = arith.index_cast %mul3A_286 : i32 to index
          %get3A_288 = tpu.vector_load %arg7[%get3A_287] {strides = array<i32>} : memref<2064xf32, #tpu.memory_space<vmem>>, vector<16xf32>,
          %mul3A_289 = arith.constant 16 : i32
          %mul3A_290 = arith.muli %while3A_282, %mul3A_289 : i32
          %get3A_291 = arith.index_cast %mul3A_290 : i32 to index
          %get3A_292 = tpu.vector_load %arg8[%get3A_291] {strides = array<i32>} : memref<2064xi32, #tpu.memory_space<vmem>>, vector<16xi32>,
          %masked_sort3A_293 = arith.constant dense<true> : vector<16xi1>
          %masked_sort3A_294, %masked_sort3A_295, %masked_sort3A_296 = tpu.sort %get3A_288, %get3A_292 masked %masked_sort3A_293 : (vector<16xf32>, vector<16xi32>, vector<16xi1>) -> (vector<16xi1>, vector<16xf32>, vector<16xi32>)
          %ge3A = arith.cmpf oge, %while3A_283, %masked_sort3A_295 : vector<16xf32>
          %select_n3A_297 = arith.select %ge3A, %while3A_283, %masked_sort3A_295 : vector<16xi1>, vector<16xf32>
          %select_n3A_298 = arith.select %ge3A, %while3A_284, %masked_sort3A_296 : vector<16xi1>, vector<16xi32>
          %masked_sort3A_299 = arith.constant dense<true> : vector<16xi1>
          %masked_sort3A_300, %masked_sort3A_301, %masked_sort3A_302 = tpu.sort %select_n3A_297, %select_n3A_298 masked %masked_sort3A_299 {descending = true} : (vector<16xf32>, vector<16xi32>, vector<16xi1>) -> (vector<16xi1>, vector<16xf32>, vector<16xi32>)
          scf.yield %masked_sort3A_301, %masked_sort3A_302 : vector<16xf32>, vector<16xi32>
        }
        %while3A_265 = arith.constant 1 : i32
        %while3A_266:2 = scf.for %while3A_282 = %while3A_262 to %while3A_258 step %while3A_265 iter_args(%while3A_283 = %while3A_264#0, %while3A_284 = %while3A_264#1) -> (vector<16xf32>, vector<16xi32>)  : i32 {
          %mul3A_285 = arith.constant 16 : i32
          %mul3A_286 = arith.muli %while3A_282, %mul3A_285 : i32
          %get3A_287 = arith.index_cast %mul3A_286 : i32 to index
          %get3A_288 = tpu.vector_load %arg7[%get3A_287] {strides = array<i32>} : memref<2064xf32, #tpu.memory_space<vmem>>, vector<16xf32>,
          %mul3A_289 = arith.constant 16 : i32
          %mul3A_290 = arith.muli %while3A_282, %mul3A_289 : i32
          %get3A_291 = arith.index_cast %mul3A_290 : i32 to index
          %get3A_292 = tpu.vector_load %arg8[%get3A_291] {strides = array<i32>} : memref<2064xi32, #tpu.memory_space<vmem>>, vector<16xi32>,
          %masked_sort3A_293 = arith.constant dense<true> : vector<16xi1>
          %masked_sort3A_294, %masked_sort3A_295, %masked_sort3A_296 = tpu.sort %get3A_288, %get3A_292 masked %masked_sort3A_293 : (vector<16xf32>, vector<16xi32>, vector<16xi1>) -> (vector<16xi1>, vector<16xf32>, vector<16xi32>)
          %ge3A = arith.cmpf oge, %while3A_283, %masked_sort3A_295 : vector<16xf32>
          %select_n3A_297 = arith.select %ge3A, %while3A_283, %masked_sort3A_295 : vector<16xi1>, vector<16xf32>
          %select_n3A_298 = arith.select %ge3A, %while3A_284, %masked_sort3A_296 : vector<16xi1>, vector<16xi32>
          %masked_sort3A_299 = arith.constant dense<true> : vector<16xi1>
          %masked_sort3A_300, %masked_sort3A_301, %masked_sort3A_302 = tpu.sort %select_n3A_297, %select_n3A_298 masked %masked_sort3A_299 {descending = true} : (vector<16xf32>, vector<16xi32>, vector<16xi1>) -> (vector<16xi1>, vector<16xf32>, vector<16xi32>)
          scf.yield %masked_sort3A_301, %masked_sort3A_302 : vector<16xf32>, vector<16xi32>
        }
        %mul3A_267 = arith.constant 8 : i32
        %mul3A_268 = arith.muli %add3A_39, %mul3A_267 : i32
        %exp3A = math.exp %while3A_266#0 : vector<16xf32>
        %div3A_269 = arith.divf %exp3A, %broadcast_in_dim3A_79 : vector<16xf32>
        %lt3A_270 = arith.constant 8 : i32
        %lt3A_271 = vector.broadcast %lt3A_270 : i32 to vector<16xi32>
        %lt3A_272 = arith.cmpi slt, %iota3A, %lt3A_271 : vector<16xi32>
        %swap3A_273 = arith.index_cast %mul3A_268 : i32 to index
        %swap3A_274 = tpu.vector_load %arg9[%swap3A_273] masked %lt3A_272 {strides = array<i32>} : memref<48xf32, #tpu.memory_space<vmem>>, vector<16xf32>, vector<16xi1>
        tpu.vector_store %arg9[%swap3A_273], %div3A_269 masked %lt3A_272 {strides = array<i32>} : memref<48xf32, #tpu.memory_space<vmem>>, vector<16xf32>, vector<16xi1>
        %mul3A_275 = arith.constant 8 : i32
        %mul3A_276 = arith.muli %add3A_39, %mul3A_275 : i32
        %lt3A_277 = arith.constant 8 : i32
        %lt3A_278 = vector.broadcast %lt3A_277 : i32 to vector<16xi32>
        %lt3A_279 = arith.cmpi slt, %iota3A, %lt3A_278 : vector<16xi32>
        %swap3A_280 = arith.index_cast %mul3A_276 : i32 to index
        %swap3A_281 = tpu.vector_load %arg10[%swap3A_280] masked %lt3A_279 {strides = array<i32>} : memref<48xi32, #tpu.memory_space<vmem>>, vector<16xi32>, vector<16xi1>
        tpu.vector_store %arg10[%swap3A_280], %while3A_266#1 masked %lt3A_279 {strides = array<i32>} : memref<48xi32, #tpu.memory_space<vmem>>, vector<16xi32>, vector<16xi1>
      } else {
      }
      %ne3A = arith.cmpi ne, %get3A_107, %get3A_104 : i32
      %convert_element_type3A_118 = arith.extui %ne3A : i1 to i32
      %cond3A_119 = arith.constant 0 : i32
      %cond3A_120 = arith.cmpi ne, %convert_element_type3A_118, %cond3A_119 : i32
      scf.if %cond3A_120 {
        %broadcast_in_dim3A_230 = arith.constant 0xFF800000 : f32
        %broadcast_in_dim3A_231 = vector.broadcast %broadcast_in_dim3A_230 : f32 to vector<16xf32>
        %broadcast_in_dim3A_232 = arith.constant 2147483647 : i32
        %broadcast_in_dim3A_233 = vector.broadcast %broadcast_in_dim3A_232 : i32 to vector<16xi32>
        %scan3A_234 = arith.constant 0 : i32
        %scan3A_235 = arith.constant 2048 : i32
        %scan3A_236 = arith.addi %scan3A_234, %scan3A_235 : i32
        %scan3A_237 = arith.constant 1 : i32
        %scan3A_238:2 = scf.for %scan3A_254 = %scan3A_234 to %scan3A_236 step %scan3A_237 iter_args(%scan3A_255 = %broadcast_in_dim3A_231, %scan3A_256 = %broadcast_in_dim3A_233) -> (vector<16xf32>, vector<16xi32>)  : i32 {
          %mul3A_257 = arith.constant 16 : i32
          %mul3A_258 = arith.muli %scan3A_254, %mul3A_257 : i32
          %add3A_259 = arith.constant 0 : i32
          %add3A_260 = arith.addi %add3A_259, %mul3A_258 : i32
          %get3A_261 = arith.index_cast %add3A_260 : i32 to index
          %get3A_262 = tpu.vector_load %arg5[%get3A_261] {strides = array<i32>} : memref<65536xf32, #tpu.memory_space<vmem>>, vector<16xf32>,
          %mul3A_263 = arith.constant 16 : i32
          %mul3A_264 = arith.muli %scan3A_254, %mul3A_263 : i32
          %add3A_265 = vector.broadcast %mul3A_264 : i32 to vector<16xi32>
          %add3A_266 = arith.addi %add3A_265, %iota3A : vector<16xi32>
          %masked_sort3A_267 = arith.constant dense<true> : vector<16xi1>
          %masked_sort3A_268, %masked_sort3A_269, %masked_sort3A_270 = tpu.sort %get3A_262, %add3A_266 masked %masked_sort3A_267 : (vector<16xf32>, vector<16xi32>, vector<16xi1>) -> (vector<16xi1>, vector<16xf32>, vector<16xi32>)
          %ge3A = arith.cmpf oge, %scan3A_255, %masked_sort3A_269 : vector<16xf32>
          %select_n3A_271 = arith.select %ge3A, %scan3A_255, %masked_sort3A_269 : vector<16xi1>, vector<16xf32>
          %select_n3A_272 = arith.select %ge3A, %scan3A_256, %masked_sort3A_270 : vector<16xi1>, vector<16xi32>
          %masked_sort3A_273 = arith.constant dense<true> : vector<16xi1>
          %masked_sort3A_274, %masked_sort3A_275, %masked_sort3A_276 = tpu.sort %select_n3A_271, %select_n3A_272 masked %masked_sort3A_273 {descending = true} : (vector<16xf32>, vector<16xi32>, vector<16xi1>) -> (vector<16xi1>, vector<16xf32>, vector<16xi32>)
          scf.yield %masked_sort3A_275, %masked_sort3A_276 : vector<16xf32>, vector<16xi32>
        }
        %scan3A_239 = arith.constant 2048 : i32
        %mul3A_240 = arith.constant 8 : i32
        %mul3A_241 = arith.muli %add3A_39, %mul3A_240 : i32
        %exp3A = math.exp %scan3A_238#0 : vector<16xf32>
        %div3A = arith.divf %exp3A, %broadcast_in_dim3A_79 : vector<16xf32>
        %lt3A_242 = arith.constant 8 : i32
        %lt3A_243 = vector.broadcast %lt3A_242 : i32 to vector<16xi32>
        %lt3A_244 = arith.cmpi slt, %iota3A, %lt3A_243 : vector<16xi32>
        %swap3A_245 = arith.index_cast %mul3A_241 : i32 to index
        %swap3A_246 = tpu.vector_load %arg9[%swap3A_245] masked %lt3A_244 {strides = array<i32>} : memref<48xf32, #tpu.memory_space<vmem>>, vector<16xf32>, vector<16xi1>
        tpu.vector_store %arg9[%swap3A_245], %div3A masked %lt3A_244 {strides = array<i32>} : memref<48xf32, #tpu.memory_space<vmem>>, vector<16xf32>, vector<16xi1>
        %mul3A_247 = arith.constant 8 : i32
        %mul3A_248 = arith.muli %add3A_39, %mul3A_247 : i32
        %lt3A_249 = arith.constant 8 : i32
        %lt3A_250 = vector.broadcast %lt3A_249 : i32 to vector<16xi32>
        %lt3A_251 = arith.cmpi slt, %iota3A, %lt3A_250 : vector<16xi32>
        %swap3A_252 = arith.index_cast %mul3A_248 : i32 to index
        %swap3A_253 = tpu.vector_load %arg10[%swap3A_252] masked %lt3A_251 {strides = array<i32>} : memref<48xi32, #tpu.memory_space<vmem>>, vector<16xi32>, vector<16xi1>
        tpu.vector_store %arg10[%swap3A_252], %scan3A_238#1 masked %lt3A_251 {strides = array<i32>} : memref<48xi32, #tpu.memory_space<vmem>>, vector<16xi32>, vector<16xi1>
      } else {
      }
      %lt3A = arith.constant 1 : i32
      %lt3A_121 = arith.cmpi slt, %scan3A_34, %lt3A : i32
      %convert_element_type3A_122 = arith.extui %lt3A_121 : i1 to i32
      %cond3A_123 = arith.constant 0 : i32
      %cond3A_124 = arith.cmpi ne, %convert_element_type3A_122, %cond3A_123 : i32
      scf.if %cond3A_124 {
        %add3A_230 = arith.addi %mul3A_2, %add3A_39 : i32
        %add3A_231 = arith.constant 2 : i32
        %add3A_232 = arith.addi %add3A_230, %add3A_231 : i32
        %dma_start3A_233 = arith.constant 0 : i32
        %dma_start3A_234 = tpu.memref_slice %arg5[%dma_start3A_233] : memref<65536xf32, #tpu.memory_space<vmem>> -> memref<32768xf32, #tpu.memory_space<vmem>>
        %dma_start3A_235 = arith.constant 0 : i32
        %dma_start3A_236 = tpu.memref_slice %arg2[%add3A_232, %dma_start3A_235] : memref<128x32768xf32, #tpu.memory_space<hbm>> -> memref<1x32768xf32, #tpu.memory_space<hbm>>
        %dma_start3A_237 = tpu.memref_squeeze %dma_start3A_236 : memref<1x32768xf32, #tpu.memory_space<hbm>> -> memref<32768xf32, #tpu.memory_space<hbm>>
        %dma_start3A_238 = arith.constant 0 : i32
        %dma_start3A_239 = tpu.memref_slice %arg5[%dma_start3A_238] : memref<65536xf32, #tpu.memory_space<vmem>> -> memref<32768xf32, #tpu.memory_space<vmem>>
        %dma_start3A_240 = arith.constant 0 : i32
        %dma_start3A_241 = tpu.memref_slice %arg2[%add3A_232, %dma_start3A_240] : memref<128x32768xf32, #tpu.memory_space<hbm>> -> memref<1x32768xf32, #tpu.memory_space<hbm>>
        %dma_start3A_242 = tpu.memref_squeeze %dma_start3A_241 : memref<1x32768xf32, #tpu.memory_space<hbm>> -> memref<32768xf32, #tpu.memory_space<hbm>>
        tpu.enqueue_dma source(%dma_start3A_242 : memref<32768xf32, #tpu.memory_space<hbm>>) target(%dma_start3A_239 : memref<32768xf32, #tpu.memory_space<vmem>>) target_semaphore(%arg13 : memref<!tpu.dma_semaphore, #tpu.memory_space<semaphore_mem>>)
      } else {
      }
      %mul3A_125 = arith.constant 2 : i32
      %mul3A_126 = arith.muli %mul3A_125, %scan3A_34 : i32
      %add3A_127 = arith.constant 1 : i32
      %add3A_128 = arith.addi %mul3A_126, %add3A_127 : i32
      %dma_wait3A_129 = arith.constant 32768 : i32
      %dma_wait3A_130 = tpu.memref_slice %arg5[%dma_wait3A_129] : memref<65536xf32, #tpu.memory_space<vmem>> -> memref<32768xf32, #tpu.memory_space<vmem>>
      %dma_wait3A_131 = arith.constant 0 : i32
      %dma_wait3A_132 = tpu.memref_slice %arg2[%mul3A_2, %dma_wait3A_131] : memref<128x32768xf32, #tpu.memory_space<hbm>> -> memref<1x32768xf32, #tpu.memory_space<hbm>>
      %dma_wait3A_133 = tpu.memref_squeeze %dma_wait3A_132 : memref<1x32768xf32, #tpu.memory_space<hbm>> -> memref<32768xf32, #tpu.memory_space<hbm>>
      %dma_wait3A_134 = arith.constant 32768 : i32
      %dma_wait3A_135 = tpu.memref_slice %arg5[%dma_wait3A_134] : memref<65536xf32, #tpu.memory_space<vmem>> -> memref<32768xf32, #tpu.memory_space<vmem>>
      %dma_wait3A_136 = arith.constant 0 : i32
      %dma_wait3A_137 = tpu.memref_slice %arg2[%mul3A_2, %dma_wait3A_136] : memref<128x32768xf32, #tpu.memory_space<hbm>> -> memref<1x32768xf32, #tpu.memory_space<hbm>>
      %dma_wait3A_138 = tpu.memref_squeeze %dma_wait3A_137 : memref<1x32768xf32, #tpu.memory_space<hbm>> -> memref<32768xf32, #tpu.memory_space<hbm>>
      tpu.wait_dma2 semaphore(%arg14 : memref<!tpu.dma_semaphore, #tpu.memory_space<semaphore_mem>>) src(%dma_wait3A_138 : memref<32768xf32, #tpu.memory_space<hbm>>) dst(%dma_wait3A_135 : memref<32768xf32, #tpu.memory_space<vmem>>)
      %broadcast_in_dim3A_139 = arith.constant 0xFF800000 : f32
      %broadcast_in_dim3A_140 = vector.broadcast %broadcast_in_dim3A_139 : f32 to vector<16xf32>
      %broadcast_in_dim3A_141 = arith.constant 0.000000e+00 : f32
      %broadcast_in_dim3A_142 = vector.broadcast %broadcast_in_dim3A_141 : f32 to vector<16xf32>
      %broadcast_in_dim3A_143 = arith.constant 0.000000e+00 : f32
      %broadcast_in_dim3A_144 = vector.broadcast %broadcast_in_dim3A_143 : f32 to vector<16xf32>
      %broadcast_in_dim3A_145 = arith.constant 0.000000e+00 : f32
      %broadcast_in_dim3A_146 = vector.broadcast %broadcast_in_dim3A_145 : f32 to vector<16xf32>
      %broadcast_in_dim3A_147 = arith.constant 0.000000e+00 : f32
      %broadcast_in_dim3A_148 = vector.broadcast %broadcast_in_dim3A_147 : f32 to vector<16xf32>
      %broadcast_in_dim3A_149 = arith.constant 0.000000e+00 : f32
      %broadcast_in_dim3A_150 = vector.broadcast %broadcast_in_dim3A_149 : f32 to vector<16xf32>
      %broadcast_in_dim3A_151 = arith.constant 0.000000e+00 : f32
      %broadcast_in_dim3A_152 = vector.broadcast %broadcast_in_dim3A_151 : f32 to vector<16xf32>
      %broadcast_in_dim3A_153 = arith.constant 0.000000e+00 : f32
      %broadcast_in_dim3A_154 = vector.broadcast %broadcast_in_dim3A_153 : f32 to vector<16xf32>
      %broadcast_in_dim3A_155 = arith.constant 0.000000e+00 : f32
      %broadcast_in_dim3A_156 = vector.broadcast %broadcast_in_dim3A_155 : f32 to vector<16xf32>
      %parallel_loop3A_157 = arith.constant 0 : i32
      %parallel_loop3A_158 = arith.constant 256 : i32
      %parallel_loop3A_159 = arith.constant 1 : i32
      %parallel_loop3A_160:9 = scf.for %parallel_loop3A_230 = %parallel_loop3A_157 to %parallel_loop3A_158 step %parallel_loop3A_159 iter_args(%parallel_loop3A_231 = %broadcast_in_dim3A_140, %parallel_loop3A_232 = %broadcast_in_dim3A_142, %parallel_loop3A_233 = %broadcast_in_dim3A_144, %parallel_loop3A_234 = %broadcast_in_dim3A_146, %parallel_loop3A_235 = %broadcast_in_dim3A_148, %parallel_loop3A_236 = %broadcast_in_dim3A_150, %parallel_loop3A_237 = %broadcast_in_dim3A_152, %parallel_loop3A_238 = %broadcast_in_dim3A_154, %parallel_loop3A_239 = %broadcast_in_dim3A_156) -> (vector<16xf32>, vector<16xf32>, vector<16xf32>, vector<16xf32>, vector<16xf32>, vector<16xf32>, vector<16xf32>, vector<16xf32>, vector<16xf32>)  : i32 {
        %parallel_loop3A_240 = arith.constant 8 : i32
        %parallel_loop3A_241 = arith.muli %parallel_loop3A_230, %parallel_loop3A_240 : i32
        %parallel_loop3A_242 = arith.constant 0 : i32
        %parallel_loop3A_243 = arith.addi %parallel_loop3A_241, %parallel_loop3A_242 : i32
        %parallel_loop3A_244 = arith.constant 16 : i32
        %parallel_loop3A_245 = arith.muli %parallel_loop3A_243, %parallel_loop3A_244 : i32
        %parallel_loop3A_246 = arith.constant 32768 : i32
        %parallel_loop3A_247 = arith.addi %parallel_loop3A_246, %parallel_loop3A_245 : i32
        %parallel_loop3A_248 = arith.index_cast %parallel_loop3A_247 : i32 to index
        %parallel_loop3A_249 = tpu.vector_load %arg5[%parallel_loop3A_248] {strides = array<i32>} : memref<65536xf32, #tpu.memory_space<vmem>>, vector<16xf32>,
        %parallel_loop3A_250 = arith.constant 8 : i32
        %parallel_loop3A_251 = arith.muli %parallel_loop3A_230, %parallel_loop3A_250 : i32
        %parallel_loop3A_252 = arith.constant 1 : i32
        %parallel_loop3A_253 = arith.addi %parallel_loop3A_251, %parallel_loop3A_252 : i32
        %parallel_loop3A_254 = arith.constant 16 : i32
        %parallel_loop3A_255 = arith.muli %parallel_loop3A_253, %parallel_loop3A_254 : i32
        %parallel_loop3A_256 = arith.constant 32768 : i32
        %parallel_loop3A_257 = arith.addi %parallel_loop3A_256, %parallel_loop3A_255 : i32
        %parallel_loop3A_258 = arith.index_cast %parallel_loop3A_257 : i32 to index
        %parallel_loop3A_259 = tpu.vector_load %arg5[%parallel_loop3A_258] {strides = array<i32>} : memref<65536xf32, #tpu.memory_space<vmem>>, vector<16xf32>,
        %parallel_loop3A_260 = arith.constant 8 : i32
        %parallel_loop3A_261 = arith.muli %parallel_loop3A_230, %parallel_loop3A_260 : i32
        %parallel_loop3A_262 = arith.constant 2 : i32
        %parallel_loop3A_263 = arith.addi %parallel_loop3A_261, %parallel_loop3A_262 : i32
        %parallel_loop3A_264 = arith.constant 16 : i32
        %parallel_loop3A_265 = arith.muli %parallel_loop3A_263, %parallel_loop3A_264 : i32
        %parallel_loop3A_266 = arith.constant 32768 : i32
        %parallel_loop3A_267 = arith.addi %parallel_loop3A_266, %parallel_loop3A_265 : i32
        %parallel_loop3A_268 = arith.index_cast %parallel_loop3A_267 : i32 to index
        %parallel_loop3A_269 = tpu.vector_load %arg5[%parallel_loop3A_268] {strides = array<i32>} : memref<65536xf32, #tpu.memory_space<vmem>>, vector<16xf32>,
        %parallel_loop3A_270 = arith.constant 8 : i32
        %parallel_loop3A_271 = arith.muli %parallel_loop3A_230, %parallel_loop3A_270 : i32
        %parallel_loop3A_272 = arith.constant 3 : i32
        %parallel_loop3A_273 = arith.addi %parallel_loop3A_271, %parallel_loop3A_272 : i32
        %parallel_loop3A_274 = arith.constant 16 : i32
        %parallel_loop3A_275 = arith.muli %parallel_loop3A_273, %parallel_loop3A_274 : i32
        %parallel_loop3A_276 = arith.constant 32768 : i32
        %parallel_loop3A_277 = arith.addi %parallel_loop3A_276, %parallel_loop3A_275 : i32
        %parallel_loop3A_278 = arith.index_cast %parallel_loop3A_277 : i32 to index
        %parallel_loop3A_279 = tpu.vector_load %arg5[%parallel_loop3A_278] {strides = array<i32>} : memref<65536xf32, #tpu.memory_space<vmem>>, vector<16xf32>,
        %parallel_loop3A_280 = arith.constant 8 : i32
        %parallel_loop3A_281 = arith.muli %parallel_loop3A_230, %parallel_loop3A_280 : i32
        %parallel_loop3A_282 = arith.constant 4 : i32
        %parallel_loop3A_283 = arith.addi %parallel_loop3A_281, %parallel_loop3A_282 : i32
        %parallel_loop3A_284 = arith.constant 16 : i32
        %parallel_loop3A_285 = arith.muli %parallel_loop3A_283, %parallel_loop3A_284 : i32
        %parallel_loop3A_286 = arith.constant 32768 : i32
        %parallel_loop3A_287 = arith.addi %parallel_loop3A_286, %parallel_loop3A_285 : i32
        %parallel_loop3A_288 = arith.index_cast %parallel_loop3A_287 : i32 to index
        %parallel_loop3A_289 = tpu.vector_load %arg5[%parallel_loop3A_288] {strides = array<i32>} : memref<65536xf32, #tpu.memory_space<vmem>>, vector<16xf32>,
        %parallel_loop3A_290 = arith.constant 8 : i32
        %parallel_loop3A_291 = arith.muli %parallel_loop3A_230, %parallel_loop3A_290 : i32
        %parallel_loop3A_292 = arith.constant 5 : i32
        %parallel_loop3A_293 = arith.addi %parallel_loop3A_291, %parallel_loop3A_292 : i32
        %parallel_loop3A_294 = arith.constant 16 : i32
        %parallel_loop3A_295 = arith.muli %parallel_loop3A_293, %parallel_loop3A_294 : i32
        %parallel_loop3A_296 = arith.constant 32768 : i32
        %parallel_loop3A_297 = arith.addi %parallel_loop3A_296, %parallel_loop3A_295 : i32
        %parallel_loop3A_298 = arith.index_cast %parallel_loop3A_297 : i32 to index
        %parallel_loop3A_299 = tpu.vector_load %arg5[%parallel_loop3A_298] {strides = array<i32>} : memref<65536xf32, #tpu.memory_space<vmem>>, vector<16xf32>,
        %parallel_loop3A_300 = arith.constant 8 : i32
        %parallel_loop3A_301 = arith.muli %parallel_loop3A_230, %parallel_loop3A_300 : i32
        %parallel_loop3A_302 = arith.constant 6 : i32
        %parallel_loop3A_303 = arith.addi %parallel_loop3A_301, %parallel_loop3A_302 : i32
        %parallel_loop3A_304 = arith.constant 16 : i32
        %parallel_loop3A_305 = arith.muli %parallel_loop3A_303, %parallel_loop3A_304 : i32
        %parallel_loop3A_306 = arith.constant 32768 : i32
        %parallel_loop3A_307 = arith.addi %parallel_loop3A_306, %parallel_loop3A_305 : i32
        %parallel_loop3A_308 = arith.index_cast %parallel_loop3A_307 : i32 to index
        %parallel_loop3A_309 = tpu.vector_load %arg5[%parallel_loop3A_308] {strides = array<i32>} : memref<65536xf32, #tpu.memory_space<vmem>>, vector<16xf32>,
        %parallel_loop3A_310 = arith.constant 8 : i32
        %parallel_loop3A_311 = arith.muli %parallel_loop3A_230, %parallel_loop3A_310 : i32
        %parallel_loop3A_312 = arith.constant 7 : i32
        %parallel_loop3A_313 = arith.addi %parallel_loop3A_311, %parallel_loop3A_312 : i32
        %parallel_loop3A_314 = arith.constant 16 : i32
        %parallel_loop3A_315 = arith.muli %parallel_loop3A_313, %parallel_loop3A_314 : i32
        %parallel_loop3A_316 = arith.constant 32768 : i32
        %parallel_loop3A_317 = arith.addi %parallel_loop3A_316, %parallel_loop3A_315 : i32
        %parallel_loop3A_318 = arith.index_cast %parallel_loop3A_317 : i32 to index
        %parallel_loop3A_319 = tpu.vector_load %arg5[%parallel_loop3A_318] {strides = array<i32>} : memref<65536xf32, #tpu.memory_space<vmem>>, vector<16xf32>,
        %parallel_loop3A_320 = math.exp %parallel_loop3A_249 : vector<16xf32>
        %parallel_loop3A_321 = arith.addf %parallel_loop3A_232, %parallel_loop3A_320 : vector<16xf32>
        %parallel_loop3A_322 = math.exp %parallel_loop3A_259 : vector<16xf32>
        %parallel_loop3A_323 = arith.addf %parallel_loop3A_233, %parallel_loop3A_322 : vector<16xf32>
        %parallel_loop3A_324 = math.exp %parallel_loop3A_269 : vector<16xf32>
        %parallel_loop3A_325 = arith.addf %parallel_loop3A_234, %parallel_loop3A_324 : vector<16xf32>
        %parallel_loop3A_326 = math.exp %parallel_loop3A_279 : vector<16xf32>
        %parallel_loop3A_327 = arith.addf %parallel_loop3A_235, %parallel_loop3A_326 : vector<16xf32>
        %parallel_loop3A_328 = math.exp %parallel_loop3A_289 : vector<16xf32>
        %parallel_loop3A_329 = arith.addf %parallel_loop3A_236, %parallel_loop3A_328 : vector<16xf32>
        %parallel_loop3A_330 = math.exp %parallel_loop3A_299 : vector<16xf32>
        %parallel_loop3A_331 = arith.addf %parallel_loop3A_237, %parallel_loop3A_330 : vector<16xf32>
        %parallel_loop3A_332 = math.exp %parallel_loop3A_309 : vector<16xf32>
        %parallel_loop3A_333 = arith.addf %parallel_loop3A_238, %parallel_loop3A_332 : vector<16xf32>
        %parallel_loop3A_334 = math.exp %parallel_loop3A_319 : vector<16xf32>
        %parallel_loop3A_335 = arith.addf %parallel_loop3A_239, %parallel_loop3A_334 : vector<16xf32>
        %parallel_loop3A_336 = arith.maximumf %parallel_loop3A_249, %parallel_loop3A_259 : vector<16xf32>
        %parallel_loop3A_337 = arith.maximumf %parallel_loop3A_269, %parallel_loop3A_279 : vector<16xf32>
        %parallel_loop3A_338 = arith.maximumf %parallel_loop3A_289, %parallel_loop3A_299 : vector<16xf32>
        %parallel_loop3A_339 = arith.maximumf %parallel_loop3A_309, %parallel_loop3A_319 : vector<16xf32>
        %parallel_loop3A_340 = arith.maximumf %parallel_loop3A_336, %parallel_loop3A_337 : vector<16xf32>
        %parallel_loop3A_341 = arith.maximumf %parallel_loop3A_338, %parallel_loop3A_339 : vector<16xf32>
        %parallel_loop3A_342 = arith.maximumf %parallel_loop3A_340, %parallel_loop3A_341 : vector<16xf32>
        %parallel_loop3A_343 = arith.constant 16 : i32
        %parallel_loop3A_344 = arith.muli %parallel_loop3A_230, %parallel_loop3A_343 : i32
        %parallel_loop3A_345 = arith.index_cast %parallel_loop3A_344 : i32 to index
        %parallel_loop3A_346 = tpu.vector_load %arg6[%parallel_loop3A_345] {strides = array<i32>} : memref<4096xf32, #tpu.memory_space<vmem>>, vector<16xf32>,
        tpu.vector_store %arg6[%parallel_loop3A_345], %parallel_loop3A_342 {strides = array<i32>} : memref<4096xf32, #tpu.memory_space<vmem>>, vector<16xf32>,
        %parallel_loop3A_347 = arith.maximumf %parallel_loop3A_231, %parallel_loop3A_342 : vector<16xf32>
        scf.yield %parallel_loop3A_347, %parallel_loop3A_321, %parallel_loop3A_323, %parallel_loop3A_325, %parallel_loop3A_327, %parallel_loop3A_329, %parallel_loop3A_331, %parallel_loop3A_333, %parallel_loop3A_335 : vector<16xf32>, vector<16xf32>, vector<16xf32>, vector<16xf32>, vector<16xf32>, vector<16xf32>, vector<16xf32>, vector<16xf32>, vector<16xf32>
      } {sc.loop_unroll_factor = 2 : i64, sc.parallel_access}
      %add3A_161 = arith.addf %parallel_loop3A_160#1, %parallel_loop3A_160#2 : vector<16xf32>
      %add3A_162 = arith.addf %parallel_loop3A_160#3, %parallel_loop3A_160#4 : vector<16xf32>
      %add3A_163 = arith.addf %parallel_loop3A_160#5, %parallel_loop3A_160#6 : vector<16xf32>
      %add3A_164 = arith.addf %parallel_loop3A_160#7, %parallel_loop3A_160#8 : vector<16xf32>
      %add3A_165 = arith.addf %add3A_161, %add3A_162 : vector<16xf32>
      %add3A_166 = arith.addf %add3A_163, %add3A_164 : vector<16xf32>
      %add3A_167 = arith.addf %add3A_165, %add3A_166 : vector<16xf32>
      %reduce_sum3A_168 = arith.constant true
      %reduce_sum3A_169 = vector.broadcast %reduce_sum3A_168 : i1 to vector<16xi1>
      %reduce_sum3A_170 = tpu.scan <sum>, %add3A_167 masked %reduce_sum3A_169 : vector<16xf32>, vector<16xi1> -> vector<16xf32>
      %reduce_sum3A_171 = vector.extract %reduce_sum3A_170[15] : f32 from vector<16xf32>
      %broadcast_in_dim3A_172 = vector.broadcast %reduce_sum3A_171 : f32 to vector<16xf32>
      %masked_sort3A_173 = arith.constant dense<true> : vector<16xi1>
      %masked_sort3A_174, %masked_sort3A_175, %masked_sort3A_176 = tpu.sort %parallel_loop3A_160#0, %iota3A masked %masked_sort3A_173 {descending = true} : (vector<16xf32>, vector<16xi32>, vector<16xi1>) -> (vector<16xi1>, vector<16xf32>, vector<16xi32>)
      %eq3A_177 = arith.constant 7 : i32
      %eq3A_178 = vector.broadcast %eq3A_177 : i32 to vector<16xi32>
      %eq3A_179 = arith.cmpi eq, %iota3A, %eq3A_178 : vector<16xi32>
      %jit3A_180 = arith.constant 0xFF800000 : f32
      %broadcast_in_dim3A_181 = vector.broadcast %jit3A_180 : f32 to vector<16xf32>
      %select_n3A_182 = arith.select %eq3A_179, %masked_sort3A_175, %broadcast_in_dim3A_181 : vector<16xi1>, vector<16xf32>
      %reduce_max3A_183 = arith.constant true
      %reduce_max3A_184 = vector.broadcast %reduce_max3A_183 : i1 to vector<16xi1>
      %reduce_max3A_185 = tpu.scan <max>, %select_n3A_182 masked %reduce_max3A_184 : vector<16xf32>, vector<16xi1> -> vector<16xf32>
      %reduce_max3A_186 = vector.extract %reduce_max3A_185[15] : f32 from vector<16xf32>
      %broadcast_in_dim3A_187 = vector.broadcast %reduce_max3A_186 : f32 to vector<16xf32>
      %swap3A_188 = arith.constant 0 : i32
      %swap3A_189 = arith.constant 0 : i32
      %swap3A_190 = arith.index_cast %swap3A_189 : i32 to index
      %swap3A_191 = memref.load %arg12[%swap3A_190] : memref<2xi32, #tpu.memory_space<smem>>
      memref.store %swap3A_188, %arg12[%swap3A_190] : memref<2xi32, #tpu.memory_space<smem>>
      %swap3A_192 = arith.constant 0 : i32
      %swap3A_193 = arith.constant 1 : i32
      %swap3A_194 = arith.index_cast %swap3A_193 : i32 to index
      %swap3A_195 = memref.load %arg12[%swap3A_194] : memref<2xi32, #tpu.memory_space<smem>>
      memref.store %swap3A_192, %arg12[%swap3A_194] : memref<2xi32, #tpu.memory_space<smem>>
      %scan3A_196 = arith.constant 0 : i32
      %scan3A_197 = arith.constant 0 : i32
      %scan3A_198 = arith.constant 32 : i32
      %scan3A_199 = arith.addi %scan3A_197, %scan3A_198 : i32
      %scan3A_200 = arith.constant 1 : i32
      scf.for %scan3A_230 = %scan3A_197 to %scan3A_199 step %scan3A_200  : i32 {
        %mul3A_231 = arith.constant 8 : i32
        %mul3A_232 = arith.muli %scan3A_230, %mul3A_231 : i32
        %add3A_233 = arith.constant 0 : i32
        %add3A_234 = arith.addi %mul3A_232, %add3A_233 : i32
        %mul3A_235 = arith.constant 16 : i32
        %mul3A_236 = arith.muli %add3A_234, %mul3A_235 : i32
        %get3A_237 = arith.index_cast %mul3A_236 : i32 to index
        %get3A_238 = tpu.vector_load %arg6[%get3A_237] {strides = array<i32>} : memref<4096xf32, #tpu.memory_space<vmem>>, vector<16xf32>,
        %ge3A = arith.cmpf oge, %get3A_238, %broadcast_in_dim3A_187 : vector<16xf32>
        %mul3A_239 = arith.constant 8 : i32
        %mul3A_240 = arith.muli %scan3A_230, %mul3A_239 : i32
        %add3A_241 = arith.constant 1 : i32
        %add3A_242 = arith.addi %mul3A_240, %add3A_241 : i32
        %mul3A_243 = arith.constant 16 : i32
        %mul3A_244 = arith.muli %add3A_242, %mul3A_243 : i32
        %get3A_245 = arith.index_cast %mul3A_244 : i32 to index
        %get3A_246 = tpu.vector_load %arg6[%get3A_245] {strides = array<i32>} : memref<4096xf32, #tpu.memory_space<vmem>>, vector<16xf32>,
        %ge3A_247 = arith.cmpf oge, %get3A_246, %broadcast_in_dim3A_187 : vector<16xf32>
        %or3A = arith.ori %ge3A, %ge3A_247 : vector<16xi1>
        %mul3A_248 = arith.constant 8 : i32
        %mul3A_249 = arith.muli %scan3A_230, %mul3A_248 : i32
        %add3A_250 = arith.constant 2 : i32
        %add3A_251 = arith.addi %mul3A_249, %add3A_250 : i32
        %mul3A_252 = arith.constant 16 : i32
        %mul3A_253 = arith.muli %add3A_251, %mul3A_252 : i32
        %get3A_254 = arith.index_cast %mul3A_253 : i32 to index
        %get3A_255 = tpu.vector_load %arg6[%get3A_254] {strides = array<i32>} : memref<4096xf32, #tpu.memory_space<vmem>>, vector<16xf32>,
        %ge3A_256 = arith.cmpf oge, %get3A_255, %broadcast_in_dim3A_187 : vector<16xf32>
        %or3A_257 = arith.ori %or3A, %ge3A_256 : vector<16xi1>
        %mul3A_258 = arith.constant 8 : i32
        %mul3A_259 = arith.muli %scan3A_230, %mul3A_258 : i32
        %add3A_260 = arith.constant 3 : i32
        %add3A_261 = arith.addi %mul3A_259, %add3A_260 : i32
        %mul3A_262 = arith.constant 16 : i32
        %mul3A_263 = arith.muli %add3A_261, %mul3A_262 : i32
        %get3A_264 = arith.index_cast %mul3A_263 : i32 to index
        %get3A_265 = tpu.vector_load %arg6[%get3A_264] {strides = array<i32>} : memref<4096xf32, #tpu.memory_space<vmem>>, vector<16xf32>,
        %ge3A_266 = arith.cmpf oge, %get3A_265, %broadcast_in_dim3A_187 : vector<16xf32>
        %or3A_267 = arith.ori %or3A_257, %ge3A_266 : vector<16xi1>
        %mul3A_268 = arith.constant 8 : i32
        %mul3A_269 = arith.muli %scan3A_230, %mul3A_268 : i32
        %add3A_270 = arith.constant 4 : i32
        %add3A_271 = arith.addi %mul3A_269, %add3A_270 : i32
        %mul3A_272 = arith.constant 16 : i32
        %mul3A_273 = arith.muli %add3A_271, %mul3A_272 : i32
        %get3A_274 = arith.index_cast %mul3A_273 : i32 to index
        %get3A_275 = tpu.vector_load %arg6[%get3A_274] {strides = array<i32>} : memref<4096xf32, #tpu.memory_space<vmem>>, vector<16xf32>,
        %ge3A_276 = arith.cmpf oge, %get3A_275, %broadcast_in_dim3A_187 : vector<16xf32>
        %or3A_277 = arith.ori %or3A_267, %ge3A_276 : vector<16xi1>
        %mul3A_278 = arith.constant 8 : i32
        %mul3A_279 = arith.muli %scan3A_230, %mul3A_278 : i32
        %add3A_280 = arith.constant 5 : i32
        %add3A_281 = arith.addi %mul3A_279, %add3A_280 : i32
        %mul3A_282 = arith.constant 16 : i32
        %mul3A_283 = arith.muli %add3A_281, %mul3A_282 : i32
        %get3A_284 = arith.index_cast %mul3A_283 : i32 to index
        %get3A_285 = tpu.vector_load %arg6[%get3A_284] {strides = array<i32>} : memref<4096xf32, #tpu.memory_space<vmem>>, vector<16xf32>,
        %ge3A_286 = arith.cmpf oge, %get3A_285, %broadcast_in_dim3A_187 : vector<16xf32>
        %or3A_287 = arith.ori %or3A_277, %ge3A_286 : vector<16xi1>
        %mul3A_288 = arith.constant 8 : i32
        %mul3A_289 = arith.muli %scan3A_230, %mul3A_288 : i32
        %add3A_290 = arith.constant 6 : i32
        %add3A_291 = arith.addi %mul3A_289, %add3A_290 : i32
        %mul3A_292 = arith.constant 16 : i32
        %mul3A_293 = arith.muli %add3A_291, %mul3A_292 : i32
        %get3A_294 = arith.index_cast %mul3A_293 : i32 to index
        %get3A_295 = tpu.vector_load %arg6[%get3A_294] {strides = array<i32>} : memref<4096xf32, #tpu.memory_space<vmem>>, vector<16xf32>,
        %ge3A_296 = arith.cmpf oge, %get3A_295, %broadcast_in_dim3A_187 : vector<16xf32>
        %or3A_297 = arith.ori %or3A_287, %ge3A_296 : vector<16xi1>
        %mul3A_298 = arith.constant 8 : i32
        %mul3A_299 = arith.muli %scan3A_230, %mul3A_298 : i32
        %add3A_300 = arith.constant 7 : i32
        %add3A_301 = arith.addi %mul3A_299, %add3A_300 : i32
        %mul3A_302 = arith.constant 16 : i32
        %mul3A_303 = arith.muli %add3A_301, %mul3A_302 : i32
        %get3A_304 = arith.index_cast %mul3A_303 : i32 to index
        %get3A_305 = tpu.vector_load %arg6[%get3A_304] {strides = array<i32>} : memref<4096xf32, #tpu.memory_space<vmem>>, vector<16xf32>,
        %ge3A_306 = arith.cmpf oge, %get3A_305, %broadcast_in_dim3A_187 : vector<16xf32>
        %or3A_307 = arith.ori %or3A_297, %ge3A_306 : vector<16xi1>
        %all_reduce_population_count3A = tpu.all_reduce %or3A_307 {dim = 0 : i64, kind = #tpu.reduction_kind<sum>} : vector<16xi1> -> vector<16xi32>
        %slice3A = vector.extract_strided_slice %all_reduce_population_count3A {offsets = [0], sizes = [1], strides = [1]} : vector<16xi32> to vector<1xi32>
        %squeeze3A = vector.extract %slice3A[0] : i32 from vector<1xi32>
        %gt3A = arith.constant 0 : i32
        %gt3A_308 = arith.cmpi sgt, %squeeze3A, %gt3A : i32
        %convert_element_type3A_309 = arith.extui %gt3A_308 : i1 to i32
        %cond3A_310 = arith.constant 0 : i32
        %cond3A_311 = arith.cmpi ne, %convert_element_type3A_309, %cond3A_310 : i32
        scf.if %cond3A_311 {
          %all_reduce_population_count3A_312 = tpu.all_reduce %ge3A {dim = 0 : i64, kind = #tpu.reduction_kind<sum>} : vector<16xi1> -> vector<16xi32>
          %slice3A_313 = vector.extract_strided_slice %all_reduce_population_count3A_312 {offsets = [0], sizes = [1], strides = [1]} : vector<16xi32> to vector<1xi32>
          %squeeze3A_314 = vector.extract %slice3A_313[0] : i32 from vector<1xi32>
          %gt3A_315 = arith.constant 0 : i32
          %gt3A_316 = arith.cmpi sgt, %squeeze3A_314, %gt3A_315 : i32
          %convert_element_type3A_317 = arith.extui %gt3A_316 : i1 to i32
          %cond3A_318 = arith.constant 0 : i32
          %cond3A_319 = arith.cmpi ne, %convert_element_type3A_317, %cond3A_318 : i32
          scf.if %cond3A_319 {
            %mul3A_376 = arith.constant 8 : i32
            %mul3A_377 = arith.muli %scan3A_230, %mul3A_376 : i32
            %add3A_378 = arith.constant 0 : i32
            %add3A_379 = arith.addi %mul3A_377, %add3A_378 : i32
            %get3A_380 = arith.constant 0 : i32
            %get3A_381 = arith.index_cast %get3A_380 : i32 to index
            %get3A_382 = memref.load %arg12[%get3A_381] : memref<2xi32, #tpu.memory_space<smem>>
            %add3A_383 = arith.constant 128 : i32
            %add3A_384 = arith.addi %get3A_382, %add3A_383 : i32
            %le3A = arith.constant 2048 : i32
            %le3A_385 = arith.cmpi sle, %add3A_384, %le3A : i32
            %convert_element_type3A_386 = arith.extui %le3A_385 : i1 to i32
            %cond3A_387 = arith.constant 0 : i32
            %cond3A_388 = arith.cmpi ne, %convert_element_type3A_386, %cond3A_387 : i32
            scf.if %cond3A_388 {
              %scan3A_399 = arith.constant 0 : i32
              %scan3A_400 = arith.constant 0 : i32
              %scan3A_401 = arith.constant 8 : i32
              %scan3A_402 = arith.addi %scan3A_400, %scan3A_401 : i32
              %scan3A_403 = arith.constant 1 : i32
              scf.for %scan3A_405 = %scan3A_400 to %scan3A_402 step %scan3A_403  : i32 {
                %mul3A_406 = arith.constant 8 : i32
                %mul3A_407 = arith.muli %add3A_379, %mul3A_406 : i32
                %add3A_408 = arith.addi %mul3A_407, %scan3A_405 : i32
                %mul3A_409 = arith.constant 16 : i32
                %mul3A_410 = arith.muli %add3A_408, %mul3A_409 : i32
                %add3A_411 = arith.constant 32768 : i32
                %add3A_412 = arith.addi %add3A_411, %mul3A_410 : i32
                %get3A_413 = arith.index_cast %add3A_412 : i32 to index
                %get3A_414 = tpu.vector_load %arg5[%get3A_413] {strides = array<i32>} : memref<65536xf32, #tpu.memory_space<vmem>>, vector<16xf32>,
                %ge3A_415 = arith.cmpf oge, %get3A_414, %broadcast_in_dim3A_187 : vector<16xf32>
                %all_reduce_population_count3A_416 = tpu.all_reduce %ge3A_415 {dim = 0 : i64, kind = #tpu.reduction_kind<sum>} : vector<16xi1> -> vector<16xi32>
                %slice3A_417 = vector.extract_strided_slice %all_reduce_population_count3A_416 {offsets = [0], sizes = [1], strides = [1]} : vector<16xi32> to vector<1xi32>
                %squeeze3A_418 = vector.extract %slice3A_417[0] : i32 from vector<1xi32>
                %get3A_419 = arith.constant 0 : i32
                %get3A_420 = arith.index_cast %get3A_419 : i32 to index
                %get3A_421 = memref.load %arg12[%get3A_420] : memref<2xi32, #tpu.memory_space<smem>>
                %swap3A_422 = arith.index_cast %get3A_421 : i32 to index
                %swap3A_423 = tpu.vector_load %arg7[%swap3A_422] masked %ge3A_415 {strides = array<i32>} : memref<2064xf32, #tpu.memory_space<vmem>>, vector<16xf32>, vector<16xi1>
                tpu.vector_store %arg7[%swap3A_422], %get3A_414 masked %ge3A_415 {strides = array<i32>} : memref<2064xf32, #tpu.memory_space<vmem>>, vector<16xf32>, vector<16xi1>
                %add3A_424 = vector.broadcast %mul3A_410 : i32 to vector<16xi32>
                %add3A_425 = arith.addi %add3A_424, %iota3A : vector<16xi32>
                %swap3A_426 = arith.index_cast %get3A_421 : i32 to index
                %swap3A_427 = tpu.vector_load %arg8[%swap3A_426] masked %ge3A_415 {strides = array<i32>} : memref<2064xi32, #tpu.memory_space<vmem>>, vector<16xi32>, vector<16xi1>
                tpu.vector_store %arg8[%swap3A_426], %add3A_425 masked %ge3A_415 {strides = array<i32>} : memref<2064xi32, #tpu.memory_space<vmem>>, vector<16xi32>, vector<16xi1>
                %add3A_428 = arith.addi %get3A_421, %squeeze3A_418 : i32
                %swap3A_429 = arith.constant 0 : i32
                %swap3A_430 = arith.index_cast %swap3A_429 : i32 to index
                %swap3A_431 = memref.load %arg12[%swap3A_430] : memref<2xi32, #tpu.memory_space<smem>>
                memref.store %add3A_428, %arg12[%swap3A_430] : memref<2xi32, #tpu.memory_space<smem>>
                %get3A_432 = arith.constant 1 : i32
                %get3A_433 = arith.index_cast %get3A_432 : i32 to index
                %get3A_434 = memref.load %arg12[%get3A_433] : memref<2xi32, #tpu.memory_space<smem>>
                %add3A_435 = arith.addi %get3A_434, %squeeze3A_418 : i32
                %swap3A_436 = arith.constant 1 : i32
                %swap3A_437 = arith.index_cast %swap3A_436 : i32 to index
                %swap3A_438 = memref.load %arg12[%swap3A_437] : memref<2xi32, #tpu.memory_space<smem>>
                memref.store %add3A_435, %arg12[%swap3A_437] : memref<2xi32, #tpu.memory_space<smem>>
              }
              %scan3A_404 = arith.constant 8 : i32
            } else {
            }
            %get3A_389 = arith.constant 0 : i32
            %get3A_390 = arith.index_cast %get3A_389 : i32 to index
            %get3A_391 = memref.load %arg12[%get3A_390] : memref<2xi32, #tpu.memory_space<smem>>
            %add3A_392 = arith.constant 128 : i32
            %add3A_393 = arith.addi %get3A_391, %add3A_392 : i32
            %gt3A_394 = arith.constant 2048 : i32
            %gt3A_395 = arith.cmpi sgt, %add3A_393, %gt3A_394 : i32
            %convert_element_type3A_396 = arith.extui %gt3A_395 : i1 to i32
            %cond3A_397 = arith.constant 0 : i32
            %cond3A_398 = arith.cmpi ne, %convert_element_type3A_396, %cond3A_397 : i32
            scf.if %cond3A_398 {
              %get3A_399 = arith.constant 1 : i32
              %get3A_400 = arith.index_cast %get3A_399 : i32 to index
              %get3A_401 = memref.load %arg12[%get3A_400] : memref<2xi32, #tpu.memory_space<smem>>
              %add3A_402 = arith.constant 1 : i32
              %add3A_403 = arith.addi %get3A_401, %add3A_402 : i32
              %swap3A_404 = arith.constant 1 : i32
              %swap3A_405 = arith.index_cast %swap3A_404 : i32 to index
              %swap3A_406 = memref.load %arg12[%swap3A_405] : memref<2xi32, #tpu.memory_space<smem>>
              memref.store %add3A_403, %arg12[%swap3A_405] : memref<2xi32, #tpu.memory_space<smem>>
            } else {
            }
          } else {
          }
          %all_reduce_population_count3A_320 = tpu.all_reduce %ge3A_247 {dim = 0 : i64, kind = #tpu.reduction_kind<sum>} : vector<16xi1> -> vector<16xi32>
          %slice3A_321 = vector.extract_strided_slice %all_reduce_population_count3A_320 {offsets = [0], sizes = [1], strides = [1]} : vector<16xi32> to vector<1xi32>
          %squeeze3A_322 = vector.extract %slice3A_321[0] : i32 from vector<1xi32>
          %gt3A_323 = arith.constant 0 : i32
          %gt3A_324 = arith.cmpi sgt, %squeeze3A_322, %gt3A_323 : i32
          %convert_element_type3A_325 = arith.extui %gt3A_324 : i1 to i32
          %cond3A_326 = arith.constant 0 : i32
          %cond3A_327 = arith.cmpi ne, %convert_element_type3A_325, %cond3A_326 : i32
          scf.if %cond3A_327 {
            %mul3A_376 = arith.constant 8 : i32
            %mul3A_377 = arith.muli %scan3A_230, %mul3A_376 : i32
            %add3A_378 = arith.constant 1 : i32
            %add3A_379 = arith.addi %mul3A_377, %add3A_378 : i32
            %get3A_380 = arith.constant 0 : i32
            %get3A_381 = arith.index_cast %get3A_380 : i32 to index
            %get3A_382 = memref.load %arg12[%get3A_381] : memref<2xi32, #tpu.memory_space<smem>>
            %add3A_383 = arith.constant 128 : i32
            %add3A_384 = arith.addi %get3A_382, %add3A_383 : i32
            %le3A = arith.constant 2048 : i32
            %le3A_385 = arith.cmpi sle, %add3A_384, %le3A : i32
            %convert_element_type3A_386 = arith.extui %le3A_385 : i1 to i32
            %cond3A_387 = arith.constant 0 : i32
            %cond3A_388 = arith.cmpi ne, %convert_element_type3A_386, %cond3A_387 : i32
            scf.if %cond3A_388 {
              %scan3A_399 = arith.constant 0 : i32
              %scan3A_400 = arith.constant 0 : i32
              %scan3A_401 = arith.constant 8 : i32
              %scan3A_402 = arith.addi %scan3A_400, %scan3A_401 : i32
              %scan3A_403 = arith.constant 1 : i32
              scf.for %scan3A_405 = %scan3A_400 to %scan3A_402 step %scan3A_403  : i32 {
                %mul3A_406 = arith.constant 8 : i32
                %mul3A_407 = arith.muli %add3A_379, %mul3A_406 : i32
                %add3A_408 = arith.addi %mul3A_407, %scan3A_405 : i32
                %mul3A_409 = arith.constant 16 : i32
                %mul3A_410 = arith.muli %add3A_408, %mul3A_409 : i32
                %add3A_411 = arith.constant 32768 : i32
                %add3A_412 = arith.addi %add3A_411, %mul3A_410 : i32
                %get3A_413 = arith.index_cast %add3A_412 : i32 to index
                %get3A_414 = tpu.vector_load %arg5[%get3A_413] {strides = array<i32>} : memref<65536xf32, #tpu.memory_space<vmem>>, vector<16xf32>,
                %ge3A_415 = arith.cmpf oge, %get3A_414, %broadcast_in_dim3A_187 : vector<16xf32>
                %all_reduce_population_count3A_416 = tpu.all_reduce %ge3A_415 {dim = 0 : i64, kind = #tpu.reduction_kind<sum>} : vector<16xi1> -> vector<16xi32>
                %slice3A_417 = vector.extract_strided_slice %all_reduce_population_count3A_416 {offsets = [0], sizes = [1], strides = [1]} : vector<16xi32> to vector<1xi32>
                %squeeze3A_418 = vector.extract %slice3A_417[0] : i32 from vector<1xi32>
                %get3A_419 = arith.constant 0 : i32
                %get3A_420 = arith.index_cast %get3A_419 : i32 to index
                %get3A_421 = memref.load %arg12[%get3A_420] : memref<2xi32, #tpu.memory_space<smem>>
                %swap3A_422 = arith.index_cast %get3A_421 : i32 to index
                %swap3A_423 = tpu.vector_load %arg7[%swap3A_422] masked %ge3A_415 {strides = array<i32>} : memref<2064xf32, #tpu.memory_space<vmem>>, vector<16xf32>, vector<16xi1>
                tpu.vector_store %arg7[%swap3A_422], %get3A_414 masked %ge3A_415 {strides = array<i32>} : memref<2064xf32, #tpu.memory_space<vmem>>, vector<16xf32>, vector<16xi1>
                %add3A_424 = vector.broadcast %mul3A_410 : i32 to vector<16xi32>
                %add3A_425 = arith.addi %add3A_424, %iota3A : vector<16xi32>
                %swap3A_426 = arith.index_cast %get3A_421 : i32 to index
                %swap3A_427 = tpu.vector_load %arg8[%swap3A_426] masked %ge3A_415 {strides = array<i32>} : memref<2064xi32, #tpu.memory_space<vmem>>, vector<16xi32>, vector<16xi1>
                tpu.vector_store %arg8[%swap3A_426], %add3A_425 masked %ge3A_415 {strides = array<i32>} : memref<2064xi32, #tpu.memory_space<vmem>>, vector<16xi32>, vector<16xi1>
                %add3A_428 = arith.addi %get3A_421, %squeeze3A_418 : i32
                %swap3A_429 = arith.constant 0 : i32
                %swap3A_430 = arith.index_cast %swap3A_429 : i32 to index
                %swap3A_431 = memref.load %arg12[%swap3A_430] : memref<2xi32, #tpu.memory_space<smem>>
                memref.store %add3A_428, %arg12[%swap3A_430] : memref<2xi32, #tpu.memory_space<smem>>
                %get3A_432 = arith.constant 1 : i32
                %get3A_433 = arith.index_cast %get3A_432 : i32 to index
                %get3A_434 = memref.load %arg12[%get3A_433] : memref<2xi32, #tpu.memory_space<smem>>
                %add3A_435 = arith.addi %get3A_434, %squeeze3A_418 : i32
                %swap3A_436 = arith.constant 1 : i32
                %swap3A_437 = arith.index_cast %swap3A_436 : i32 to index
                %swap3A_438 = memref.load %arg12[%swap3A_437] : memref<2xi32, #tpu.memory_space<smem>>
                memref.store %add3A_435, %arg12[%swap3A_437] : memref<2xi32, #tpu.memory_space<smem>>
              }
              %scan3A_404 = arith.constant 8 : i32
            } else {
            }
            %get3A_389 = arith.constant 0 : i32
            %get3A_390 = arith.index_cast %get3A_389 : i32 to index
            %get3A_391 = memref.load %arg12[%get3A_390] : memref<2xi32, #tpu.memory_space<smem>>
            %add3A_392 = arith.constant 128 : i32
            %add3A_393 = arith.addi %get3A_391, %add3A_392 : i32
            %gt3A_394 = arith.constant 2048 : i32
            %gt3A_395 = arith.cmpi sgt, %add3A_393, %gt3A_394 : i32
            %convert_element_type3A_396 = arith.extui %gt3A_395 : i1 to i32
            %cond3A_397 = arith.constant 0 : i32
            %cond3A_398 = arith.cmpi ne, %convert_element_type3A_396, %cond3A_397 : i32
            scf.if %cond3A_398 {
              %get3A_399 = arith.constant 1 : i32
              %get3A_400 = arith.index_cast %get3A_399 : i32 to index
              %get3A_401 = memref.load %arg12[%get3A_400] : memref<2xi32, #tpu.memory_space<smem>>
              %add3A_402 = arith.constant 1 : i32
              %add3A_403 = arith.addi %get3A_401, %add3A_402 : i32
              %swap3A_404 = arith.constant 1 : i32
              %swap3A_405 = arith.index_cast %swap3A_404 : i32 to index
              %swap3A_406 = memref.load %arg12[%swap3A_405] : memref<2xi32, #tpu.memory_space<smem>>
              memref.store %add3A_403, %arg12[%swap3A_405] : memref<2xi32, #tpu.memory_space<smem>>
            } else {
            }
          } else {
          }
          %all_reduce_population_count3A_328 = tpu.all_reduce %ge3A_256 {dim = 0 : i64, kind = #tpu.reduction_kind<sum>} : vector<16xi1> -> vector<16xi32>
          %slice3A_329 = vector.extract_strided_slice %all_reduce_population_count3A_328 {offsets = [0], sizes = [1], strides = [1]} : vector<16xi32> to vector<1xi32>
          %squeeze3A_330 = vector.extract %slice3A_329[0] : i32 from vector<1xi32>
          %gt3A_331 = arith.constant 0 : i32
          %gt3A_332 = arith.cmpi sgt, %squeeze3A_330, %gt3A_331 : i32
          %convert_element_type3A_333 = arith.extui %gt3A_332 : i1 to i32
          %cond3A_334 = arith.constant 0 : i32
          %cond3A_335 = arith.cmpi ne, %convert_element_type3A_333, %cond3A_334 : i32
          scf.if %cond3A_335 {
            %mul3A_376 = arith.constant 8 : i32
            %mul3A_377 = arith.muli %scan3A_230, %mul3A_376 : i32
            %add3A_378 = arith.constant 2 : i32
            %add3A_379 = arith.addi %mul3A_377, %add3A_378 : i32
            %get3A_380 = arith.constant 0 : i32
            %get3A_381 = arith.index_cast %get3A_380 : i32 to index
            %get3A_382 = memref.load %arg12[%get3A_381] : memref<2xi32, #tpu.memory_space<smem>>
            %add3A_383 = arith.constant 128 : i32
            %add3A_384 = arith.addi %get3A_382, %add3A_383 : i32
            %le3A = arith.constant 2048 : i32
            %le3A_385 = arith.cmpi sle, %add3A_384, %le3A : i32
            %convert_element_type3A_386 = arith.extui %le3A_385 : i1 to i32
            %cond3A_387 = arith.constant 0 : i32
            %cond3A_388 = arith.cmpi ne, %convert_element_type3A_386, %cond3A_387 : i32
            scf.if %cond3A_388 {
              %scan3A_399 = arith.constant 0 : i32
              %scan3A_400 = arith.constant 0 : i32
              %scan3A_401 = arith.constant 8 : i32
              %scan3A_402 = arith.addi %scan3A_400, %scan3A_401 : i32
              %scan3A_403 = arith.constant 1 : i32
              scf.for %scan3A_405 = %scan3A_400 to %scan3A_402 step %scan3A_403  : i32 {
                %mul3A_406 = arith.constant 8 : i32
                %mul3A_407 = arith.muli %add3A_379, %mul3A_406 : i32
                %add3A_408 = arith.addi %mul3A_407, %scan3A_405 : i32
                %mul3A_409 = arith.constant 16 : i32
                %mul3A_410 = arith.muli %add3A_408, %mul3A_409 : i32
                %add3A_411 = arith.constant 32768 : i32
                %add3A_412 = arith.addi %add3A_411, %mul3A_410 : i32
                %get3A_413 = arith.index_cast %add3A_412 : i32 to index
                %get3A_414 = tpu.vector_load %arg5[%get3A_413] {strides = array<i32>} : memref<65536xf32, #tpu.memory_space<vmem>>, vector<16xf32>,
                %ge3A_415 = arith.cmpf oge, %get3A_414, %broadcast_in_dim3A_187 : vector<16xf32>
                %all_reduce_population_count3A_416 = tpu.all_reduce %ge3A_415 {dim = 0 : i64, kind = #tpu.reduction_kind<sum>} : vector<16xi1> -> vector<16xi32>
                %slice3A_417 = vector.extract_strided_slice %all_reduce_population_count3A_416 {offsets = [0], sizes = [1], strides = [1]} : vector<16xi32> to vector<1xi32>
                %squeeze3A_418 = vector.extract %slice3A_417[0] : i32 from vector<1xi32>
                %get3A_419 = arith.constant 0 : i32
                %get3A_420 = arith.index_cast %get3A_419 : i32 to index
                %get3A_421 = memref.load %arg12[%get3A_420] : memref<2xi32, #tpu.memory_space<smem>>
                %swap3A_422 = arith.index_cast %get3A_421 : i32 to index
                %swap3A_423 = tpu.vector_load %arg7[%swap3A_422] masked %ge3A_415 {strides = array<i32>} : memref<2064xf32, #tpu.memory_space<vmem>>, vector<16xf32>, vector<16xi1>
                tpu.vector_store %arg7[%swap3A_422], %get3A_414 masked %ge3A_415 {strides = array<i32>} : memref<2064xf32, #tpu.memory_space<vmem>>, vector<16xf32>, vector<16xi1>
                %add3A_424 = vector.broadcast %mul3A_410 : i32 to vector<16xi32>
                %add3A_425 = arith.addi %add3A_424, %iota3A : vector<16xi32>
                %swap3A_426 = arith.index_cast %get3A_421 : i32 to index
                %swap3A_427 = tpu.vector_load %arg8[%swap3A_426] masked %ge3A_415 {strides = array<i32>} : memref<2064xi32, #tpu.memory_space<vmem>>, vector<16xi32>, vector<16xi1>
                tpu.vector_store %arg8[%swap3A_426], %add3A_425 masked %ge3A_415 {strides = array<i32>} : memref<2064xi32, #tpu.memory_space<vmem>>, vector<16xi32>, vector<16xi1>
                %add3A_428 = arith.addi %get3A_421, %squeeze3A_418 : i32
                %swap3A_429 = arith.constant 0 : i32
                %swap3A_430 = arith.index_cast %swap3A_429 : i32 to index
                %swap3A_431 = memref.load %arg12[%swap3A_430] : memref<2xi32, #tpu.memory_space<smem>>
                memref.store %add3A_428, %arg12[%swap3A_430] : memref<2xi32, #tpu.memory_space<smem>>
                %get3A_432 = arith.constant 1 : i32
                %get3A_433 = arith.index_cast %get3A_432 : i32 to index
                %get3A_434 = memref.load %arg12[%get3A_433] : memref<2xi32, #tpu.memory_space<smem>>
                %add3A_435 = arith.addi %get3A_434, %squeeze3A_418 : i32
                %swap3A_436 = arith.constant 1 : i32
                %swap3A_437 = arith.index_cast %swap3A_436 : i32 to index
                %swap3A_438 = memref.load %arg12[%swap3A_437] : memref<2xi32, #tpu.memory_space<smem>>
                memref.store %add3A_435, %arg12[%swap3A_437] : memref<2xi32, #tpu.memory_space<smem>>
              }
              %scan3A_404 = arith.constant 8 : i32
            } else {
            }
            %get3A_389 = arith.constant 0 : i32
            %get3A_390 = arith.index_cast %get3A_389 : i32 to index
            %get3A_391 = memref.load %arg12[%get3A_390] : memref<2xi32, #tpu.memory_space<smem>>
            %add3A_392 = arith.constant 128 : i32
            %add3A_393 = arith.addi %get3A_391, %add3A_392 : i32
            %gt3A_394 = arith.constant 2048 : i32
            %gt3A_395 = arith.cmpi sgt, %add3A_393, %gt3A_394 : i32
            %convert_element_type3A_396 = arith.extui %gt3A_395 : i1 to i32
            %cond3A_397 = arith.constant 0 : i32
            %cond3A_398 = arith.cmpi ne, %convert_element_type3A_396, %cond3A_397 : i32
            scf.if %cond3A_398 {
              %get3A_399 = arith.constant 1 : i32
              %get3A_400 = arith.index_cast %get3A_399 : i32 to index
              %get3A_401 = memref.load %arg12[%get3A_400] : memref<2xi32, #tpu.memory_space<smem>>
              %add3A_402 = arith.constant 1 : i32
              %add3A_403 = arith.addi %get3A_401, %add3A_402 : i32
              %swap3A_404 = arith.constant 1 : i32
              %swap3A_405 = arith.index_cast %swap3A_404 : i32 to index
              %swap3A_406 = memref.load %arg12[%swap3A_405] : memref<2xi32, #tpu.memory_space<smem>>
              memref.store %add3A_403, %arg12[%swap3A_405] : memref<2xi32, #tpu.memory_space<smem>>
            } else {
            }
          } else {
          }
          %all_reduce_population_count3A_336 = tpu.all_reduce %ge3A_266 {dim = 0 : i64, kind = #tpu.reduction_kind<sum>} : vector<16xi1> -> vector<16xi32>
          %slice3A_337 = vector.extract_strided_slice %all_reduce_population_count3A_336 {offsets = [0], sizes = [1], strides = [1]} : vector<16xi32> to vector<1xi32>
          %squeeze3A_338 = vector.extract %slice3A_337[0] : i32 from vector<1xi32>
          %gt3A_339 = arith.constant 0 : i32
          %gt3A_340 = arith.cmpi sgt, %squeeze3A_338, %gt3A_339 : i32
          %convert_element_type3A_341 = arith.extui %gt3A_340 : i1 to i32
          %cond3A_342 = arith.constant 0 : i32
          %cond3A_343 = arith.cmpi ne, %convert_element_type3A_341, %cond3A_342 : i32
          scf.if %cond3A_343 {
            %mul3A_376 = arith.constant 8 : i32
            %mul3A_377 = arith.muli %scan3A_230, %mul3A_376 : i32
            %add3A_378 = arith.constant 3 : i32
            %add3A_379 = arith.addi %mul3A_377, %add3A_378 : i32
            %get3A_380 = arith.constant 0 : i32
            %get3A_381 = arith.index_cast %get3A_380 : i32 to index
            %get3A_382 = memref.load %arg12[%get3A_381] : memref<2xi32, #tpu.memory_space<smem>>
            %add3A_383 = arith.constant 128 : i32
            %add3A_384 = arith.addi %get3A_382, %add3A_383 : i32
            %le3A = arith.constant 2048 : i32
            %le3A_385 = arith.cmpi sle, %add3A_384, %le3A : i32
            %convert_element_type3A_386 = arith.extui %le3A_385 : i1 to i32
            %cond3A_387 = arith.constant 0 : i32
            %cond3A_388 = arith.cmpi ne, %convert_element_type3A_386, %cond3A_387 : i32
            scf.if %cond3A_388 {
              %scan3A_399 = arith.constant 0 : i32
              %scan3A_400 = arith.constant 0 : i32
              %scan3A_401 = arith.constant 8 : i32
              %scan3A_402 = arith.addi %scan3A_400, %scan3A_401 : i32
              %scan3A_403 = arith.constant 1 : i32
              scf.for %scan3A_405 = %scan3A_400 to %scan3A_402 step %scan3A_403  : i32 {
                %mul3A_406 = arith.constant 8 : i32
                %mul3A_407 = arith.muli %add3A_379, %mul3A_406 : i32
                %add3A_408 = arith.addi %mul3A_407, %scan3A_405 : i32
                %mul3A_409 = arith.constant 16 : i32
                %mul3A_410 = arith.muli %add3A_408, %mul3A_409 : i32
                %add3A_411 = arith.constant 32768 : i32
                %add3A_412 = arith.addi %add3A_411, %mul3A_410 : i32
                %get3A_413 = arith.index_cast %add3A_412 : i32 to index
                %get3A_414 = tpu.vector_load %arg5[%get3A_413] {strides = array<i32>} : memref<65536xf32, #tpu.memory_space<vmem>>, vector<16xf32>,
                %ge3A_415 = arith.cmpf oge, %get3A_414, %broadcast_in_dim3A_187 : vector<16xf32>
                %all_reduce_population_count3A_416 = tpu.all_reduce %ge3A_415 {dim = 0 : i64, kind = #tpu.reduction_kind<sum>} : vector<16xi1> -> vector<16xi32>
                %slice3A_417 = vector.extract_strided_slice %all_reduce_population_count3A_416 {offsets = [0], sizes = [1], strides = [1]} : vector<16xi32> to vector<1xi32>
                %squeeze3A_418 = vector.extract %slice3A_417[0] : i32 from vector<1xi32>
                %get3A_419 = arith.constant 0 : i32
                %get3A_420 = arith.index_cast %get3A_419 : i32 to index
                %get3A_421 = memref.load %arg12[%get3A_420] : memref<2xi32, #tpu.memory_space<smem>>
                %swap3A_422 = arith.index_cast %get3A_421 : i32 to index
                %swap3A_423 = tpu.vector_load %arg7[%swap3A_422] masked %ge3A_415 {strides = array<i32>} : memref<2064xf32, #tpu.memory_space<vmem>>, vector<16xf32>, vector<16xi1>
                tpu.vector_store %arg7[%swap3A_422], %get3A_414 masked %ge3A_415 {strides = array<i32>} : memref<2064xf32, #tpu.memory_space<vmem>>, vector<16xf32>, vector<16xi1>
                %add3A_424 = vector.broadcast %mul3A_410 : i32 to vector<16xi32>
                %add3A_425 = arith.addi %add3A_424, %iota3A : vector<16xi32>
                %swap3A_426 = arith.index_cast %get3A_421 : i32 to index
                %swap3A_427 = tpu.vector_load %arg8[%swap3A_426] masked %ge3A_415 {strides = array<i32>} : memref<2064xi32, #tpu.memory_space<vmem>>, vector<16xi32>, vector<16xi1>
                tpu.vector_store %arg8[%swap3A_426], %add3A_425 masked %ge3A_415 {strides = array<i32>} : memref<2064xi32, #tpu.memory_space<vmem>>, vector<16xi32>, vector<16xi1>
                %add3A_428 = arith.addi %get3A_421, %squeeze3A_418 : i32
                %swap3A_429 = arith.constant 0 : i32
                %swap3A_430 = arith.index_cast %swap3A_429 : i32 to index
                %swap3A_431 = memref.load %arg12[%swap3A_430] : memref<2xi32, #tpu.memory_space<smem>>
                memref.store %add3A_428, %arg12[%swap3A_430] : memref<2xi32, #tpu.memory_space<smem>>
                %get3A_432 = arith.constant 1 : i32
                %get3A_433 = arith.index_cast %get3A_432 : i32 to index
                %get3A_434 = memref.load %arg12[%get3A_433] : memref<2xi32, #tpu.memory_space<smem>>
                %add3A_435 = arith.addi %get3A_434, %squeeze3A_418 : i32
                %swap3A_436 = arith.constant 1 : i32
                %swap3A_437 = arith.index_cast %swap3A_436 : i32 to index
                %swap3A_438 = memref.load %arg12[%swap3A_437] : memref<2xi32, #tpu.memory_space<smem>>
                memref.store %add3A_435, %arg12[%swap3A_437] : memref<2xi32, #tpu.memory_space<smem>>
              }
              %scan3A_404 = arith.constant 8 : i32
            } else {
            }
            %get3A_389 = arith.constant 0 : i32
            %get3A_390 = arith.index_cast %get3A_389 : i32 to index
            %get3A_391 = memref.load %arg12[%get3A_390] : memref<2xi32, #tpu.memory_space<smem>>
            %add3A_392 = arith.constant 128 : i32
            %add3A_393 = arith.addi %get3A_391, %add3A_392 : i32
            %gt3A_394 = arith.constant 2048 : i32
            %gt3A_395 = arith.cmpi sgt, %add3A_393, %gt3A_394 : i32
            %convert_element_type3A_396 = arith.extui %gt3A_395 : i1 to i32
            %cond3A_397 = arith.constant 0 : i32
            %cond3A_398 = arith.cmpi ne, %convert_element_type3A_396, %cond3A_397 : i32
            scf.if %cond3A_398 {
              %get3A_399 = arith.constant 1 : i32
              %get3A_400 = arith.index_cast %get3A_399 : i32 to index
              %get3A_401 = memref.load %arg12[%get3A_400] : memref<2xi32, #tpu.memory_space<smem>>
              %add3A_402 = arith.constant 1 : i32
              %add3A_403 = arith.addi %get3A_401, %add3A_402 : i32
              %swap3A_404 = arith.constant 1 : i32
              %swap3A_405 = arith.index_cast %swap3A_404 : i32 to index
              %swap3A_406 = memref.load %arg12[%swap3A_405] : memref<2xi32, #tpu.memory_space<smem>>
              memref.store %add3A_403, %arg12[%swap3A_405] : memref<2xi32, #tpu.memory_space<smem>>
            } else {
            }
          } else {
          }
          %all_reduce_population_count3A_344 = tpu.all_reduce %ge3A_276 {dim = 0 : i64, kind = #tpu.reduction_kind<sum>} : vector<16xi1> -> vector<16xi32>
          %slice3A_345 = vector.extract_strided_slice %all_reduce_population_count3A_344 {offsets = [0], sizes = [1], strides = [1]} : vector<16xi32> to vector<1xi32>
          %squeeze3A_346 = vector.extract %slice3A_345[0] : i32 from vector<1xi32>
          %gt3A_347 = arith.constant 0 : i32
          %gt3A_348 = arith.cmpi sgt, %squeeze3A_346, %gt3A_347 : i32
          %convert_element_type3A_349 = arith.extui %gt3A_348 : i1 to i32
          %cond3A_350 = arith.constant 0 : i32
          %cond3A_351 = arith.cmpi ne, %convert_element_type3A_349, %cond3A_350 : i32
          scf.if %cond3A_351 {
            %mul3A_376 = arith.constant 8 : i32
            %mul3A_377 = arith.muli %scan3A_230, %mul3A_376 : i32
            %add3A_378 = arith.constant 4 : i32
            %add3A_379 = arith.addi %mul3A_377, %add3A_378 : i32
            %get3A_380 = arith.constant 0 : i32
            %get3A_381 = arith.index_cast %get3A_380 : i32 to index
            %get3A_382 = memref.load %arg12[%get3A_381] : memref<2xi32, #tpu.memory_space<smem>>
            %add3A_383 = arith.constant 128 : i32
            %add3A_384 = arith.addi %get3A_382, %add3A_383 : i32
            %le3A = arith.constant 2048 : i32
            %le3A_385 = arith.cmpi sle, %add3A_384, %le3A : i32
            %convert_element_type3A_386 = arith.extui %le3A_385 : i1 to i32
            %cond3A_387 = arith.constant 0 : i32
            %cond3A_388 = arith.cmpi ne, %convert_element_type3A_386, %cond3A_387 : i32
            scf.if %cond3A_388 {
              %scan3A_399 = arith.constant 0 : i32
              %scan3A_400 = arith.constant 0 : i32
              %scan3A_401 = arith.constant 8 : i32
              %scan3A_402 = arith.addi %scan3A_400, %scan3A_401 : i32
              %scan3A_403 = arith.constant 1 : i32
              scf.for %scan3A_405 = %scan3A_400 to %scan3A_402 step %scan3A_403  : i32 {
                %mul3A_406 = arith.constant 8 : i32
                %mul3A_407 = arith.muli %add3A_379, %mul3A_406 : i32
                %add3A_408 = arith.addi %mul3A_407, %scan3A_405 : i32
                %mul3A_409 = arith.constant 16 : i32
                %mul3A_410 = arith.muli %add3A_408, %mul3A_409 : i32
                %add3A_411 = arith.constant 32768 : i32
                %add3A_412 = arith.addi %add3A_411, %mul3A_410 : i32
                %get3A_413 = arith.index_cast %add3A_412 : i32 to index
                %get3A_414 = tpu.vector_load %arg5[%get3A_413] {strides = array<i32>} : memref<65536xf32, #tpu.memory_space<vmem>>, vector<16xf32>,
                %ge3A_415 = arith.cmpf oge, %get3A_414, %broadcast_in_dim3A_187 : vector<16xf32>
                %all_reduce_population_count3A_416 = tpu.all_reduce %ge3A_415 {dim = 0 : i64, kind = #tpu.reduction_kind<sum>} : vector<16xi1> -> vector<16xi32>
                %slice3A_417 = vector.extract_strided_slice %all_reduce_population_count3A_416 {offsets = [0], sizes = [1], strides = [1]} : vector<16xi32> to vector<1xi32>
                %squeeze3A_418 = vector.extract %slice3A_417[0] : i32 from vector<1xi32>
                %get3A_419 = arith.constant 0 : i32
                %get3A_420 = arith.index_cast %get3A_419 : i32 to index
                %get3A_421 = memref.load %arg12[%get3A_420] : memref<2xi32, #tpu.memory_space<smem>>
                %swap3A_422 = arith.index_cast %get3A_421 : i32 to index
                %swap3A_423 = tpu.vector_load %arg7[%swap3A_422] masked %ge3A_415 {strides = array<i32>} : memref<2064xf32, #tpu.memory_space<vmem>>, vector<16xf32>, vector<16xi1>
                tpu.vector_store %arg7[%swap3A_422], %get3A_414 masked %ge3A_415 {strides = array<i32>} : memref<2064xf32, #tpu.memory_space<vmem>>, vector<16xf32>, vector<16xi1>
                %add3A_424 = vector.broadcast %mul3A_410 : i32 to vector<16xi32>
                %add3A_425 = arith.addi %add3A_424, %iota3A : vector<16xi32>
                %swap3A_426 = arith.index_cast %get3A_421 : i32 to index
                %swap3A_427 = tpu.vector_load %arg8[%swap3A_426] masked %ge3A_415 {strides = array<i32>} : memref<2064xi32, #tpu.memory_space<vmem>>, vector<16xi32>, vector<16xi1>
                tpu.vector_store %arg8[%swap3A_426], %add3A_425 masked %ge3A_415 {strides = array<i32>} : memref<2064xi32, #tpu.memory_space<vmem>>, vector<16xi32>, vector<16xi1>
                %add3A_428 = arith.addi %get3A_421, %squeeze3A_418 : i32
                %swap3A_429 = arith.constant 0 : i32
                %swap3A_430 = arith.index_cast %swap3A_429 : i32 to index
                %swap3A_431 = memref.load %arg12[%swap3A_430] : memref<2xi32, #tpu.memory_space<smem>>
                memref.store %add3A_428, %arg12[%swap3A_430] : memref<2xi32, #tpu.memory_space<smem>>
                %get3A_432 = arith.constant 1 : i32
                %get3A_433 = arith.index_cast %get3A_432 : i32 to index
                %get3A_434 = memref.load %arg12[%get3A_433] : memref<2xi32, #tpu.memory_space<smem>>
                %add3A_435 = arith.addi %get3A_434, %squeeze3A_418 : i32
                %swap3A_436 = arith.constant 1 : i32
                %swap3A_437 = arith.index_cast %swap3A_436 : i32 to index
                %swap3A_438 = memref.load %arg12[%swap3A_437] : memref<2xi32, #tpu.memory_space<smem>>
                memref.store %add3A_435, %arg12[%swap3A_437] : memref<2xi32, #tpu.memory_space<smem>>
              }
              %scan3A_404 = arith.constant 8 : i32
            } else {
            }
            %get3A_389 = arith.constant 0 : i32
            %get3A_390 = arith.index_cast %get3A_389 : i32 to index
            %get3A_391 = memref.load %arg12[%get3A_390] : memref<2xi32, #tpu.memory_space<smem>>
            %add3A_392 = arith.constant 128 : i32
            %add3A_393 = arith.addi %get3A_391, %add3A_392 : i32
            %gt3A_394 = arith.constant 2048 : i32
            %gt3A_395 = arith.cmpi sgt, %add3A_393, %gt3A_394 : i32
            %convert_element_type3A_396 = arith.extui %gt3A_395 : i1 to i32
            %cond3A_397 = arith.constant 0 : i32
            %cond3A_398 = arith.cmpi ne, %convert_element_type3A_396, %cond3A_397 : i32
            scf.if %cond3A_398 {
              %get3A_399 = arith.constant 1 : i32
              %get3A_400 = arith.index_cast %get3A_399 : i32 to index
              %get3A_401 = memref.load %arg12[%get3A_400] : memref<2xi32, #tpu.memory_space<smem>>
              %add3A_402 = arith.constant 1 : i32
              %add3A_403 = arith.addi %get3A_401, %add3A_402 : i32
              %swap3A_404 = arith.constant 1 : i32
              %swap3A_405 = arith.index_cast %swap3A_404 : i32 to index
              %swap3A_406 = memref.load %arg12[%swap3A_405] : memref<2xi32, #tpu.memory_space<smem>>
              memref.store %add3A_403, %arg12[%swap3A_405] : memref<2xi32, #tpu.memory_space<smem>>
            } else {
            }
          } else {
          }
          %all_reduce_population_count3A_352 = tpu.all_reduce %ge3A_286 {dim = 0 : i64, kind = #tpu.reduction_kind<sum>} : vector<16xi1> -> vector<16xi32>
          %slice3A_353 = vector.extract_strided_slice %all_reduce_population_count3A_352 {offsets = [0], sizes = [1], strides = [1]} : vector<16xi32> to vector<1xi32>
          %squeeze3A_354 = vector.extract %slice3A_353[0] : i32 from vector<1xi32>
          %gt3A_355 = arith.constant 0 : i32
          %gt3A_356 = arith.cmpi sgt, %squeeze3A_354, %gt3A_355 : i32
          %convert_element_type3A_357 = arith.extui %gt3A_356 : i1 to i32
          %cond3A_358 = arith.constant 0 : i32
          %cond3A_359 = arith.cmpi ne, %convert_element_type3A_357, %cond3A_358 : i32
          scf.if %cond3A_359 {
            %mul3A_376 = arith.constant 8 : i32
            %mul3A_377 = arith.muli %scan3A_230, %mul3A_376 : i32
            %add3A_378 = arith.constant 5 : i32
            %add3A_379 = arith.addi %mul3A_377, %add3A_378 : i32
            %get3A_380 = arith.constant 0 : i32
            %get3A_381 = arith.index_cast %get3A_380 : i32 to index
            %get3A_382 = memref.load %arg12[%get3A_381] : memref<2xi32, #tpu.memory_space<smem>>
            %add3A_383 = arith.constant 128 : i32
            %add3A_384 = arith.addi %get3A_382, %add3A_383 : i32
            %le3A = arith.constant 2048 : i32
            %le3A_385 = arith.cmpi sle, %add3A_384, %le3A : i32
            %convert_element_type3A_386 = arith.extui %le3A_385 : i1 to i32
            %cond3A_387 = arith.constant 0 : i32
            %cond3A_388 = arith.cmpi ne, %convert_element_type3A_386, %cond3A_387 : i32
            scf.if %cond3A_388 {
              %scan3A_399 = arith.constant 0 : i32
              %scan3A_400 = arith.constant 0 : i32
              %scan3A_401 = arith.constant 8 : i32
              %scan3A_402 = arith.addi %scan3A_400, %scan3A_401 : i32
              %scan3A_403 = arith.constant 1 : i32
              scf.for %scan3A_405 = %scan3A_400 to %scan3A_402 step %scan3A_403  : i32 {
                %mul3A_406 = arith.constant 8 : i32
                %mul3A_407 = arith.muli %add3A_379, %mul3A_406 : i32
                %add3A_408 = arith.addi %mul3A_407, %scan3A_405 : i32
                %mul3A_409 = arith.constant 16 : i32
                %mul3A_410 = arith.muli %add3A_408, %mul3A_409 : i32
                %add3A_411 = arith.constant 32768 : i32
                %add3A_412 = arith.addi %add3A_411, %mul3A_410 : i32
                %get3A_413 = arith.index_cast %add3A_412 : i32 to index
                %get3A_414 = tpu.vector_load %arg5[%get3A_413] {strides = array<i32>} : memref<65536xf32, #tpu.memory_space<vmem>>, vector<16xf32>,
                %ge3A_415 = arith.cmpf oge, %get3A_414, %broadcast_in_dim3A_187 : vector<16xf32>
                %all_reduce_population_count3A_416 = tpu.all_reduce %ge3A_415 {dim = 0 : i64, kind = #tpu.reduction_kind<sum>} : vector<16xi1> -> vector<16xi32>
                %slice3A_417 = vector.extract_strided_slice %all_reduce_population_count3A_416 {offsets = [0], sizes = [1], strides = [1]} : vector<16xi32> to vector<1xi32>
                %squeeze3A_418 = vector.extract %slice3A_417[0] : i32 from vector<1xi32>
                %get3A_419 = arith.constant 0 : i32
                %get3A_420 = arith.index_cast %get3A_419 : i32 to index
                %get3A_421 = memref.load %arg12[%get3A_420] : memref<2xi32, #tpu.memory_space<smem>>
                %swap3A_422 = arith.index_cast %get3A_421 : i32 to index
                %swap3A_423 = tpu.vector_load %arg7[%swap3A_422] masked %ge3A_415 {strides = array<i32>} : memref<2064xf32, #tpu.memory_space<vmem>>, vector<16xf32>, vector<16xi1>
                tpu.vector_store %arg7[%swap3A_422], %get3A_414 masked %ge3A_415 {strides = array<i32>} : memref<2064xf32, #tpu.memory_space<vmem>>, vector<16xf32>, vector<16xi1>
                %add3A_424 = vector.broadcast %mul3A_410 : i32 to vector<16xi32>
                %add3A_425 = arith.addi %add3A_424, %iota3A : vector<16xi32>
                %swap3A_426 = arith.index_cast %get3A_421 : i32 to index
                %swap3A_427 = tpu.vector_load %arg8[%swap3A_426] masked %ge3A_415 {strides = array<i32>} : memref<2064xi32, #tpu.memory_space<vmem>>, vector<16xi32>, vector<16xi1>
                tpu.vector_store %arg8[%swap3A_426], %add3A_425 masked %ge3A_415 {strides = array<i32>} : memref<2064xi32, #tpu.memory_space<vmem>>, vector<16xi32>, vector<16xi1>
                %add3A_428 = arith.addi %get3A_421, %squeeze3A_418 : i32
                %swap3A_429 = arith.constant 0 : i32
                %swap3A_430 = arith.index_cast %swap3A_429 : i32 to index
                %swap3A_431 = memref.load %arg12[%swap3A_430] : memref<2xi32, #tpu.memory_space<smem>>
                memref.store %add3A_428, %arg12[%swap3A_430] : memref<2xi32, #tpu.memory_space<smem>>
                %get3A_432 = arith.constant 1 : i32
                %get3A_433 = arith.index_cast %get3A_432 : i32 to index
                %get3A_434 = memref.load %arg12[%get3A_433] : memref<2xi32, #tpu.memory_space<smem>>
                %add3A_435 = arith.addi %get3A_434, %squeeze3A_418 : i32
                %swap3A_436 = arith.constant 1 : i32
                %swap3A_437 = arith.index_cast %swap3A_436 : i32 to index
                %swap3A_438 = memref.load %arg12[%swap3A_437] : memref<2xi32, #tpu.memory_space<smem>>
                memref.store %add3A_435, %arg12[%swap3A_437] : memref<2xi32, #tpu.memory_space<smem>>
              }
              %scan3A_404 = arith.constant 8 : i32
            } else {
            }
            %get3A_389 = arith.constant 0 : i32
            %get3A_390 = arith.index_cast %get3A_389 : i32 to index
            %get3A_391 = memref.load %arg12[%get3A_390] : memref<2xi32, #tpu.memory_space<smem>>
            %add3A_392 = arith.constant 128 : i32
            %add3A_393 = arith.addi %get3A_391, %add3A_392 : i32
            %gt3A_394 = arith.constant 2048 : i32
            %gt3A_395 = arith.cmpi sgt, %add3A_393, %gt3A_394 : i32
            %convert_element_type3A_396 = arith.extui %gt3A_395 : i1 to i32
            %cond3A_397 = arith.constant 0 : i32
            %cond3A_398 = arith.cmpi ne, %convert_element_type3A_396, %cond3A_397 : i32
            scf.if %cond3A_398 {
              %get3A_399 = arith.constant 1 : i32
              %get3A_400 = arith.index_cast %get3A_399 : i32 to index
              %get3A_401 = memref.load %arg12[%get3A_400] : memref<2xi32, #tpu.memory_space<smem>>
              %add3A_402 = arith.constant 1 : i32
              %add3A_403 = arith.addi %get3A_401, %add3A_402 : i32
              %swap3A_404 = arith.constant 1 : i32
              %swap3A_405 = arith.index_cast %swap3A_404 : i32 to index
              %swap3A_406 = memref.load %arg12[%swap3A_405] : memref<2xi32, #tpu.memory_space<smem>>
              memref.store %add3A_403, %arg12[%swap3A_405] : memref<2xi32, #tpu.memory_space<smem>>
            } else {
            }
          } else {
          }
          %all_reduce_population_count3A_360 = tpu.all_reduce %ge3A_296 {dim = 0 : i64, kind = #tpu.reduction_kind<sum>} : vector<16xi1> -> vector<16xi32>
          %slice3A_361 = vector.extract_strided_slice %all_reduce_population_count3A_360 {offsets = [0], sizes = [1], strides = [1]} : vector<16xi32> to vector<1xi32>
          %squeeze3A_362 = vector.extract %slice3A_361[0] : i32 from vector<1xi32>
          %gt3A_363 = arith.constant 0 : i32
          %gt3A_364 = arith.cmpi sgt, %squeeze3A_362, %gt3A_363 : i32
          %convert_element_type3A_365 = arith.extui %gt3A_364 : i1 to i32
          %cond3A_366 = arith.constant 0 : i32
          %cond3A_367 = arith.cmpi ne, %convert_element_type3A_365, %cond3A_366 : i32
          scf.if %cond3A_367 {
            %mul3A_376 = arith.constant 8 : i32
            %mul3A_377 = arith.muli %scan3A_230, %mul3A_376 : i32
            %add3A_378 = arith.constant 6 : i32
            %add3A_379 = arith.addi %mul3A_377, %add3A_378 : i32
            %get3A_380 = arith.constant 0 : i32
            %get3A_381 = arith.index_cast %get3A_380 : i32 to index
            %get3A_382 = memref.load %arg12[%get3A_381] : memref<2xi32, #tpu.memory_space<smem>>
            %add3A_383 = arith.constant 128 : i32
            %add3A_384 = arith.addi %get3A_382, %add3A_383 : i32
            %le3A = arith.constant 2048 : i32
            %le3A_385 = arith.cmpi sle, %add3A_384, %le3A : i32
            %convert_element_type3A_386 = arith.extui %le3A_385 : i1 to i32
            %cond3A_387 = arith.constant 0 : i32
            %cond3A_388 = arith.cmpi ne, %convert_element_type3A_386, %cond3A_387 : i32
            scf.if %cond3A_388 {
              %scan3A_399 = arith.constant 0 : i32
              %scan3A_400 = arith.constant 0 : i32
              %scan3A_401 = arith.constant 8 : i32
              %scan3A_402 = arith.addi %scan3A_400, %scan3A_401 : i32
              %scan3A_403 = arith.constant 1 : i32
              scf.for %scan3A_405 = %scan3A_400 to %scan3A_402 step %scan3A_403  : i32 {
                %mul3A_406 = arith.constant 8 : i32
                %mul3A_407 = arith.muli %add3A_379, %mul3A_406 : i32
                %add3A_408 = arith.addi %mul3A_407, %scan3A_405 : i32
                %mul3A_409 = arith.constant 16 : i32
                %mul3A_410 = arith.muli %add3A_408, %mul3A_409 : i32
                %add3A_411 = arith.constant 32768 : i32
                %add3A_412 = arith.addi %add3A_411, %mul3A_410 : i32
                %get3A_413 = arith.index_cast %add3A_412 : i32 to index
                %get3A_414 = tpu.vector_load %arg5[%get3A_413] {strides = array<i32>} : memref<65536xf32, #tpu.memory_space<vmem>>, vector<16xf32>,
                %ge3A_415 = arith.cmpf oge, %get3A_414, %broadcast_in_dim3A_187 : vector<16xf32>
                %all_reduce_population_count3A_416 = tpu.all_reduce %ge3A_415 {dim = 0 : i64, kind = #tpu.reduction_kind<sum>} : vector<16xi1> -> vector<16xi32>
                %slice3A_417 = vector.extract_strided_slice %all_reduce_population_count3A_416 {offsets = [0], sizes = [1], strides = [1]} : vector<16xi32> to vector<1xi32>
                %squeeze3A_418 = vector.extract %slice3A_417[0] : i32 from vector<1xi32>
                %get3A_419 = arith.constant 0 : i32
                %get3A_420 = arith.index_cast %get3A_419 : i32 to index
                %get3A_421 = memref.load %arg12[%get3A_420] : memref<2xi32, #tpu.memory_space<smem>>
                %swap3A_422 = arith.index_cast %get3A_421 : i32 to index
                %swap3A_423 = tpu.vector_load %arg7[%swap3A_422] masked %ge3A_415 {strides = array<i32>} : memref<2064xf32, #tpu.memory_space<vmem>>, vector<16xf32>, vector<16xi1>
                tpu.vector_store %arg7[%swap3A_422], %get3A_414 masked %ge3A_415 {strides = array<i32>} : memref<2064xf32, #tpu.memory_space<vmem>>, vector<16xf32>, vector<16xi1>
                %add3A_424 = vector.broadcast %mul3A_410 : i32 to vector<16xi32>
                %add3A_425 = arith.addi %add3A_424, %iota3A : vector<16xi32>
                %swap3A_426 = arith.index_cast %get3A_421 : i32 to index
                %swap3A_427 = tpu.vector_load %arg8[%swap3A_426] masked %ge3A_415 {strides = array<i32>} : memref<2064xi32, #tpu.memory_space<vmem>>, vector<16xi32>, vector<16xi1>
                tpu.vector_store %arg8[%swap3A_426], %add3A_425 masked %ge3A_415 {strides = array<i32>} : memref<2064xi32, #tpu.memory_space<vmem>>, vector<16xi32>, vector<16xi1>
                %add3A_428 = arith.addi %get3A_421, %squeeze3A_418 : i32
                %swap3A_429 = arith.constant 0 : i32
                %swap3A_430 = arith.index_cast %swap3A_429 : i32 to index
                %swap3A_431 = memref.load %arg12[%swap3A_430] : memref<2xi32, #tpu.memory_space<smem>>
                memref.store %add3A_428, %arg12[%swap3A_430] : memref<2xi32, #tpu.memory_space<smem>>
                %get3A_432 = arith.constant 1 : i32
                %get3A_433 = arith.index_cast %get3A_432 : i32 to index
                %get3A_434 = memref.load %arg12[%get3A_433] : memref<2xi32, #tpu.memory_space<smem>>
                %add3A_435 = arith.addi %get3A_434, %squeeze3A_418 : i32
                %swap3A_436 = arith.constant 1 : i32
                %swap3A_437 = arith.index_cast %swap3A_436 : i32 to index
                %swap3A_438 = memref.load %arg12[%swap3A_437] : memref<2xi32, #tpu.memory_space<smem>>
                memref.store %add3A_435, %arg12[%swap3A_437] : memref<2xi32, #tpu.memory_space<smem>>
              }
              %scan3A_404 = arith.constant 8 : i32
            } else {
            }
            %get3A_389 = arith.constant 0 : i32
            %get3A_390 = arith.index_cast %get3A_389 : i32 to index
            %get3A_391 = memref.load %arg12[%get3A_390] : memref<2xi32, #tpu.memory_space<smem>>
            %add3A_392 = arith.constant 128 : i32
            %add3A_393 = arith.addi %get3A_391, %add3A_392 : i32
            %gt3A_394 = arith.constant 2048 : i32
            %gt3A_395 = arith.cmpi sgt, %add3A_393, %gt3A_394 : i32
            %convert_element_type3A_396 = arith.extui %gt3A_395 : i1 to i32
            %cond3A_397 = arith.constant 0 : i32
            %cond3A_398 = arith.cmpi ne, %convert_element_type3A_396, %cond3A_397 : i32
            scf.if %cond3A_398 {
              %get3A_399 = arith.constant 1 : i32
              %get3A_400 = arith.index_cast %get3A_399 : i32 to index
              %get3A_401 = memref.load %arg12[%get3A_400] : memref<2xi32, #tpu.memory_space<smem>>
              %add3A_402 = arith.constant 1 : i32
              %add3A_403 = arith.addi %get3A_401, %add3A_402 : i32
              %swap3A_404 = arith.constant 1 : i32
              %swap3A_405 = arith.index_cast %swap3A_404 : i32 to index
              %swap3A_406 = memref.load %arg12[%swap3A_405] : memref<2xi32, #tpu.memory_space<smem>>
              memref.store %add3A_403, %arg12[%swap3A_405] : memref<2xi32, #tpu.memory_space<smem>>
            } else {
            }
          } else {
          }
          %all_reduce_population_count3A_368 = tpu.all_reduce %ge3A_306 {dim = 0 : i64, kind = #tpu.reduction_kind<sum>} : vector<16xi1> -> vector<16xi32>
          %slice3A_369 = vector.extract_strided_slice %all_reduce_population_count3A_368 {offsets = [0], sizes = [1], strides = [1]} : vector<16xi32> to vector<1xi32>
          %squeeze3A_370 = vector.extract %slice3A_369[0] : i32 from vector<1xi32>
          %gt3A_371 = arith.constant 0 : i32
          %gt3A_372 = arith.cmpi sgt, %squeeze3A_370, %gt3A_371 : i32
          %convert_element_type3A_373 = arith.extui %gt3A_372 : i1 to i32
          %cond3A_374 = arith.constant 0 : i32
          %cond3A_375 = arith.cmpi ne, %convert_element_type3A_373, %cond3A_374 : i32
          scf.if %cond3A_375 {
            %mul3A_376 = arith.constant 8 : i32
            %mul3A_377 = arith.muli %scan3A_230, %mul3A_376 : i32
            %add3A_378 = arith.constant 7 : i32
            %add3A_379 = arith.addi %mul3A_377, %add3A_378 : i32
            %get3A_380 = arith.constant 0 : i32
            %get3A_381 = arith.index_cast %get3A_380 : i32 to index
            %get3A_382 = memref.load %arg12[%get3A_381] : memref<2xi32, #tpu.memory_space<smem>>
            %add3A_383 = arith.constant 128 : i32
            %add3A_384 = arith.addi %get3A_382, %add3A_383 : i32
            %le3A = arith.constant 2048 : i32
            %le3A_385 = arith.cmpi sle, %add3A_384, %le3A : i32
            %convert_element_type3A_386 = arith.extui %le3A_385 : i1 to i32
            %cond3A_387 = arith.constant 0 : i32
            %cond3A_388 = arith.cmpi ne, %convert_element_type3A_386, %cond3A_387 : i32
            scf.if %cond3A_388 {
              %scan3A_399 = arith.constant 0 : i32
              %scan3A_400 = arith.constant 0 : i32
              %scan3A_401 = arith.constant 8 : i32
              %scan3A_402 = arith.addi %scan3A_400, %scan3A_401 : i32
              %scan3A_403 = arith.constant 1 : i32
              scf.for %scan3A_405 = %scan3A_400 to %scan3A_402 step %scan3A_403  : i32 {
                %mul3A_406 = arith.constant 8 : i32
                %mul3A_407 = arith.muli %add3A_379, %mul3A_406 : i32
                %add3A_408 = arith.addi %mul3A_407, %scan3A_405 : i32
                %mul3A_409 = arith.constant 16 : i32
                %mul3A_410 = arith.muli %add3A_408, %mul3A_409 : i32
                %add3A_411 = arith.constant 32768 : i32
                %add3A_412 = arith.addi %add3A_411, %mul3A_410 : i32
                %get3A_413 = arith.index_cast %add3A_412 : i32 to index
                %get3A_414 = tpu.vector_load %arg5[%get3A_413] {strides = array<i32>} : memref<65536xf32, #tpu.memory_space<vmem>>, vector<16xf32>,
                %ge3A_415 = arith.cmpf oge, %get3A_414, %broadcast_in_dim3A_187 : vector<16xf32>
                %all_reduce_population_count3A_416 = tpu.all_reduce %ge3A_415 {dim = 0 : i64, kind = #tpu.reduction_kind<sum>} : vector<16xi1> -> vector<16xi32>
                %slice3A_417 = vector.extract_strided_slice %all_reduce_population_count3A_416 {offsets = [0], sizes = [1], strides = [1]} : vector<16xi32> to vector<1xi32>
                %squeeze3A_418 = vector.extract %slice3A_417[0] : i32 from vector<1xi32>
                %get3A_419 = arith.constant 0 : i32
                %get3A_420 = arith.index_cast %get3A_419 : i32 to index
                %get3A_421 = memref.load %arg12[%get3A_420] : memref<2xi32, #tpu.memory_space<smem>>
                %swap3A_422 = arith.index_cast %get3A_421 : i32 to index
                %swap3A_423 = tpu.vector_load %arg7[%swap3A_422] masked %ge3A_415 {strides = array<i32>} : memref<2064xf32, #tpu.memory_space<vmem>>, vector<16xf32>, vector<16xi1>
                tpu.vector_store %arg7[%swap3A_422], %get3A_414 masked %ge3A_415 {strides = array<i32>} : memref<2064xf32, #tpu.memory_space<vmem>>, vector<16xf32>, vector<16xi1>
                %add3A_424 = vector.broadcast %mul3A_410 : i32 to vector<16xi32>
                %add3A_425 = arith.addi %add3A_424, %iota3A : vector<16xi32>
                %swap3A_426 = arith.index_cast %get3A_421 : i32 to index
                %swap3A_427 = tpu.vector_load %arg8[%swap3A_426] masked %ge3A_415 {strides = array<i32>} : memref<2064xi32, #tpu.memory_space<vmem>>, vector<16xi32>, vector<16xi1>
                tpu.vector_store %arg8[%swap3A_426], %add3A_425 masked %ge3A_415 {strides = array<i32>} : memref<2064xi32, #tpu.memory_space<vmem>>, vector<16xi32>, vector<16xi1>
                %add3A_428 = arith.addi %get3A_421, %squeeze3A_418 : i32
                %swap3A_429 = arith.constant 0 : i32
                %swap3A_430 = arith.index_cast %swap3A_429 : i32 to index
                %swap3A_431 = memref.load %arg12[%swap3A_430] : memref<2xi32, #tpu.memory_space<smem>>
                memref.store %add3A_428, %arg12[%swap3A_430] : memref<2xi32, #tpu.memory_space<smem>>
                %get3A_432 = arith.constant 1 : i32
                %get3A_433 = arith.index_cast %get3A_432 : i32 to index
                %get3A_434 = memref.load %arg12[%get3A_433] : memref<2xi32, #tpu.memory_space<smem>>
                %add3A_435 = arith.addi %get3A_434, %squeeze3A_418 : i32
                %swap3A_436 = arith.constant 1 : i32
                %swap3A_437 = arith.index_cast %swap3A_436 : i32 to index
                %swap3A_438 = memref.load %arg12[%swap3A_437] : memref<2xi32, #tpu.memory_space<smem>>
                memref.store %add3A_435, %arg12[%swap3A_437] : memref<2xi32, #tpu.memory_space<smem>>
              }
              %scan3A_404 = arith.constant 8 : i32
            } else {
            }
            %get3A_389 = arith.constant 0 : i32
            %get3A_390 = arith.index_cast %get3A_389 : i32 to index
            %get3A_391 = memref.load %arg12[%get3A_390] : memref<2xi32, #tpu.memory_space<smem>>
            %add3A_392 = arith.constant 128 : i32
            %add3A_393 = arith.addi %get3A_391, %add3A_392 : i32
            %gt3A_394 = arith.constant 2048 : i32
            %gt3A_395 = arith.cmpi sgt, %add3A_393, %gt3A_394 : i32
            %convert_element_type3A_396 = arith.extui %gt3A_395 : i1 to i32
            %cond3A_397 = arith.constant 0 : i32
            %cond3A_398 = arith.cmpi ne, %convert_element_type3A_396, %cond3A_397 : i32
            scf.if %cond3A_398 {
              %get3A_399 = arith.constant 1 : i32
              %get3A_400 = arith.index_cast %get3A_399 : i32 to index
              %get3A_401 = memref.load %arg12[%get3A_400] : memref<2xi32, #tpu.memory_space<smem>>
              %add3A_402 = arith.constant 1 : i32
              %add3A_403 = arith.addi %get3A_401, %add3A_402 : i32
              %swap3A_404 = arith.constant 1 : i32
              %swap3A_405 = arith.index_cast %swap3A_404 : i32 to index
              %swap3A_406 = memref.load %arg12[%swap3A_405] : memref<2xi32, #tpu.memory_space<smem>>
              memref.store %add3A_403, %arg12[%swap3A_405] : memref<2xi32, #tpu.memory_space<smem>>
            } else {
            }
          } else {
          }
        } else {
        }
      }
      %scan3A_201 = arith.constant 32 : i32
      %get3A_202 = arith.constant 0 : i32
      %get3A_203 = arith.index_cast %get3A_202 : i32 to index
      %get3A_204 = memref.load %arg12[%get3A_203] : memref<2xi32, #tpu.memory_space<smem>>
      %get3A_205 = arith.constant 1 : i32
      %get3A_206 = arith.index_cast %get3A_205 : i32 to index
      %get3A_207 = memref.load %arg12[%get3A_206] : memref<2xi32, #tpu.memory_space<smem>>
      %broadcast_in_dim3A_208 = arith.constant 0xFF800000 : f32
      %broadcast_in_dim3A_209 = vector.broadcast %broadcast_in_dim3A_208 : f32 to vector<16xf32>
      %swap3A_210 = arith.index_cast %get3A_204 : i32 to index
      %swap3A_211 = tpu.vector_load %arg7[%swap3A_210] {strides = array<i32>} : memref<2064xf32, #tpu.memory_space<vmem>>, vector<16xf32>,
      tpu.vector_store %arg7[%swap3A_210], %broadcast_in_dim3A_209 {strides = array<i32>} : memref<2064xf32, #tpu.memory_space<vmem>>, vector<16xf32>,
      %broadcast_in_dim3A_212 = arith.constant 2147483647 : i32
      %broadcast_in_dim3A_213 = vector.broadcast %broadcast_in_dim3A_212 : i32 to vector<16xi32>
      %swap3A_214 = arith.index_cast %get3A_204 : i32 to index
      %swap3A_215 = tpu.vector_load %arg8[%swap3A_214] {strides = array<i32>} : memref<2064xi32, #tpu.memory_space<vmem>>, vector<16xi32>,
      tpu.vector_store %arg8[%swap3A_214], %broadcast_in_dim3A_213 {strides = array<i32>} : memref<2064xi32, #tpu.memory_space<vmem>>, vector<16xi32>,
      %eq3A_216 = arith.cmpi eq, %get3A_207, %get3A_204 : i32
      %convert_element_type3A_217 = arith.extui %eq3A_216 : i1 to i32
      %cond3A_218 = arith.constant 0 : i32
      %cond3A_219 = arith.cmpi ne, %convert_element_type3A_217, %cond3A_218 : i32
      scf.if %cond3A_219 {
        %add3A_230 = arith.constant 16 : i32
        %add3A_231 = arith.addi %get3A_204, %add3A_230 : i32
        %sub3A = arith.constant 1 : i32
        %sub3A_232 = arith.subi %add3A_231, %sub3A : i32
        %jit3A_233 = arith.constant 16 : i32
        %div3A = arith.divsi %sub3A_232, %jit3A_233 : i32
        %sign3A = arith.constant 0 : i32
        %sign3A_234 = arith.cmpi sgt, %sub3A_232, %sign3A : i32
        %sign3A_235 = arith.extui %sign3A_234 : i1 to i32
        %sign3A_236 = arith.constant 0 : i32
        %sign3A_237 = arith.cmpi slt, %sub3A_232, %sign3A_236 : i32
        %sign3A_238 = arith.extui %sign3A_237 : i1 to i32
        %sign3A_239 = arith.subi %sign3A_235, %sign3A_238 : i32
        %sign3A_240 = arith.constant 0 : i32
        %sign3A_241 = arith.cmpi sgt, %jit3A_233, %sign3A_240 : i32
        %sign3A_242 = arith.extui %sign3A_241 : i1 to i32
        %sign3A_243 = arith.constant 0 : i32
        %sign3A_244 = arith.cmpi slt, %jit3A_233, %sign3A_243 : i32
        %sign3A_245 = arith.extui %sign3A_244 : i1 to i32
        %sign3A_246 = arith.subi %sign3A_242, %sign3A_245 : i32
        %ne3A_247 = arith.cmpi ne, %sign3A_239, %sign3A_246 : i32
        %rem3A = arith.remsi %sub3A_232, %jit3A_233 : i32
        %ne3A_248 = arith.constant 0 : i32
        %ne3A_249 = arith.cmpi ne, %rem3A, %ne3A_248 : i32
        %and3A = arith.andi %ne3A_247, %ne3A_249 : i1
        %sub3A_250 = arith.constant 1 : i32
        %sub3A_251 = arith.subi %div3A, %sub3A_250 : i32
        %select_n3A_252 = arith.select %and3A, %sub3A_251, %div3A : i32
        %broadcast_in_dim3A_253 = arith.constant 0xFF800000 : f32
        %broadcast_in_dim3A_254 = vector.broadcast %broadcast_in_dim3A_253 : f32 to vector<16xf32>
        %broadcast_in_dim3A_255 = arith.constant 2147483647 : i32
        %broadcast_in_dim3A_256 = vector.broadcast %broadcast_in_dim3A_255 : i32 to vector<16xi32>
        %while3A = arith.constant 0 : i32
        %while3A_257 = arith.subi %select_n3A_252, %while3A : i32
        %while3A_258 = arith.addi %while3A, %while3A_257 : i32
        %while3A_259 = arith.constant 1 : i32
        %while3A_260 = arith.divsi %while3A_257, %while3A_259 : i32
        %while3A_261 = arith.muli %while3A_260, %while3A_259 : i32
        %while3A_262 = arith.addi %while3A, %while3A_261 : i32
        %while3A_263 = arith.constant 1 : i32
        %while3A_264:2 = scf.for %while3A_282 = %while3A to %while3A_262 step %while3A_263 iter_args(%while3A_283 = %broadcast_in_dim3A_254, %while3A_284 = %broadcast_in_dim3A_256) -> (vector<16xf32>, vector<16xi32>)  : i32 {
          %mul3A_285 = arith.constant 16 : i32
          %mul3A_286 = arith.muli %while3A_282, %mul3A_285 : i32
          %get3A_287 = arith.index_cast %mul3A_286 : i32 to index
          %get3A_288 = tpu.vector_load %arg7[%get3A_287] {strides = array<i32>} : memref<2064xf32, #tpu.memory_space<vmem>>, vector<16xf32>,
          %mul3A_289 = arith.constant 16 : i32
          %mul3A_290 = arith.muli %while3A_282, %mul3A_289 : i32
          %get3A_291 = arith.index_cast %mul3A_290 : i32 to index
          %get3A_292 = tpu.vector_load %arg8[%get3A_291] {strides = array<i32>} : memref<2064xi32, #tpu.memory_space<vmem>>, vector<16xi32>,
          %masked_sort3A_293 = arith.constant dense<true> : vector<16xi1>
          %masked_sort3A_294, %masked_sort3A_295, %masked_sort3A_296 = tpu.sort %get3A_288, %get3A_292 masked %masked_sort3A_293 : (vector<16xf32>, vector<16xi32>, vector<16xi1>) -> (vector<16xi1>, vector<16xf32>, vector<16xi32>)
          %ge3A = arith.cmpf oge, %while3A_283, %masked_sort3A_295 : vector<16xf32>
          %select_n3A_297 = arith.select %ge3A, %while3A_283, %masked_sort3A_295 : vector<16xi1>, vector<16xf32>
          %select_n3A_298 = arith.select %ge3A, %while3A_284, %masked_sort3A_296 : vector<16xi1>, vector<16xi32>
          %masked_sort3A_299 = arith.constant dense<true> : vector<16xi1>
          %masked_sort3A_300, %masked_sort3A_301, %masked_sort3A_302 = tpu.sort %select_n3A_297, %select_n3A_298 masked %masked_sort3A_299 {descending = true} : (vector<16xf32>, vector<16xi32>, vector<16xi1>) -> (vector<16xi1>, vector<16xf32>, vector<16xi32>)
          scf.yield %masked_sort3A_301, %masked_sort3A_302 : vector<16xf32>, vector<16xi32>
        }
        %while3A_265 = arith.constant 1 : i32
        %while3A_266:2 = scf.for %while3A_282 = %while3A_262 to %while3A_258 step %while3A_265 iter_args(%while3A_283 = %while3A_264#0, %while3A_284 = %while3A_264#1) -> (vector<16xf32>, vector<16xi32>)  : i32 {
          %mul3A_285 = arith.constant 16 : i32
          %mul3A_286 = arith.muli %while3A_282, %mul3A_285 : i32
          %get3A_287 = arith.index_cast %mul3A_286 : i32 to index
          %get3A_288 = tpu.vector_load %arg7[%get3A_287] {strides = array<i32>} : memref<2064xf32, #tpu.memory_space<vmem>>, vector<16xf32>,
          %mul3A_289 = arith.constant 16 : i32
          %mul3A_290 = arith.muli %while3A_282, %mul3A_289 : i32
          %get3A_291 = arith.index_cast %mul3A_290 : i32 to index
          %get3A_292 = tpu.vector_load %arg8[%get3A_291] {strides = array<i32>} : memref<2064xi32, #tpu.memory_space<vmem>>, vector<16xi32>,
          %masked_sort3A_293 = arith.constant dense<true> : vector<16xi1>
          %masked_sort3A_294, %masked_sort3A_295, %masked_sort3A_296 = tpu.sort %get3A_288, %get3A_292 masked %masked_sort3A_293 : (vector<16xf32>, vector<16xi32>, vector<16xi1>) -> (vector<16xi1>, vector<16xf32>, vector<16xi32>)
          %ge3A = arith.cmpf oge, %while3A_283, %masked_sort3A_295 : vector<16xf32>
          %select_n3A_297 = arith.select %ge3A, %while3A_283, %masked_sort3A_295 : vector<16xi1>, vector<16xf32>
          %select_n3A_298 = arith.select %ge3A, %while3A_284, %masked_sort3A_296 : vector<16xi1>, vector<16xi32>
          %masked_sort3A_299 = arith.constant dense<true> : vector<16xi1>
          %masked_sort3A_300, %masked_sort3A_301, %masked_sort3A_302 = tpu.sort %select_n3A_297, %select_n3A_298 masked %masked_sort3A_299 {descending = true} : (vector<16xf32>, vector<16xi32>, vector<16xi1>) -> (vector<16xi1>, vector<16xf32>, vector<16xi32>)
          scf.yield %masked_sort3A_301, %masked_sort3A_302 : vector<16xf32>, vector<16xi32>
        }
        %mul3A_267 = arith.constant 8 : i32
        %mul3A_268 = arith.muli %add3A_128, %mul3A_267 : i32
        %exp3A = math.exp %while3A_266#0 : vector<16xf32>
        %div3A_269 = arith.divf %exp3A, %broadcast_in_dim3A_172 : vector<16xf32>
        %lt3A_270 = arith.constant 8 : i32
        %lt3A_271 = vector.broadcast %lt3A_270 : i32 to vector<16xi32>
        %lt3A_272 = arith.cmpi slt, %iota3A, %lt3A_271 : vector<16xi32>
        %swap3A_273 = arith.index_cast %mul3A_268 : i32 to index
        %swap3A_274 = tpu.vector_load %arg9[%swap3A_273] masked %lt3A_272 {strides = array<i32>} : memref<48xf32, #tpu.memory_space<vmem>>, vector<16xf32>, vector<16xi1>
        tpu.vector_store %arg9[%swap3A_273], %div3A_269 masked %lt3A_272 {strides = array<i32>} : memref<48xf32, #tpu.memory_space<vmem>>, vector<16xf32>, vector<16xi1>
        %mul3A_275 = arith.constant 8 : i32
        %mul3A_276 = arith.muli %add3A_128, %mul3A_275 : i32
        %lt3A_277 = arith.constant 8 : i32
        %lt3A_278 = vector.broadcast %lt3A_277 : i32 to vector<16xi32>
        %lt3A_279 = arith.cmpi slt, %iota3A, %lt3A_278 : vector<16xi32>
        %swap3A_280 = arith.index_cast %mul3A_276 : i32 to index
        %swap3A_281 = tpu.vector_load %arg10[%swap3A_280] masked %lt3A_279 {strides = array<i32>} : memref<48xi32, #tpu.memory_space<vmem>>, vector<16xi32>, vector<16xi1>
        tpu.vector_store %arg10[%swap3A_280], %while3A_266#1 masked %lt3A_279 {strides = array<i32>} : memref<48xi32, #tpu.memory_space<vmem>>, vector<16xi32>, vector<16xi1>
      } else {
      }
      %ne3A_220 = arith.cmpi ne, %get3A_207, %get3A_204 : i32
      %convert_element_type3A_221 = arith.extui %ne3A_220 : i1 to i32
      %cond3A_222 = arith.constant 0 : i32
      %cond3A_223 = arith.cmpi ne, %convert_element_type3A_221, %cond3A_222 : i32
      scf.if %cond3A_223 {
        %broadcast_in_dim3A_230 = arith.constant 0xFF800000 : f32
        %broadcast_in_dim3A_231 = vector.broadcast %broadcast_in_dim3A_230 : f32 to vector<16xf32>
        %broadcast_in_dim3A_232 = arith.constant 2147483647 : i32
        %broadcast_in_dim3A_233 = vector.broadcast %broadcast_in_dim3A_232 : i32 to vector<16xi32>
        %scan3A_234 = arith.constant 0 : i32
        %scan3A_235 = arith.constant 2048 : i32
        %scan3A_236 = arith.addi %scan3A_234, %scan3A_235 : i32
        %scan3A_237 = arith.constant 1 : i32
        %scan3A_238:2 = scf.for %scan3A_254 = %scan3A_234 to %scan3A_236 step %scan3A_237 iter_args(%scan3A_255 = %broadcast_in_dim3A_231, %scan3A_256 = %broadcast_in_dim3A_233) -> (vector<16xf32>, vector<16xi32>)  : i32 {
          %mul3A_257 = arith.constant 16 : i32
          %mul3A_258 = arith.muli %scan3A_254, %mul3A_257 : i32
          %add3A_259 = arith.constant 32768 : i32
          %add3A_260 = arith.addi %add3A_259, %mul3A_258 : i32
          %get3A_261 = arith.index_cast %add3A_260 : i32 to index
          %get3A_262 = tpu.vector_load %arg5[%get3A_261] {strides = array<i32>} : memref<65536xf32, #tpu.memory_space<vmem>>, vector<16xf32>,
          %mul3A_263 = arith.constant 16 : i32
          %mul3A_264 = arith.muli %scan3A_254, %mul3A_263 : i32
          %add3A_265 = vector.broadcast %mul3A_264 : i32 to vector<16xi32>
          %add3A_266 = arith.addi %add3A_265, %iota3A : vector<16xi32>
          %masked_sort3A_267 = arith.constant dense<true> : vector<16xi1>
          %masked_sort3A_268, %masked_sort3A_269, %masked_sort3A_270 = tpu.sort %get3A_262, %add3A_266 masked %masked_sort3A_267 : (vector<16xf32>, vector<16xi32>, vector<16xi1>) -> (vector<16xi1>, vector<16xf32>, vector<16xi32>)
          %ge3A = arith.cmpf oge, %scan3A_255, %masked_sort3A_269 : vector<16xf32>
          %select_n3A_271 = arith.select %ge3A, %scan3A_255, %masked_sort3A_269 : vector<16xi1>, vector<16xf32>
          %select_n3A_272 = arith.select %ge3A, %scan3A_256, %masked_sort3A_270 : vector<16xi1>, vector<16xi32>
          %masked_sort3A_273 = arith.constant dense<true> : vector<16xi1>
          %masked_sort3A_274, %masked_sort3A_275, %masked_sort3A_276 = tpu.sort %select_n3A_271, %select_n3A_272 masked %masked_sort3A_273 {descending = true} : (vector<16xf32>, vector<16xi32>, vector<16xi1>) -> (vector<16xi1>, vector<16xf32>, vector<16xi32>)
          scf.yield %masked_sort3A_275, %masked_sort3A_276 : vector<16xf32>, vector<16xi32>
        }
        %scan3A_239 = arith.constant 2048 : i32
        %mul3A_240 = arith.constant 8 : i32
        %mul3A_241 = arith.muli %add3A_128, %mul3A_240 : i32
        %exp3A = math.exp %scan3A_238#0 : vector<16xf32>
        %div3A = arith.divf %exp3A, %broadcast_in_dim3A_172 : vector<16xf32>
        %lt3A_242 = arith.constant 8 : i32
        %lt3A_243 = vector.broadcast %lt3A_242 : i32 to vector<16xi32>
        %lt3A_244 = arith.cmpi slt, %iota3A, %lt3A_243 : vector<16xi32>
        %swap3A_245 = arith.index_cast %mul3A_241 : i32 to index
        %swap3A_246 = tpu.vector_load %arg9[%swap3A_245] masked %lt3A_244 {strides = array<i32>} : memref<48xf32, #tpu.memory_space<vmem>>, vector<16xf32>, vector<16xi1>
        tpu.vector_store %arg9[%swap3A_245], %div3A masked %lt3A_244 {strides = array<i32>} : memref<48xf32, #tpu.memory_space<vmem>>, vector<16xf32>, vector<16xi1>
        %mul3A_247 = arith.constant 8 : i32
        %mul3A_248 = arith.muli %add3A_128, %mul3A_247 : i32
        %lt3A_249 = arith.constant 8 : i32
        %lt3A_250 = vector.broadcast %lt3A_249 : i32 to vector<16xi32>
        %lt3A_251 = arith.cmpi slt, %iota3A, %lt3A_250 : vector<16xi32>
        %swap3A_252 = arith.index_cast %mul3A_248 : i32 to index
        %swap3A_253 = tpu.vector_load %arg10[%swap3A_252] masked %lt3A_251 {strides = array<i32>} : memref<48xi32, #tpu.memory_space<vmem>>, vector<16xi32>, vector<16xi1>
        tpu.vector_store %arg10[%swap3A_252], %scan3A_238#1 masked %lt3A_251 {strides = array<i32>} : memref<48xi32, #tpu.memory_space<vmem>>, vector<16xi32>, vector<16xi1>
      } else {
      }
      %lt3A_224 = arith.constant 1 : i32
      %lt3A_225 = arith.cmpi slt, %scan3A_34, %lt3A_224 : i32
      %convert_element_type3A_226 = arith.extui %lt3A_225 : i1 to i32
      %cond3A_227 = arith.constant 0 : i32
      %cond3A_228 = arith.cmpi ne, %convert_element_type3A_226, %cond3A_227 : i32
      scf.if %cond3A_228 {
        %add3A_230 = arith.addi %mul3A_2, %add3A_128 : i32
        %add3A_231 = arith.constant 2 : i32
        %add3A_232 = arith.addi %add3A_230, %add3A_231 : i32
        %dma_start3A_233 = arith.constant 32768 : i32
        %dma_start3A_234 = tpu.memref_slice %arg5[%dma_start3A_233] : memref<65536xf32, #tpu.memory_space<vmem>> -> memref<32768xf32, #tpu.memory_space<vmem>>
        %dma_start3A_235 = arith.constant 0 : i32
        %dma_start3A_236 = tpu.memref_slice %arg2[%add3A_232, %dma_start3A_235] : memref<128x32768xf32, #tpu.memory_space<hbm>> -> memref<1x32768xf32, #tpu.memory_space<hbm>>
        %dma_start3A_237 = tpu.memref_squeeze %dma_start3A_236 : memref<1x32768xf32, #tpu.memory_space<hbm>> -> memref<32768xf32, #tpu.memory_space<hbm>>
        %dma_start3A_238 = arith.constant 32768 : i32
        %dma_start3A_239 = tpu.memref_slice %arg5[%dma_start3A_238] : memref<65536xf32, #tpu.memory_space<vmem>> -> memref<32768xf32, #tpu.memory_space<vmem>>
        %dma_start3A_240 = arith.constant 0 : i32
        %dma_start3A_241 = tpu.memref_slice %arg2[%add3A_232, %dma_start3A_240] : memref<128x32768xf32, #tpu.memory_space<hbm>> -> memref<1x32768xf32, #tpu.memory_space<hbm>>
        %dma_start3A_242 = tpu.memref_squeeze %dma_start3A_241 : memref<1x32768xf32, #tpu.memory_space<hbm>> -> memref<32768xf32, #tpu.memory_space<hbm>>
        tpu.enqueue_dma source(%dma_start3A_242 : memref<32768xf32, #tpu.memory_space<hbm>>) target(%dma_start3A_239 : memref<32768xf32, #tpu.memory_space<vmem>>) target_semaphore(%arg14 : memref<!tpu.dma_semaphore, #tpu.memory_space<semaphore_mem>>)
      } else {
      }
      %scan3A_229 = arith.constant 0 : i32
      scf.yield %scan3A_229 : i32
    }
    %scan3A_29 = arith.constant 2 : i32
    %mul3A_30 = arith.constant 32 : i32
    %mul3A_31 = arith.muli %add3A, %mul3A_30 : i32
    "tpu.region"() ({
      %run_scoped3A = tpu.sem_alloc : memref<!tpu.dma_semaphore, #tpu.memory_space<semaphore_mem>>
      %dma_start3A_34 = arith.constant 0 : i32
      %dma_start3A_35 = tpu.memref_slice %arg9[%dma_start3A_34] : memref<48xf32, #tpu.memory_space<vmem>> -> memref<32xf32, #tpu.memory_space<vmem>>
      %dma_start3A_36 = tpu.memref_slice %arg3[%mul3A_31] : memref<1024xf32, #tpu.memory_space<hbm>> -> memref<32xf32, #tpu.memory_space<hbm>>
      %dma_start3A_37 = tpu.memref_slice %arg3[%mul3A_31] : memref<1024xf32, #tpu.memory_space<hbm>> -> memref<32xf32, #tpu.memory_space<hbm>>
      %dma_start3A_38 = arith.constant 0 : i32
      %dma_start3A_39 = tpu.memref_slice %arg9[%dma_start3A_38] : memref<48xf32, #tpu.memory_space<vmem>> -> memref<32xf32, #tpu.memory_space<vmem>>
      tpu.enqueue_dma source(%dma_start3A_39 : memref<32xf32, #tpu.memory_space<vmem>>) target(%dma_start3A_37 : memref<32xf32, #tpu.memory_space<hbm>>) target_semaphore(%run_scoped3A : memref<!tpu.dma_semaphore, #tpu.memory_space<semaphore_mem>>)
      %dma_wait3A = arith.constant 0 : i32
      %dma_wait3A_40 = tpu.memref_slice %arg9[%dma_wait3A] : memref<48xf32, #tpu.memory_space<vmem>> -> memref<32xf32, #tpu.memory_space<vmem>>
      %dma_wait3A_41 = tpu.memref_slice %arg3[%mul3A_31] : memref<1024xf32, #tpu.memory_space<hbm>> -> memref<32xf32, #tpu.memory_space<hbm>>
      %dma_wait3A_42 = tpu.memref_slice %arg3[%mul3A_31] : memref<1024xf32, #tpu.memory_space<hbm>> -> memref<32xf32, #tpu.memory_space<hbm>>
      %dma_wait3A_43 = arith.constant 0 : i32
      %dma_wait3A_44 = tpu.memref_slice %arg9[%dma_wait3A_43] : memref<48xf32, #tpu.memory_space<vmem>> -> memref<32xf32, #tpu.memory_space<vmem>>
      tpu.wait_dma2 semaphore(%run_scoped3A : memref<!tpu.dma_semaphore, #tpu.memory_space<semaphore_mem>>) src(%dma_wait3A_44 : memref<32xf32, #tpu.memory_space<vmem>>) dst(%dma_wait3A_42 : memref<32xf32, #tpu.memory_space<hbm>>)
      tpu.yield
    }) : () -> ()
    %mul3A_32 = arith.constant 32 : i32
    %mul3A_33 = arith.muli %add3A, %mul3A_32 : i32
    "tpu.region"() ({
      %run_scoped3A = tpu.sem_alloc : memref<!tpu.dma_semaphore, #tpu.memory_space<semaphore_mem>>
      %dma_start3A_34 = arith.constant 0 : i32
      %dma_start3A_35 = tpu.memref_slice %arg10[%dma_start3A_34] : memref<48xi32, #tpu.memory_space<vmem>> -> memref<32xi32, #tpu.memory_space<vmem>>
      %dma_start3A_36 = tpu.memref_slice %arg4[%mul3A_33] : memref<1024xi32, #tpu.memory_space<hbm>> -> memref<32xi32, #tpu.memory_space<hbm>>
      %dma_start3A_37 = tpu.memref_slice %arg4[%mul3A_33] : memref<1024xi32, #tpu.memory_space<hbm>> -> memref<32xi32, #tpu.memory_space<hbm>>
      %dma_start3A_38 = arith.constant 0 : i32
      %dma_start3A_39 = tpu.memref_slice %arg10[%dma_start3A_38] : memref<48xi32, #tpu.memory_space<vmem>> -> memref<32xi32, #tpu.memory_space<vmem>>
      tpu.enqueue_dma source(%dma_start3A_39 : memref<32xi32, #tpu.memory_space<vmem>>) target(%dma_start3A_37 : memref<32xi32, #tpu.memory_space<hbm>>) target_semaphore(%run_scoped3A : memref<!tpu.dma_semaphore, #tpu.memory_space<semaphore_mem>>)
      %dma_wait3A = arith.constant 0 : i32
      %dma_wait3A_40 = tpu.memref_slice %arg10[%dma_wait3A] : memref<48xi32, #tpu.memory_space<vmem>> -> memref<32xi32, #tpu.memory_space<vmem>>
      %dma_wait3A_41 = tpu.memref_slice %arg4[%mul3A_33] : memref<1024xi32, #tpu.memory_space<hbm>> -> memref<32xi32, #tpu.memory_space<hbm>>
      %dma_wait3A_42 = tpu.memref_slice %arg4[%mul3A_33] : memref<1024xi32, #tpu.memory_space<hbm>> -> memref<32xi32, #tpu.memory_space<hbm>>
      %dma_wait3A_43 = arith.constant 0 : i32
      %dma_wait3A_44 = tpu.memref_slice %arg10[%dma_wait3A_43] : memref<48xi32, #tpu.memory_space<vmem>> -> memref<32xi32, #tpu.memory_space<vmem>>
      tpu.wait_dma2 semaphore(%run_scoped3A : memref<!tpu.dma_semaphore, #tpu.memory_space<semaphore_mem>>) src(%dma_wait3A_44 : memref<32xi32, #tpu.memory_space<vmem>>) dst(%dma_wait3A_42 : memref<32xi32, #tpu.memory_space<hbm>>)
      tpu.yield
    }) : () -> ()
    return
  }
}

</mosaic_0001>

<sc_bundles>
// kernel: kernel.3.cloned.1.call-start
scs
__scs_entry_jumppad:
0x0: {  	(pc) =	sbr.rel $0x88, $3  }
0x1: {  	(tag) =	ssettag $0x0;
	lr =	simm.s32 $0x1  }
0x2: {  	[smem:$0x3FA0] =	sst lr;
	_ =	strace $0xD0000000  }
0x3: {  	_ = 	snop  }
0x4: {  	_ = 	snop  }
0x5: {  	_ = 	snop  }
0x6: {  	_ = 	snop  }
0x7: {  	_ = 	snop  }
__scs_overlays_trampoline_lowered:
0x8: {  	[smem:$0x3FAF] =	sst s0  }
0x9: {  	[smem:$0x3FB0] =	sst s1  }
0xa: {  	[smem:$0x3FB1] =	sst s2  }
0xb: {  	[smem:$0x3FB2] =	sst s3  }
0xc: {  	[smem:$0x3FB3] =	sst s4  }
0xd: {  	[smem:$0x3FB4] =	sst s5  }
0xe: {  	[smem:$0x3FB5] =	sst s6  }
0xf: {  	[smem:$0x3FB6] =	sst s7  }
0x10: {  	[smem:$0x3FB7] =	sst s8  }
0x11: {  	[smem:$0x3FB8] =	sst s9;
	s0 =	simm.s32 @!p0 $0x0  }
0x12: {  	s1 =	sld [smem:$0x3F9E];
	s0 =	simm.s32 @p0 $0x1  }
0x13: {  	[smem:$0x3FB9] =	sst s0;
	s0 =	simm.s32 @!p1 $0x0  }
0x14: {  	s2 =	sld [smem:$0x3F9D];
	s0 =	simm.s32 @p1 $0x1  }
0x15: {  	[smem:$0x3FBA] =	sst s0;
	s0 =	simm.s32 @!p2 $0x0  }
0x16: {  	s3 =	sld [smem:$0x3FDB];
	s0 =	simm.s32 @p2 $0x1  }
0x17: {  	s4 =	simm.s32 $0x1BF5;
	[smem:$0x3FBC] =	sst s0  }
0x18: {  	s0 =	sld [smem:$0x3F9F];
	_ =	swait.ge [sflag:s4], $0x0  }
0x19: {  	s7 =	sld [smem:$0x3FA0]  }
0x1a: {  	s8 =	sadd.s32 $0xFFFFE003, lr  }
0x1b: {  	s9 =	sadd.s32 $0xFFFFFEF7, lr;
	s5 =	simm.s32 $0xFFFFFFFF;
	p2 =	slt.u32 s8, $0xFFFFF086  }
0x1c: {  	p1 =	slt.u32 s9, $0xF7A;
	s5 =	simm.s32 @!p2 $0x0  }
0x1d: {  	s5 =	simm.s32 @p1 $0x1;
	p0 =	seq.s32 s7, s2  }
0x1e: {  	s7 =	smul.u32 @!p0 $0xF7A, s2;
	p2 =	seq.s32 @!p0 s5, $0x0  }
0x1f: {  	s9 =	smul.u32 $0xF7A, s1;
	s8 =	simm.s32 @!p0 $0x1BF5;
	p2 =	por !p2, p0  }
0x20: {  	[sflag:s8] =	ssyncset.s32 @!p0 $0xFFFFF086;
	s6 =	sadd.s32 @!p0 s3, s7;
	s7 =	simm.s32 @!p0 $0x108  }
0x21: {  	s3 =	sadd.s32 s3, s9;
	s6 =	sadd.s32 @!p0 $0x88, s6;
	s7 =	simm.s32 @p2 $0x1082  }
0x22: {  	[simem:s7], [sflag:s8] =	dma.local @!p0 [hbm:s6], $0xF7A  }
0x23: {  	s9 =	sor.u32 $0xD0000000, s2;
	s6 =	simm.s32 $0x108;
	_ =	swait.ge @!p0 [sflag:s8], $0x0  }
0x24: {  	s3 =	sadd.s32 $0x88, s3;
	s6 =	simm.s32 @!p1 $0x1082;
	[sflag:s4] =	ssyncset.s32 $0xFFFFF086  }
0x25: {  	[simem:s6], [sflag:s4] =	dma.local [hbm:s3], $0xF7A  }
0x26: {  	[smem:$0x3FA0] =	sst s1;
	(tag) =	ssettag s2;
	_ =	strace s9  }
0x27: {  	s1 =	sld [smem:$0x3FB0]  }
0x28: {  	s2 =	sld [smem:$0x3FB1]  }
0x29: {  	s4 =	sld [smem:$0x3FB3]  }
0x2a: {  	p0 =	seq.s32 s5, $0x0;
	s5 =	sld [smem:$0x3FB4]  }
0x2b: {  	s6 =	sld [smem:$0x3FB5]  }
0x2c: {  	s7 =	sld [smem:$0x3FB6]  }
0x2d: {  	s3 =	simm.s32 $0x108;
	s8 =	sld [smem:$0x3FB7]  }
0x2e: {  	s3 =	simm.s32 @!p0 $0x1082;
	s9 =	sld [smem:$0x3FB8]  }
0x2f: {  	lr =	sadd.s32 s0, s3;
	s0 =	sld [smem:$0x3FAF]  }
0x30: {  	s3 =	sld [smem:$0x3FB2]  }
0x31: {  	[smem:$0x3FBB] =	sst s10  }
0x32: {  	s10 =	sld [smem:$0x3FB9];
	_ =	sdelay $0x3  }
0x33: {  	p0 =	seq.s32 s10, $0x1;
	s10 =	sld [smem:$0x3FBB];
	_ =	sdelay $0x3  }
0x34: {  	[smem:$0x3FBB] =	sst s10  }
0x35: {  	s10 =	sld [smem:$0x3FBA];
	_ =	sdelay $0x3  }
0x36: {  	p1 =	seq.s32 s10, $0x1;
	s10 =	sld [smem:$0x3FBB];
	_ =	sdelay $0x3  }
0x37: {  	[smem:$0x3FBB] =	sst s10  }
0x38: {  	s10 =	sld [smem:$0x3FBC]  }
0x39: {  	_ = 	snop;
	(pc) =	sbr.ind lr, $3  }
0x3a: {  	_ = 	snop  }
0x3b: {  	_ = 	snop  }
0x3c: {  	p2 =	seq.s32 s10, $0x1;
	s10 =	sld [smem:$0x3FBB]  }
0x3d: {  	_ =	shalt  }
0x3e: {  	_ =	shalt  }
0x3f: {  	_ =	shalt  }
0x40: {  	_ =	shalt  }
0x41: {  	_ =	shalt  }
0x42: {  	_ =	shalt  }
0x43: {  	_ =	shalt  }
0x44: {  	_ =	shalt  }
0x45: {  	_ =	shalt  }
0x46: {  	_ =	shalt  }
0x47: {  	_ =	shalt  }
0x48: {  	_ =	shalt  }
0x49: {  	_ =	shalt  }
0x4a: {  	_ =	shalt  }
0x4b: {  	_ =	shalt  }
0x4c: {  	_ =	shalt  }
0x4d: {  	_ =	shalt  }
0x4e: {  	_ =	shalt  }
0x4f: {  	_ =	shalt  }
0x50: {  	_ =	shalt  }
0x51: {  	_ =	shalt  }
0x52: {  	_ =	shalt  }
0x53: {  	_ =	shalt  }
0x54: {  	_ =	shalt  }
0x55: {  	_ =	shalt  }
0x56: {  	_ =	shalt  }
0x57: {  	_ =	shalt  }
0x58: {  	_ =	shalt  }
0x59: {  	_ =	shalt  }
0x5a: {  	_ =	shalt  }
0x5b: {  	_ =	shalt  }
0x5c: {  	_ =	shalt  }
0x5d: {  	_ =	shalt  }
0x5e: {  	_ =	shalt  }
0x5f: {  	_ =	shalt  }
0x60: {  	_ =	shalt  }
0x61: {  	_ =	shalt  }
0x62: {  	_ =	shalt  }
0x63: {  	_ =	shalt  }
0x64: {  	_ =	shalt  }
0x65: {  	_ =	shalt  }
0x66: {  	_ =	shalt  }
0x67: {  	_ =	shalt  }
0x68: {  	_ =	shalt  }
0x69: {  	_ =	shalt  }
0x6a: {  	_ =	shalt  }
0x6b: {  	_ =	shalt  }
0x6c: {  	_ =	shalt  }
0x6d: {  	_ =	shalt  }
0x6e: {  	_ =	shalt  }
0x6f: {  	_ =	shalt  }
0x70: {  	_ =	shalt  }
0x71: {  	_ =	shalt  }
0x72: {  	_ =	shalt  }
0x73: {  	_ =	shalt  }
0x74: {  	_ =	shalt  }
0x75: {  	_ =	shalt  }
0x76: {  	_ =	shalt  }
0x77: {  	_ =	shalt  }
0x78: {  	_ =	shalt  }
0x79: {  	_ =	shalt  }
0x7a: {  	_ =	shalt  }
0x7b: {  	_ =	shalt  }
0x7c: {  	_ =	shalt  }
0x7d: {  	_ =	shalt  }
0x7e: {  	_ =	shalt  }
0x7f: {  	_ =	shalt  }
0x80: {  	_ =	shalt  }
0x81: {  	_ =	shalt  }
0x82: {  	_ =	shalt  }
0x83: {  	_ =	shalt  }
0x84: {  	_ =	shalt  }
0x85: {  	_ =	shalt  }
0x86: {  	_ =	shalt  }
0x87: {  	_ =	shalt  }
.Lfunc_end0:
.L_simem_size_0:
called_computation_lowered:
.L_overlay_start_0:
0x88: {  	s2 =	sld [smem:$0x3FD9]  }
0x89: {  	s3 =	sld [smem:$0x3FFE];
	_ =	sdelay $0x1  }
0x8a: {  	s1 =	srdreg.scid  }
0x8b: {  	s0 =	sand.u32 $0x1, s1  }
0x8c: {  	s14 =	sshll.u32 s0, $0xA;
	s2 =	sadd.s32 s3, s2  }
0x8d: {  	s2 =	sadd.s32 s2, s14  }
0x8e: {  	[smem:$0x3FC7] =	sst s2  }
0x8f: {  	_ = 	snop  }
0x90: {  	s2 =	sld [smem:$0x3FD0];
	_ =	sdelay $0x2  }
0x91: {  	s4 =	simm.s32 $0xA;
	s5 =	simm.s32 $0x10;
	s15 =	sld [smem:$0x3FC9]  }
0x92: {  	[smem:s5], [sflag:s4] =	dma.local [hbm:s2], $0x1  }
0x93: {  	_ =	swait.eq [sflag:s4], $0x1  }
0x94: {  	[sflag:s4] =	ssyncset.done $0x0  }
0x95: {  	[sflag:s4] =	ssyncadd.s32 $0xFFFFFFFF  }
0x96: {  	s16 =	sld [smem:$0x11];
	(tm) =	ssettm $0x1  }
0x97: {  	s17 =	sld [smem:$0x3FFB];
	_ =	sdelay $0x3  }
0x98: {  	_ =	strace s17  }
0x99: {  	s4 =	sld [smem:$0x3FFC];
	_ =	sdelay $0x3  }
0x9a: {  	_ =	strace s4  }
0x9b: {  	s4 =	sld [smem:$0x3FFD];
	_ =	sdelay $0x3  }
0x9c: {  	_ =	strace s4  }
0x9d: {  	_ =	strace $0x8FFFFFFF  }
0x9e: {  	s18 =	sld [smem:$0x3FDB];
	_ =	sdelay $0x1  }
0x9f: {  	s19 =	simm.s32 $_scs_section_size  }
0xa0: {  	s6 =	simm.s32 $_size__tile_overlayer_lowered;
	s7 =	simm.s32 $_tile_overlayer_lowered  }
0xa1: {  	s22 =	simm.s32 $0x1BFF;
	s21 =	sshll.u32 s7, $0x1;
	s4 =	sadd.s32 s19, s18  }
0xa2: {  	s8 =	simm.s32 $0x0;
	s20 =	sshll.u32 s6, $0x1;
	s6 =	sadd.s32 s21, s4  }
0xa3: {  	[timem:s8], [sflag:s22] =	dma.local [hbm:s6], s20  }
0xa4: {  	_ =	swait.ge [sflag:s22], s20  }
0xa5: {  	s5 =	ssub.s32 $0x0, s20;
	[sflag:s22] =	ssyncset.done $0x0  }
0xa6: {  	[sflag:s22] =	ssyncadd.s32 s5;
	_ =	sdelay $0x1  }
0xa7: {  	s23 =	simm.s32 $0x1B8B  }
0xa8: {  	_ =	swait.ge [sflag:s23], $0x1  }
0xa9: {  	[sflag:s23] =	ssyncset.done $0x0  }
0xaa: {  	s25 =	simm.s32 $0x1B8E;
	s24 =	sld [smem:$0x3FFE];
	[sflag:s23] =	ssyncadd.s32 $0xFFFFFFFF  }
0xab: {  	s26 =	simm.s32 $execute0_lowered;
	[smem:$0x3FD2] =	sst s25  }
0xac: {  	s6 =	sshll.u32 s26, $0x1;
	_ =	strace $0x80000046;
	[dreg:$0x1] =	wrdreg $0xFFFFFFFF  }
0xad: {  	s28 =	simm.s32 $_size_execute0_lowered;
	s4 =	sadd.s32 s4, s6;
	[dreg:$0x0] =	wrdreg $0x0  }
0xae: {  	s6 =	sshll.u32 s28, $0x1;
	[dreg:$0x2] =	wrdreg s4  }
0xaf: {  	[dreg:$0x3] =	wrdreg s6  }
0xb0: {  	[dreg:$0x4] =	wrdreg $0xC0  }
0xb1: {  	_ =	task [dreg:s8], $0x5FFFF  }
0xb2: {  	[dreg:$0x1] =	wrdreg $0xFFFFFFFF  }
0xb3: {  	[dreg:$0x0] =	wrdreg $0x60  }
0xb4: {  	[dreg:$0x2] =	wrdreg s15  }
0xb5: {  	[dreg:$0x3] =	wrdreg s16  }
0xb6: {  	[dreg:$0x4] =	wrdreg s24  }
0xb7: {  	[dreg:$0x5] =	wrdreg $0x9  }
0xb8: {  	_ =	task.clear_ibuf [dreg:s8], $0x6FFFF;
	_ =	strace $0x90000046  }
0xb9: {  	s29 =	simm.s32 $0x9;
	_ =	strace $0x80000048  }
0xba: {  	_ =	swait.ge [sflag:s29], $0x1  }
0xbb: {  	[sflag:s29] =	ssyncadd.s32 $0xFFFFFFFF  }
0xbc: {  	_ =	strace $0x90000048  }
0xbd: {  	_ =	sfence  }
0xbe: {  	s30 =	sld [smem:$0x0];
	_ =	sdelay $0x2  }
0xbf: {  	s31 =	sshll.u32 s1, $0xD;
	s1 =	sshrl.u32 s1, $0x2  }
0xc0: {  	s3 =	sand.u32 $0x4000, s31;
	s1 =	sadd.s32 s1, s30  }
0xc1: {  	s0 =	sor.u32 s3, s0;
	s1 =	sshll.u32 s1, $0x11  }
0xc2: {  	s0 =	sor.u32 s1, s0  }
0xc3: {  	s0 =	sadd.s32 $0x8F2B, s0  }
0xc4: {  	[sflag:s0] =	ssyncadd.remote.s32 $0x1  }
0xc5: {  	_ =	sfence.sel $0xFFFF  }
0xc6: {  	[dreg:$0x0] =	wrdreg $0xFFFFFFFF;
	(pc) =	sbr.abs _section_cstart, $3  }
0xc7: {  	[dreg:$0x1] =	wrdreg $0xFFFFFFFF  }
0xc8: {  	_ =	task.clear_ibuf [dreg:s8], $0x2FFFF;
	_ =	strace $0x9FFFFFFF  }
0xc9: {  	(tm) =	ssettm $0x7FFFFFFF  }
tec
execute0_lowered:
.L_overlay_start_1:
0x0: {  	(tag) =	ssettag $0x1  }
0x1: {  	s1 =	rddreg [dreg:$0x0]  }
0x2: {  	s0 =	rddreg [dreg:$0x1]  }
0x3: {  	s2 =	rddreg [dreg:$0x2]  }
0x4: {  	s3 =	simm.s32 $0x0;
	s4 =	srdreg.scid;
	s6 =	stileid.u32  }
0x5: {  	s13 =	simm.s32 $0x1;
	[smem:$0x7FF] =	sst s3;
	s4 =	sand.u32 $0x1, s4  }
0x6: {  	s5 =	sshll.u32 s6, $0x3;
	s6 =	sshll.u32 s6, $0xF;
	_ =	strace $0x80000047  }
0x7: {  	s7 =	sshll.u32 s4, $0x6;
	s8 =	sshll.u32 s4, $0x2;
	s9 =	ssub.s32 $0x2, s4  }
0x8: {  	s6 =	sor.u32 s7, s6;
	s4 =	sor.u32 s8, s5;
	s26 =	sshrl.u32 s9, $0x1  }
.Ltmp0:
0x9: {  	s5 =	sadd.s32 s1, s6;
	s0 =	sadd.s32 s0, s4;
	(pc) =	sbr.rel .LBB2_1-.Ltmp0, $4  }
0xa: {  	s2 =	sadd.s32 s4, s2;
	s29 =	sadd.s32 $0x10, s5;
	[dreg:$0x5] =	wrdreg s0  }
0xb: {  	s28 =	ssub.s32 s9, s26;
	s30 =	sadd.s32 $0x800, s2;
	[dreg:$0x4] =	wrdreg s29  }
0xc: {  	s14 =	simm.s32 $0x2;
	s31 =	smax.u32 s28, $0x1;
	[dreg:$0x6] =	wrdreg s30  }
0xd: {  	v0 =	vlaneseq.u32;
	vm0 =	vcmask $0x1B20;
	s16 =	simm.s32 $0x3;
	s18 =	simm.s32 $0x0;
	[dreg:$0x7] =	wrdreg s31  }
.LBB2_133:
0xe: {  	s0 =	rddreg [dreg:$0x5];
	s2 =	simm.s32 $0x12100  }
0xf: {  	[hbm4b:s0+s3] =	stream.linear.scatter [tilespmem:s2], [sflag:$0x3], $0x20, $0x38;
	[tilespmem:$0x12200] =	vst v63  }
0x10: {  	_ =	swait.ge [sflag:s16], $0x20  }
0x11: {  	[sflag:s16] =	ssyncset.done $0x0  }
0x12: {  	s30 =	simm.s32 $0x12180;
	s29 =	rddreg [dreg:$0x6];
	[sflag:s16] =	ssyncadd.s32 $0xFFFFFFE0  }
0x13: {  	[hbm4b:s29+s3] =	stream.linear.scatter [tilespmem:s30], [sflag:$0x3], $0x20, $0x38;
	[tilespmem:$0x12200] =	vst v63  }
0x14: {  	_ =	swait.ge [sflag:s16], $0x20  }
0x15: {  	s18 =	sadd.s32 $0x1, s18;
	s31 =	rddreg [dreg:$0x7]  }
0x16: {  	p0 =	sne.s32 s18, s31  }
.Ltmp1:
0x17: {  	_ = 	snop;
	(pc) =	sbr.rel @!p0 .LBB2_134-.Ltmp1, $3  }
0x18: {  	_ =	sdelay $0x1  }
0x19: {  	[sflag:s16] =	ssyncset.done $0x0  }
0x1a: {  	[sflag:s16] =	ssyncadd.s32 $0xFFFFFFE0  }
.LBB2_1:
.Ltmp2:
0x1b: {  	s2 =	simm.s32 $0x80;
	(pc) =	sbr.rel .LBB2_2-.Ltmp2, $4  }
0x1c: {  	s6 =	simm.s32 $0x400;
	s0 =	rddreg [dreg:$0x4];
	s7 =	simm.s32 $0x8000  }
0x1d: {  	[tilespmem:s3], [sflag:$0x1] =	stream.strided.gather [hbm4b:s5+s2], $0x8000, s6, s2, $0x38;
	[tilespmem:$0x12200] =	vst v63  }
0x1e: {  	p1 =	por $0x1, $0x1;
	p0 =	por $0x0, $0x0;
	s20 =	simm.s32 $0x0  }
0x1f: {  	[tilespmem:s7], [sflag:$0x2] =	stream.strided.gather [hbm4b:s0+s2], $0x8000, s6, s2, $0x38;
	[tilespmem:$0x12200] =	vst v63  }
.LBB2_123:
0x20: {  	_ = 	snop  }
.LBB2_128:
0x21: {  	v6, v7, _ =	vpop @p2 (xrf1)  }
0x22: {  	v8, v9, _ =	vpop @p3 (xrf1)  }
0x23: {  	v8 =	vpsel p3, v8, v3  }
0x24: {  	v9 =	vpsel p3, v9, v2;
	vm1 =	vge.f32 @p2 v8, v6  }
0x25: {  	(xrf1) =	vsort.ascd.msk.f32 $0xffff, v4, v5;
	v4 =	vsel @p2 vm1, v8, v6;
	v5 =	vsel @p2 vm1, v9, v7  }
0x26: {  	(xrf1) =	vsort.dscd.msk.f32 @p2 $0xffff, v4, v5;
	_ =	sdelay $0xc  }
0x27: {  	v4, v5, _ =	vpop (xrf1)  }
0x28: {  	v6, v7, _ =	vpop @p2 (xrf1)  }
0x29: {  	v3 =	vpsel p2, v6, v3  }
0x2a: {  	v2 =	vpsel p2, v7, v2;
	vm1 =	vge.f32 v3, v4  }
0x2b: {  	v3 =	vsel vm1, v3, v4;
	v2 =	vsel vm1, v2, v5  }
0x2c: {  	(xrf1) =	vsort.dscd.msk.f32 $0xffff, v3, v2;
	_ =	sdelay $0xd  }
0x2d: {  	v3, v2, _ =	vpop (xrf1)  }
0x2e: {  	v3 =	vmul.f32 $1.442695020e+00, v3  }
.LBB2_132:
0x2f: {  	v1 =	vbroadcast v1, $0xF  }
0x30: {  	(erf) = vpow2.f32 v3  }
0x31: {  	(erf) = vrcp.f32 v1;
	_ =	sdelay $0x5  }
0x32: {  	s0 =	sor.u32 $0x1, s19  }
0x33: {  	s2 =	sor.u32 @!p0 s4, s0  }
0x34: {  	s7 =	simm.s32 @!p0 $0x8000;
	p2 =	por @!p0 $0x0, $0x0;
	s2 =	sadd.s32 @!p0 $0x2, s2;
	v1 =	vpop (erf)  }
0x35: {  	p4 =	por p0, !p1;
	s0 =	sshll.u32 s0, $0x3;
	s6 =	sshll.u32 @!p0 s2, $0x4;
	v3 =	vpop (erf)  }
.Ltmp3:
0x36: {  	s2 =	sshll.u32 @!p0 s2, $0xC;
	s6 =	sand.u32 @!p0 $0x70, s6;
	v1 =	vmul.f32 v1, v3;
	(pc) =	sbr.rel @p4 .LBB2_133-.Ltmp3, $4  }
0x37: {  	p3 =	por @!p0 $0x1, $0x1;
	[tilespmem:s0+$0x12180] =	vst.msk $0xff, v2;
	s2 =	sand.u32 @!p0 $0xFFF8000, s2;
	s6 =	sadd.s32 @!p0 s1, s6  }
0x38: {  	s2 =	sadd.s32 @!p0 s2, s6;
	s6 =	simm.s32 @!p0 $0x400;
	[tilespmem:s0+$0x12100] =	vst.msk $0xff, v1;
	s0 =	simm.s32 @!p0 $0x80  }
0x39: {  	[tilespmem:s7], [sflag:$0x2] =	stream.strided.gather @!p0 [hbm4b:s2+s0], $0x8000, s6, s0, $0x38;
	[tilespmem:$0x12200] =	vst v63  }
0x3a: {  	s20 =	simm.s32 @!p0 $0x1;
	p1 =	por p2, p2;
	p0 =	por p3, p3  }
.LBB2_2:
0x3b: {  	_ =	swait.ge [sflag:s13], $0x8000  }
0x3c: {  	[sflag:s13] =	ssyncset.done $0x0  }
0x3d: {  	s0 =	simm.s32 $0x80;
	[sflag:s13] =	ssyncadd.s32 $0xFFFF8000  }
0x3e: {  	v18 =	vld [tilespmem:s0+$0xFFFFFF90]  }
0x3f: {  	v1 =	vld [tilespmem:s0+$0x70]  }
0x40: {  	v2 =	vld [tilespmem:s0+$0xFFFFFFF0]  }
0x41: {  	v5 =	vld [tilespmem:s0+$0x20]  }
0x42: {  	v4 =	vld [tilespmem:s0+$0x40]  }
0x43: {  	v9 =	vld [tilespmem:s0+$0x60]  }
0x44: {  	v6 =	vld [tilespmem:s0+$0x10]  }
0x45: {  	v8 =	vld [tilespmem:s0+$0x30]  }
0x46: {  	v14 =	vld [tilespmem:s0+$0x0]  }
0x47: {  	v19 =	vld [tilespmem:s0+$0x50]  }
0x48: {  	v20 =	vld [tilespmem:s0+$0xFFFFFFE0]  }
0x49: {  	v10 =	vld [tilespmem:s0+$0xFFFFFFC0]  }
0x4a: {  	v12 =	vld [tilespmem:s0+$0xFFFFFFD0];
	v3 =	vmul.f32 $1.442695020e+00, v18;
	v7 =	vmul.f32 $1.442695020e+00, v1  }
0x4b: {  	v22 =	vld [tilespmem:s0+$0xFFFFFFB0];
	v13 =	vmul.f32 $1.442695020e+00, v4;
	v11 =	vmul.f32 $1.442695020e+00, v2  }
0x4c: {  	v23 =	vld [tilespmem:s0+$0xFFFFFFA0];
	v15 =	vmul.f32 $1.442695020e+00, v8;
	(erf) = vpow2.f32 v3  }
0x4d: {  	v21 =	vld [tilespmem:s0+$0xFFFFFF80];
	v16 =	vmul.f32 $1.442695020e+00, v19;
	v17 =	vmul.f32 $1.442695020e+00, v20  }
0x4e: {  	(erf) = vpow2.f32 v7;
	v7 =	vmul.f32 $1.442695020e+00, v9  }
0x4f: {  	v27 =	vmul.f32 $1.442695020e+00, v6;
	v26 =	vmul.f32 $1.442695020e+00, v10  }
0x50: {  	v24 =	vmax.f32 v5, v8;
	v8 =	vmul.f32 $1.442695020e+00, v22;
	(erf) = vpow2.f32 v7  }
0x51: {  	v28 =	vmax.f32 v14, v6;
	v25 =	vmul.f32 $1.442695020e+00, v23;
	(erf) = vpow2.f32 v11  }
0x52: {  	v29 =	vmul.f32 $1.442695020e+00, v21;
	v30 =	vmax.f32 v10, v12;
	v3 =	vmul.f32 $1.442695020e+00, v5  }
0x53: {  	v10 =	vimm.f32 $0.0e+00;
	v5 =	vmul.f32 $1.442695020e+00, v12;
	(erf) = vpow2.f32 v15  }
0x54: {  	v12 =	vimm.f32 $0.0e+00;
	v7 =	vimm.f32 $-Inf;
	(erf) = vpow2.f32 v16  }
0x55: {  	v11 =	vimm.f32 $0.0e+00;
	v15 =	vimm.f32 $0.0e+00;
	(erf) = vpow2.f32 v17;
	v6 =	vpop (erf)  }
0x56: {  	s2 =	simm.s32 $0x0;
	(erf) = vpow2.f32 v5;
	v5 =	vimm.f32 $0.0e+00;
	v17 =	vadd.f32 v6, v11  }
0x57: {  	s10 =	simm.s32 $0x180;
	s6 =	simm.s32 $0x10010;
	s0 =	simm.s32 $0x10010;
	(erf) = vpow2.f32 v8;
	v8 =	vimm.f32 $0.0e+00;
	v16 =	vpop (erf);
	v6 =	vimm.f32 $0.0e+00  }
.LBB2_3:
0x58: {  	v31 =	vld [tilespmem:s10+$0xFFFFFF90];
	s2 =	sadd.s32 $0x2, s2;
	v14 =	vmul.f32 $1.442695020e+00, v14;
	v24 =	vmax.f32 v28, v24;
	s0 =	sadd.s32 $0x20, s0;
	(erf) = vpow2.f32 v27  }
0x59: {  	v4 =	vmax.f32 v4, v19;
	v9 =	vmax.f32 v9, v1;
	p2 =	slt.u32 s2, $0xFE;
	v1 =	vld [tilespmem:s10+$0x70];
	(erf) = vpow2.f32 v26;
	v26 =	vpop (erf)  }
0x5a: {  	v18 =	vmax.f32 v21, v18;
	v19 =	vmax.f32 v20, v2;
	v4 =	vmax.f32 v4, v9;
	v2 =	vld [tilespmem:s10+$0xFFFFFFF0];
	v20 =	vpop (erf)  }
0x5b: {  	v9 =	vmax.f32 v23, v22;
	v21 =	vmax.f32 v24, v4;
	v27 =	vld [tilespmem:s10+$0x20];
	(erf) = vpow2.f32 v29  }
0x5c: {  	v19 =	vmax.f32 v30, v19;
	v28 =	vmax.f32 v18, v9;
	v4 =	vld [tilespmem:s10+$0x40];
	[tilespmem:s6+$0x0] =	vst v21;
	v22 =	vpop (erf);
	(erf) = vpow2.f32 v13  }
0x5d: {  	v19 =	vmax.f32 v28, v19;
	v29 =	vmul.f32 $1.442695020e+00, v31;
	v9 =	vld [tilespmem:s10+$0x60];
	(erf) = vpow2.f32 v25;
	v23 =	vpop (erf)  }
0x5e: {  	v7 =	vmax.f32 v7, v19;
	v25 =	vld [tilespmem:s10+$0x10];
	v24 =	vmul.f32 $1.442695020e+00, v1;
	[tilespmem:s6+$0xFFFFFFF0] =	vst v19;
	v18 =	vpop (erf);
	(erf) = vpow2.f32 v3;
	s6 =	smov.u32 s0  }
0x5f: {  	v7 =	vmax.f32 v7, v21;
	v28 =	vld [tilespmem:s10+$0x30];
	v11 =	vadd.f32 v18, v11;
	v3 =	vpop (erf);
	(erf) = vpow2.f32 v14  }
0x60: {  	v12 =	vadd.f32 v20, v12;
	v14 =	vld [tilespmem:s10+$0x0];
	(erf) = vpow2.f32 v29;
	v15 =	vadd.f32 v3, v15;
	v13 =	vpop (erf)  }
0x61: {  	v3 =	vmul.f32 $1.442695020e+00, v27;
	v19 =	vld [tilespmem:s10+$0x50];
	(erf) = vpow2.f32 v24;
	v8 =	vadd.f32 v13, v8;
	v18 =	vpop (erf)  }
0x62: {  	v13 =	vmul.f32 $1.442695020e+00, v4;
	v21 =	vld [tilespmem:s10+$0xFFFFFF80];
	v29 =	vmul.f32 $1.442695020e+00, v9;
	v17 =	vadd.f32 v18, v17;
	v30 =	vpop (erf)  }
0x63: {  	v12 =	vadd.f32 v16, v12;
	v18 =	vmov v31;
	v20 =	vld [tilespmem:s10+$0xFFFFFFE0];
	v8 =	vadd.f32 v22, v8  }
0x64: {  	v16 =	vmul.f32 $1.442695020e+00, v2;
	v11 =	vadd.f32 v26, v11;
	v31 =	vld [tilespmem:s10+$0xFFFFFFC0];
	v24 =	vmax.f32 v27, v28;
	v26 =	vpop (erf)  }
0x65: {  	v15 =	vadd.f32 v23, v15;
	v10 =	vadd.f32 v30, v10;
	v33 =	vmul.f32 $1.442695020e+00, v28;
	v32 =	vld [tilespmem:s10+$0xFFFFFFD0];
	v30 =	vpop (erf)  }
0x66: {  	v28 =	vmax.f32 v14, v25;
	v22 =	vld [tilespmem:s10+$0xFFFFFFB0];
	v34 =	vmul.f32 $1.442695020e+00, v19;
	(erf) = vpow2.f32 v29;
	v29 =	vpop (erf)  }
0x67: {  	v5 =	vadd.f32 v26, v5;
	v23 =	vld [tilespmem:s10+$0xFFFFFFA0];
	(erf) = vpow2.f32 v16;
	v35 =	vpop (erf)  }
0x68: {  	v27 =	vmul.f32 $1.442695020e+00, v25;
	v6 =	vadd.f32 v29, v6;
	v36 =	vmul.f32 $1.442695020e+00, v20;
	v16 =	vpop (erf)  }
.Ltmp4:
0x69: {  	v26 =	vmul.f32 $1.442695020e+00, v31;
	v25 =	vpop (erf);
	(erf) = vpow2.f32 v33;
	v5 =	vadd.f32 v16, v5;
	(pc) =	sbr.rel @p2 .LBB2_3-.Ltmp4, $4  }
0x6a: {  	v10 =	vadd.f32 v30, v10;
	v29 =	vmul.f32 $1.442695020e+00, v32;
	(erf) = vpow2.f32 v34;
	v16 =	vpop (erf)  }
0x6b: {  	v17 =	vadd.f32 v25, v17;
	v33 =	vmul.f32 $1.442695020e+00, v22;
	(erf) = vpow2.f32 v36  }
0x6c: {  	v6 =	vadd.f32 v35, v6;
	v25 =	vmul.f32 $1.442695020e+00, v23;
	(erf) = vpow2.f32 v29  }
0x6d: {  	s10 =	sadd.s32 $0x100, s10;
	v30 =	vmax.f32 v31, v32;
	v29 =	vmul.f32 $1.442695020e+00, v21;
	(erf) = vpow2.f32 v33  }
0x6e: {  	v4 =	vmax.f32 v4, v19  }
0x6f: {  	v18 =	vmax.f32 v21, v18;
	v2 =	vmax.f32 v20, v2;
	v54 =	vmax.f32 v23, v22  }
0x70: {  	v1 =	vmax.f32 v9, v1;
	v9 =	vmax.f32 v18, v54;
	v2 =	vmax.f32 v30, v2  }
0x71: {  	v55 =	vmax.f32 v28, v24;
	v1 =	vmax.f32 v4, v1;
	v9 =	vmax.f32 v9, v2  }
0x72: {  	v18 =	vmax.f32 v55, v1;
	v1 =	vmax.f32 v7, v9  }
0x73: {  	v1 =	vmax.f32 v1, v18  }
0x74: {  	(xrf1) =	vsort.dscd.msk.f32 $0xffff, v1, v0;
	_ =	sdelay $0x5  }
0x75: {  	(erf) = vpow2.f32 v27  }
0x76: {  	(erf) = vpow2.f32 v26;
	v4 =	vpop (erf)  }
0x77: {  	(erf) = vpow2.f32 v29;
	v1 =	vpop (erf)  }
0x78: {  	v7 =	vmul.f32 $1.442695020e+00, v14;
	(erf) = vpow2.f32 v13;
	v2 =	vpop (erf)  }
0x79: {  	(erf) = vpow2.f32 v25;
	v56 =	vpop (erf)  }
0x7a: {  	(erf) = vpow2.f32 v3;
	v57 =	vpop (erf)  }
0x7b: {  	v3 =	vpop (erf);
	(erf) = vpow2.f32 v7  }
0x7c: {  	v7 =	vpop (erf)  }
0x7d: {  	v58, _, _ =	vpop (xrf1)  }
0x7e: {  	v59 =	vpop (erf);
	v7 =	vadd.f32 v7, v8;
	v19 =	vsel vm0, $0xFF800000, v58  }
0x7f: {  	v11 =	vadd.f32 v57, v11;
	v60 =	vpop (erf);
	(xrf0) =	vmax.scan.msk.f32 $0xffff, v19  }
0x80: {  	s19 =	simm.s32 $0x0;
	s8 =	simm.s32 $0x80;
	s22 =	simm.s32 $0x100;
	v12 =	vadd.f32 v1, v12;
	v8 =	vpop (erf)  }
0x81: {  	s23 =	simm.s32 $0x180;
	s24 =	simm.s32 $0x200;
	s25 =	simm.s32 $0x280;
	v15 =	vadd.f32 v3, v15;
	v4 =	vadd.f32 v4, v11;
	v61 =	vpop (erf)  }
.Ltmp5:
0x82: {  	s26 =	simm.s32 $0x300;
	s28 =	simm.s32 $0x380;
	v1 =	vadd.f32 v59, v17;
	v3 =	vadd.f32 v2, v7;
	v7 =	vpop (erf);
	(pc) =	sbr.rel .LBB2_5-.Ltmp5, $4  }
0x83: {  	s30 =	simm.s32 $0x380;
	s31 =	simm.s32 $0x300;
	s0 =	simm.s32 $0x280;
	v2 =	vadd.f32 v16, v12;
	v10 =	vadd.f32 v60, v10;
	v11 =	vpop (erf)  }
0x84: {  	s2 =	simm.s32 $0x200;
	s12 =	simm.s32 $0x180;
	s15 =	simm.s32 $0x100;
	v8 =	vadd.f32 v8, v5;
	v62 =	vadd.f32 v7, v6;
	v6 =	vpop (erf)  }
0x85: {  	s10 =	simm.s32 $0x80;
	s11 =	simm.s32 $0x0;
	s29 =	simm.s32 $0x0;
	[tilespmem:s6+$0x0] =	vst v18;
	v5 =	vadd.f32 v56, v15;
	v7 =	vadd.f32 v61, v10;
	v63, _, _ =	vpop (xrf0)  }
0x86: {  	s17 =	simm.s32 $0x0;
	[smem:$0x1] =	sst s19;
	[tilespmem:s6+$0xFFFFFFF0] =	vst v9;
	s6 =	simm.s32 $0x0;
	v6 =	vadd.f32 v6, v8;
	v8 =	vadd.f32 v11, v62;
	v9 =	vbroadcast v63, $0xF  }
.LBB2_53:
0x87: {  	s7 =	sadd.s32 $0x80, s29  }
0x88: {  	p2 =	slt.s32 s7, $0x801  }
0x89: {  	s7 =	sadd.s32 @!p2 $0x1, s17  }
0x8a: {  	[smem:$0x1] =	sst @!p2 s7;
	s7 =	smov.u32 @p2 s17  }
0x8b: {  	s17 =	smov.u32 s7  }
.LBB2_54:
0x8c: {  	s6 =	sadd.s32 $0x1, s6  }
0x8d: {  	s11 =	sadd.s32 $0x400, s11;
	s19 =	sadd.s32 $0x400, s19;
	p2 =	sne.s32 s6, $0x20  }
.Ltmp6:
0x8e: {  	s8 =	sadd.s32 $0x400, s8;
	s10 =	sadd.s32 $0x400, s10;
	(pc) =	sbr.rel @!p2 .LBB2_55-.Ltmp6, $4  }
0x8f: {  	s22 =	sadd.s32 $0x400, s22;
	s15 =	sadd.s32 $0x400, s15;
	s23 =	sadd.s32 $0x400, s23  }
0x90: {  	s12 =	sadd.s32 $0x400, s12;
	s24 =	sadd.s32 $0x400, s24;
	s2 =	sadd.s32 $0x400, s2  }
0x91: {  	s25 =	sadd.s32 $0x400, s25;
	s0 =	sadd.s32 $0x400, s0;
	s26 =	sadd.s32 $0x400, s26  }
0x92: {  	s31 =	sadd.s32 $0x400, s31;
	s28 =	sadd.s32 $0x400, s28;
	s30 =	sadd.s32 $0x400, s30  }
.LBB2_5:
0x93: {  	s7 =	sshll.u32 s6, $0x7  }
0x94: {  	s7 =	sand.u32 $0x3FFFFF80, s7  }
0x95: {  	v10 =	vld [tilespmem:s7+$0x10000]  }
0x96: {  	v11 =	vld [tilespmem:s7+$0x10010]  }
0x97: {  	v12 =	vld [tilespmem:s7+$0x10020]  }
0x98: {  	v13 =	vld [tilespmem:s7+$0x10030]  }
0x99: {  	v14 =	vld [tilespmem:s7+$0x10040]  }
0x9a: {  	v15 =	vld [tilespmem:s7+$0x10050]  }
0x9b: {  	vm8 =	vge.f32 v10, v9;
	vm7 =	vge.f32 v11, v9;
	v10 =	vld [tilespmem:s7+$0x10060]  }
0x9c: {  	vm6 =	vge.f32 v12, v9;
	v11 =	vld [tilespmem:s7+$0x10070];
	vm1 =	vmor vm8, vm7  }
0x9d: {  	vm5 =	vge.f32 v13, v9;
	vm1 =	vmor vm1, vm6  }
0x9e: {  	vm4 =	vge.f32 v14, v9;
	vm1 =	vmor vm1, vm5  }
0x9f: {  	vm3 =	vge.f32 v15, v9;
	vm1 =	vmor vm1, vm4  }
0xa0: {  	vm2 =	vge.f32 v10, v9;
	vm1 =	vmor vm1, vm3  }
0xa1: {  	vm9 =	vmor vm1, vm2;
	vm1 =	vge.f32 v11, v9  }
0xa2: {  	vm9 =	vmor vm9, vm1  }
0xa3: {  	v10 =	vmpcnt.ones.xlane vm9;
	_ =	sdelay $0x1  }
0xa4: {  	(v2sf) =	vpush v10, $0x0;
	_ =	sdelay $0xe  }
0xa5: {  	s21 =	spop (v2sf)  }
0xa6: {  	p2 =	slt.s32 s21, $0x1  }
.Ltmp7:
0xa7: {  	_ = 	snop;
	(pc) =	sbr.rel @p2 .LBB2_54-.Ltmp7, $1  }
0xa8: {  	_ =	sdelay $0x3  }
0xa9: {  	v10 =	vmpcnt.ones.xlane vm8;
	_ =	sdelay $0x1  }
0xaa: {  	(v2sf) =	vpush v10, $0x0;
	_ =	sdelay $0xe  }
0xab: {  	s7 =	spop (v2sf)  }
0xac: {  	p2 =	slt.s32 s7, $0x1  }
.Ltmp8:
0xad: {  	_ = 	snop;
	(pc) =	sbr.rel @p2 .LBB2_12-.Ltmp8, $1  }
0xae: {  	_ =	sdelay $0x3  }
0xaf: {  	s7 =	sadd.s32 $0x80, s29  }
0xb0: {  	p2 =	sgt.s32 s7, $0x800  }
.Ltmp9:
0xb1: {  	_ = 	snop;
	(pc) =	sbr.rel @p2 .LBB2_11-.Ltmp9, $2  }
0xb2: {  	_ =	sdelay $0x2  }
0xb3: {  	s7 =	simm.s32 $0x0  }
0xb4: {  	s21 =	sshra.s32 s7, $0x2  }
0xb5: {  	s21 =	sadd.s32 s21, s11  }
0xb6: {  	v10 =	vld [tilespmem:s21+$0x0];
	_ =	sdelay $0x4  }
0xb7: {  	vm8 =	vge.f32 v10, v9  }
0xb8: {  	v11 =	vmpcnt.ones.xlane vm8;
	_ =	sdelay $0x1  }
0xb9: {  	(v2sf) =	vpush v11, $0x0;
	_ =	sdelay $0x3  }
0xba: {  	[tilespmem:s29+$0x11000] =	vst.msk vm8, v10;
	v10 =	vor.u32 s19, v0  }
0xbb: {  	s7 =	sadd.s32 $0x40, s7;
	s21 =	smov.u32 s19;
	[tilespmem:s29+$0x11880] =	vst.msk vm8, v10  }
.LBB2_9:
0xbc: {  	s9 =	sshra.s32 s7, $0x2;
	p2 =	sne.s32 s7, $0x1C0  }
0xbd: {  	s9 =	sadd.s32 s9, s11  }
0xbe: {  	v10 =	vld [tilespmem:s9+$0x0];
	_ =	sdelay $0x4  }
0xbf: {  	vm8 =	vge.f32 v10, v9  }
0xc0: {  	v11 =	vmpcnt.ones.xlane vm8  }
0xc1: {  	s9 =	spop (v2sf)  }
0xc2: {  	s21 =	sadd.s32 $0x10, s21;
	(v2sf) =	vpush v11, $0x0;
	s29 =	sadd.s32 s9, s29;
	s17 =	sadd.s32 s9, s17  }
.Ltmp10:
0xc3: {  	[tilespmem:s29+$0x11000] =	vst.msk vm8, v10;
	v10 =	vor.u32 s21, v0;
	[smem:$0x0] =	sst s29;
	(pc) =	sbr.rel @p2 .LBB2_9-.Ltmp10, $2  }
0xc4: {  	[tilespmem:s29+$0x11880] =	vst.msk vm8, v10;
	_ =	sdelay $0x2  }
0xc5: {  	s7 =	sadd.s32 $0x40, s7  }
0xc6: {  	_ =	sdelay $0x8  }
0xc7: {  	s7 =	spop (v2sf)  }
0xc8: {  	s29 =	sadd.s32 s7, s29  }
0xc9: {  	s17 =	sadd.s32 s7, s17;
	[smem:$0x0] =	sst s29  }
.LBB2_11:
0xca: {  	s7 =	sadd.s32 $0x80, s29  }
0xcb: {  	p2 =	slt.s32 s7, $0x801  }
0xcc: {  	s7 =	sadd.s32 @!p2 $0x1, s17  }
0xcd: {  	[smem:$0x1] =	sst @!p2 s7;
	s7 =	smov.u32 @p2 s17  }
0xce: {  	s17 =	smov.u32 s7  }
.LBB2_12:
0xcf: {  	v10 =	vmpcnt.ones.xlane vm7;
	_ =	sdelay $0x1  }
0xd0: {  	(v2sf) =	vpush v10, $0x0;
	_ =	sdelay $0xe  }
0xd1: {  	s7 =	spop (v2sf)  }
0xd2: {  	p2 =	slt.s32 s7, $0x1  }
.Ltmp11:
0xd3: {  	_ = 	snop;
	(pc) =	sbr.rel @p2 .LBB2_18-.Ltmp11, $1  }
0xd4: {  	_ =	sdelay $0x3  }
0xd5: {  	s7 =	sadd.s32 $0x80, s29  }
0xd6: {  	p2 =	sgt.s32 s7, $0x800  }
.Ltmp12:
0xd7: {  	_ = 	snop;
	(pc) =	sbr.rel @p2 .LBB2_17-.Ltmp12, $2  }
0xd8: {  	_ =	sdelay $0x2  }
0xd9: {  	s7 =	simm.s32 $0x0  }
0xda: {  	s9 =	sshra.s32 s7, $0x2  }
0xdb: {  	s9 =	sadd.s32 s9, s10  }
0xdc: {  	v10 =	vld [tilespmem:s9+$0x0];
	_ =	sdelay $0x4  }
0xdd: {  	vm7 =	vge.f32 v10, v9  }
0xde: {  	v11 =	vmpcnt.ones.xlane vm7;
	_ =	sdelay $0x1  }
0xdf: {  	(v2sf) =	vpush v11, $0x0;
	_ =	sdelay $0x3  }
0xe0: {  	[tilespmem:s29+$0x11000] =	vst.msk vm7, v10;
	v10 =	vor.u32 s8, v0  }
0xe1: {  	s7 =	sadd.s32 $0x40, s7;
	s21 =	smov.u32 s8;
	[tilespmem:s29+$0x11880] =	vst.msk vm7, v10  }
.LBB2_15:
0xe2: {  	s9 =	sshra.s32 s7, $0x2;
	p2 =	sne.s32 s7, $0x1C0  }
0xe3: {  	s9 =	sadd.s32 s9, s10  }
0xe4: {  	v10 =	vld [tilespmem:s9+$0x0];
	_ =	sdelay $0x4  }
0xe5: {  	vm7 =	vge.f32 v10, v9  }
0xe6: {  	v11 =	vmpcnt.ones.xlane vm7  }
0xe7: {  	s9 =	spop (v2sf)  }
0xe8: {  	s21 =	sadd.s32 $0x10, s21;
	(v2sf) =	vpush v11, $0x0;
	s29 =	sadd.s32 s9, s29;
	s17 =	sadd.s32 s9, s17  }
.Ltmp13:
0xe9: {  	[tilespmem:s29+$0x11000] =	vst.msk vm7, v10;
	v10 =	vor.u32 s21, v0;
	[smem:$0x0] =	sst s29;
	(pc) =	sbr.rel @p2 .LBB2_15-.Ltmp13, $2  }
0xea: {  	[tilespmem:s29+$0x11880] =	vst.msk vm7, v10;
	[smem:$0x1] =	sst s17;
	_ =	sdelay $0x2  }
0xeb: {  	s7 =	sadd.s32 $0x40, s7  }
0xec: {  	_ =	sdelay $0x8  }
0xed: {  	s7 =	spop (v2sf)  }
0xee: {  	s29 =	sadd.s32 s7, s29  }
0xef: {  	s17 =	sadd.s32 s7, s17;
	[smem:$0x0] =	sst s29  }
0xf0: {  	[smem:$0x1] =	sst s17  }
.LBB2_17:
0xf1: {  	s7 =	sadd.s32 $0x80, s29  }
0xf2: {  	p2 =	slt.s32 s7, $0x801  }
0xf3: {  	s7 =	sadd.s32 @!p2 $0x1, s17  }
0xf4: {  	[smem:$0x1] =	sst @!p2 s7;
	s7 =	smov.u32 @p2 s17  }
0xf5: {  	s17 =	smov.u32 s7  }
.LBB2_18:
0xf6: {  	v10 =	vmpcnt.ones.xlane vm6;
	_ =	sdelay $0x1  }
0xf7: {  	(v2sf) =	vpush v10, $0x0;
	_ =	sdelay $0xe  }
0xf8: {  	s7 =	spop (v2sf)  }
0xf9: {  	p2 =	slt.s32 s7, $0x1  }
.Ltmp14:
0xfa: {  	_ = 	snop;
	(pc) =	sbr.rel @p2 .LBB2_24-.Ltmp14, $1  }
0xfb: {  	_ =	sdelay $0x3  }
0xfc: {  	s7 =	sadd.s32 $0x80, s29  }
0xfd: {  	p2 =	sgt.s32 s7, $0x800  }
.Ltmp15:
0xfe: {  	_ = 	snop;
	(pc) =	sbr.rel @p2 .LBB2_23-.Ltmp15, $2  }
0xff: {  	_ =	sdelay $0x2  }
0x100: {  	s7 =	simm.s32 $0x0  }
0x101: {  	s9 =	sshra.s32 s7, $0x2  }
0x102: {  	s9 =	sadd.s32 s9, s15  }
0x103: {  	v10 =	vld [tilespmem:s9+$0x0];
	_ =	sdelay $0x4  }
0x104: {  	vm6 =	vge.f32 v10, v9  }
0x105: {  	v11 =	vmpcnt.ones.xlane vm6;
	_ =	sdelay $0x1  }
0x106: {  	(v2sf) =	vpush v11, $0x0;
	_ =	sdelay $0x3  }
0x107: {  	[tilespmem:s29+$0x11000] =	vst.msk vm6, v10;
	v10 =	vor.u32 s22, v0  }
0x108: {  	s7 =	sadd.s32 $0x40, s7;
	s21 =	smov.u32 s22;
	[tilespmem:s29+$0x11880] =	vst.msk vm6, v10  }
.LBB2_21:
0x109: {  	s9 =	sshra.s32 s7, $0x2;
	p2 =	sne.s32 s7, $0x1C0  }
0x10a: {  	s9 =	sadd.s32 s9, s15  }
0x10b: {  	v10 =	vld [tilespmem:s9+$0x0];
	_ =	sdelay $0x4  }
0x10c: {  	vm6 =	vge.f32 v10, v9  }
0x10d: {  	v11 =	vmpcnt.ones.xlane vm6  }
0x10e: {  	s9 =	spop (v2sf)  }
0x10f: {  	s21 =	sadd.s32 $0x10, s21;
	(v2sf) =	vpush v11, $0x0;
	s29 =	sadd.s32 s9, s29;
	s17 =	sadd.s32 s9, s17  }
.Ltmp16:
0x110: {  	[tilespmem:s29+$0x11000] =	vst.msk vm6, v10;
	v10 =	vor.u32 s21, v0;
	[smem:$0x0] =	sst s29;
	(pc) =	sbr.rel @p2 .LBB2_21-.Ltmp16, $2  }
0x111: {  	[tilespmem:s29+$0x11880] =	vst.msk vm6, v10;
	[smem:$0x1] =	sst s17;
	_ =	sdelay $0x2  }
0x112: {  	s7 =	sadd.s32 $0x40, s7  }
0x113: {  	_ =	sdelay $0x8  }
0x114: {  	s7 =	spop (v2sf)  }
0x115: {  	s29 =	sadd.s32 s7, s29  }
0x116: {  	s17 =	sadd.s32 s7, s17;
	[smem:$0x0] =	sst s29  }
0x117: {  	[smem:$0x1] =	sst s17  }
.LBB2_23:
0x118: {  	s7 =	sadd.s32 $0x80, s29  }
0x119: {  	p2 =	slt.s32 s7, $0x801  }
0x11a: {  	s7 =	sadd.s32 @!p2 $0x1, s17  }
0x11b: {  	[smem:$0x1] =	sst @!p2 s7;
	s7 =	smov.u32 @p2 s17  }
0x11c: {  	s17 =	smov.u32 s7  }
.LBB2_24:
0x11d: {  	v10 =	vmpcnt.ones.xlane vm5;
	_ =	sdelay $0x1  }
0x11e: {  	(v2sf) =	vpush v10, $0x0;
	_ =	sdelay $0xe  }
0x11f: {  	s7 =	spop (v2sf)  }
0x120: {  	p2 =	slt.s32 s7, $0x1  }
.Ltmp17:
0x121: {  	_ = 	snop;
	(pc) =	sbr.rel @p2 .LBB2_30-.Ltmp17, $1  }
0x122: {  	_ =	sdelay $0x3  }
0x123: {  	s7 =	sadd.s32 $0x80, s29  }
0x124: {  	p2 =	sgt.s32 s7, $0x800  }
.Ltmp18:
0x125: {  	_ = 	snop;
	(pc) =	sbr.rel @p2 .LBB2_29-.Ltmp18, $2  }
0x126: {  	_ =	sdelay $0x2  }
0x127: {  	s7 =	simm.s32 $0x0  }
0x128: {  	s9 =	sshra.s32 s7, $0x2  }
0x129: {  	s9 =	sadd.s32 s9, s12  }
0x12a: {  	v10 =	vld [tilespmem:s9+$0x0];
	_ =	sdelay $0x4  }
0x12b: {  	vm5 =	vge.f32 v10, v9  }
0x12c: {  	v11 =	vmpcnt.ones.xlane vm5;
	_ =	sdelay $0x1  }
0x12d: {  	(v2sf) =	vpush v11, $0x0;
	_ =	sdelay $0x3  }
0x12e: {  	[tilespmem:s29+$0x11000] =	vst.msk vm5, v10;
	v10 =	vor.u32 s23, v0  }
0x12f: {  	s7 =	sadd.s32 $0x40, s7;
	s21 =	smov.u32 s23;
	[tilespmem:s29+$0x11880] =	vst.msk vm5, v10  }
.LBB2_27:
0x130: {  	s9 =	sshra.s32 s7, $0x2;
	p2 =	sne.s32 s7, $0x1C0  }
0x131: {  	s9 =	sadd.s32 s9, s12  }
0x132: {  	v10 =	vld [tilespmem:s9+$0x0];
	_ =	sdelay $0x4  }
0x133: {  	vm5 =	vge.f32 v10, v9  }
0x134: {  	v11 =	vmpcnt.ones.xlane vm5  }
0x135: {  	s9 =	spop (v2sf)  }
0x136: {  	s21 =	sadd.s32 $0x10, s21;
	(v2sf) =	vpush v11, $0x0;
	s29 =	sadd.s32 s9, s29;
	s17 =	sadd.s32 s9, s17  }
.Ltmp19:
0x137: {  	[tilespmem:s29+$0x11000] =	vst.msk vm5, v10;
	v10 =	vor.u32 s21, v0;
	[smem:$0x0] =	sst s29;
	(pc) =	sbr.rel @p2 .LBB2_27-.Ltmp19, $2  }
0x138: {  	[tilespmem:s29+$0x11880] =	vst.msk vm5, v10;
	[smem:$0x1] =	sst s17;
	_ =	sdelay $0x2  }
0x139: {  	s7 =	sadd.s32 $0x40, s7  }
0x13a: {  	_ =	sdelay $0x8  }
0x13b: {  	s7 =	spop (v2sf)  }
0x13c: {  	s29 =	sadd.s32 s7, s29  }
0x13d: {  	s17 =	sadd.s32 s7, s17;
	[smem:$0x0] =	sst s29  }
0x13e: {  	[smem:$0x1] =	sst s17  }
.LBB2_29:
0x13f: {  	s7 =	sadd.s32 $0x80, s29  }
0x140: {  	p2 =	slt.s32 s7, $0x801  }
0x141: {  	s7 =	sadd.s32 @!p2 $0x1, s17  }
0x142: {  	[smem:$0x1] =	sst @!p2 s7;
	s7 =	smov.u32 @p2 s17  }
0x143: {  	s17 =	smov.u32 s7  }
.LBB2_30:
0x144: {  	v10 =	vmpcnt.ones.xlane vm4;
	_ =	sdelay $0x1  }
0x145: {  	(v2sf) =	vpush v10, $0x0;
	_ =	sdelay $0xe  }
0x146: {  	s7 =	spop (v2sf)  }
0x147: {  	p2 =	slt.s32 s7, $0x1  }
.Ltmp20:
0x148: {  	_ = 	snop;
	(pc) =	sbr.rel @p2 .LBB2_36-.Ltmp20, $1  }
0x149: {  	_ =	sdelay $0x3  }
0x14a: {  	s7 =	sadd.s32 $0x80, s29  }
0x14b: {  	p2 =	sgt.s32 s7, $0x800  }
.Ltmp21:
0x14c: {  	_ = 	snop;
	(pc) =	sbr.rel @p2 .LBB2_35-.Ltmp21, $2  }
0x14d: {  	_ =	sdelay $0x2  }
0x14e: {  	s7 =	simm.s32 $0x0  }
0x14f: {  	s9 =	sshra.s32 s7, $0x2  }
0x150: {  	s9 =	sadd.s32 s9, s2  }
0x151: {  	v10 =	vld [tilespmem:s9+$0x0];
	_ =	sdelay $0x4  }
0x152: {  	vm4 =	vge.f32 v10, v9  }
0x153: {  	v11 =	vmpcnt.ones.xlane vm4;
	_ =	sdelay $0x1  }
0x154: {  	(v2sf) =	vpush v11, $0x0;
	_ =	sdelay $0x3  }
0x155: {  	[tilespmem:s29+$0x11000] =	vst.msk vm4, v10;
	v10 =	vor.u32 s24, v0  }
0x156: {  	s7 =	sadd.s32 $0x40, s7;
	s21 =	smov.u32 s24;
	[tilespmem:s29+$0x11880] =	vst.msk vm4, v10  }
.LBB2_33:
0x157: {  	s9 =	sshra.s32 s7, $0x2;
	p2 =	sne.s32 s7, $0x1C0  }
0x158: {  	s9 =	sadd.s32 s9, s2  }
0x159: {  	v10 =	vld [tilespmem:s9+$0x0];
	_ =	sdelay $0x4  }
0x15a: {  	vm4 =	vge.f32 v10, v9  }
0x15b: {  	v11 =	vmpcnt.ones.xlane vm4  }
0x15c: {  	s9 =	spop (v2sf)  }
0x15d: {  	s21 =	sadd.s32 $0x10, s21;
	(v2sf) =	vpush v11, $0x0;
	s29 =	sadd.s32 s9, s29;
	s17 =	sadd.s32 s9, s17  }
.Ltmp22:
0x15e: {  	[tilespmem:s29+$0x11000] =	vst.msk vm4, v10;
	v10 =	vor.u32 s21, v0;
	[smem:$0x0] =	sst s29;
	(pc) =	sbr.rel @p2 .LBB2_33-.Ltmp22, $2  }
0x15f: {  	[tilespmem:s29+$0x11880] =	vst.msk vm4, v10;
	[smem:$0x1] =	sst s17;
	_ =	sdelay $0x2  }
0x160: {  	s7 =	sadd.s32 $0x40, s7  }
0x161: {  	_ =	sdelay $0x8  }
0x162: {  	s7 =	spop (v2sf)  }
0x163: {  	s29 =	sadd.s32 s7, s29  }
0x164: {  	s17 =	sadd.s32 s7, s17;
	[smem:$0x0] =	sst s29  }
0x165: {  	[smem:$0x1] =	sst s17  }
.LBB2_35:
0x166: {  	s7 =	sadd.s32 $0x80, s29  }
0x167: {  	p2 =	slt.s32 s7, $0x801  }
0x168: {  	s7 =	sadd.s32 @!p2 $0x1, s17  }
0x169: {  	[smem:$0x1] =	sst @!p2 s7;
	s7 =	smov.u32 @p2 s17  }
0x16a: {  	s17 =	smov.u32 s7  }
.LBB2_36:
0x16b: {  	v10 =	vmpcnt.ones.xlane vm3;
	_ =	sdelay $0x1  }
0x16c: {  	(v2sf) =	vpush v10, $0x0;
	_ =	sdelay $0xe  }
0x16d: {  	s7 =	spop (v2sf)  }
0x16e: {  	p2 =	slt.s32 s7, $0x1  }
.Ltmp23:
0x16f: {  	_ = 	snop;
	(pc) =	sbr.rel @p2 .LBB2_42-.Ltmp23, $1  }
0x170: {  	_ =	sdelay $0x3  }
0x171: {  	s7 =	sadd.s32 $0x80, s29  }
0x172: {  	p2 =	sgt.s32 s7, $0x800  }
.Ltmp24:
0x173: {  	_ = 	snop;
	(pc) =	sbr.rel @p2 .LBB2_41-.Ltmp24, $2  }
0x174: {  	_ =	sdelay $0x2  }
0x175: {  	s7 =	simm.s32 $0x0  }
0x176: {  	s9 =	sshra.s32 s7, $0x2  }
0x177: {  	s9 =	sadd.s32 s9, s0  }
0x178: {  	v10 =	vld [tilespmem:s9+$0x0];
	_ =	sdelay $0x4  }
0x179: {  	vm3 =	vge.f32 v10, v9  }
0x17a: {  	v11 =	vmpcnt.ones.xlane vm3;
	_ =	sdelay $0x1  }
0x17b: {  	(v2sf) =	vpush v11, $0x0;
	_ =	sdelay $0x3  }
0x17c: {  	[tilespmem:s29+$0x11000] =	vst.msk vm3, v10;
	v10 =	vor.u32 s25, v0  }
0x17d: {  	s7 =	sadd.s32 $0x40, s7;
	s21 =	smov.u32 s25;
	[tilespmem:s29+$0x11880] =	vst.msk vm3, v10  }
.LBB2_39:
0x17e: {  	s9 =	sshra.s32 s7, $0x2;
	p2 =	sne.s32 s7, $0x1C0  }
0x17f: {  	s9 =	sadd.s32 s9, s0  }
0x180: {  	v10 =	vld [tilespmem:s9+$0x0];
	_ =	sdelay $0x4  }
0x181: {  	vm3 =	vge.f32 v10, v9  }
0x182: {  	v11 =	vmpcnt.ones.xlane vm3  }
0x183: {  	s9 =	spop (v2sf)  }
0x184: {  	s21 =	sadd.s32 $0x10, s21;
	(v2sf) =	vpush v11, $0x0;
	s29 =	sadd.s32 s9, s29;
	s17 =	sadd.s32 s9, s17  }
.Ltmp25:
0x185: {  	[tilespmem:s29+$0x11000] =	vst.msk vm3, v10;
	v10 =	vor.u32 s21, v0;
	[smem:$0x0] =	sst s29;
	(pc) =	sbr.rel @p2 .LBB2_39-.Ltmp25, $2  }
0x186: {  	[tilespmem:s29+$0x11880] =	vst.msk vm3, v10;
	[smem:$0x1] =	sst s17;
	_ =	sdelay $0x2  }
0x187: {  	s7 =	sadd.s32 $0x40, s7  }
0x188: {  	_ =	sdelay $0x8  }
0x189: {  	s7 =	spop (v2sf)  }
0x18a: {  	s29 =	sadd.s32 s7, s29  }
0x18b: {  	s17 =	sadd.s32 s7, s17;
	[smem:$0x0] =	sst s29  }
0x18c: {  	[smem:$0x1] =	sst s17  }
.LBB2_41:
0x18d: {  	s7 =	sadd.s32 $0x80, s29  }
0x18e: {  	p2 =	slt.s32 s7, $0x801  }
0x18f: {  	s7 =	sadd.s32 @!p2 $0x1, s17  }
0x190: {  	[smem:$0x1] =	sst @!p2 s7;
	s7 =	smov.u32 @p2 s17  }
0x191: {  	s17 =	smov.u32 s7  }
.LBB2_42:
0x192: {  	v10 =	vmpcnt.ones.xlane vm2;
	_ =	sdelay $0x1  }
0x193: {  	(v2sf) =	vpush v10, $0x0;
	_ =	sdelay $0xe  }
0x194: {  	s7 =	spop (v2sf)  }
0x195: {  	p2 =	slt.s32 s7, $0x1  }
.Ltmp26:
0x196: {  	_ = 	snop;
	(pc) =	sbr.rel @p2 .LBB2_48-.Ltmp26, $1  }
0x197: {  	_ =	sdelay $0x3  }
0x198: {  	s7 =	sadd.s32 $0x80, s29  }
0x199: {  	p2 =	sgt.s32 s7, $0x800  }
.Ltmp27:
0x19a: {  	_ = 	snop;
	(pc) =	sbr.rel @p2 .LBB2_47-.Ltmp27, $2  }
0x19b: {  	_ =	sdelay $0x2  }
0x19c: {  	s7 =	simm.s32 $0x0  }
0x19d: {  	s9 =	sshra.s32 s7, $0x2  }
0x19e: {  	s9 =	sadd.s32 s9, s31  }
0x19f: {  	v10 =	vld [tilespmem:s9+$0x0];
	_ =	sdelay $0x4  }
0x1a0: {  	vm2 =	vge.f32 v10, v9  }
0x1a1: {  	v11 =	vmpcnt.ones.xlane vm2;
	_ =	sdelay $0x1  }
0x1a2: {  	(v2sf) =	vpush v11, $0x0;
	_ =	sdelay $0x3  }
0x1a3: {  	[tilespmem:s29+$0x11000] =	vst.msk vm2, v10;
	v10 =	vor.u32 s26, v0  }
0x1a4: {  	s7 =	sadd.s32 $0x40, s7;
	s21 =	smov.u32 s26;
	[tilespmem:s29+$0x11880] =	vst.msk vm2, v10  }
.LBB2_45:
0x1a5: {  	s9 =	sshra.s32 s7, $0x2;
	p2 =	sne.s32 s7, $0x1C0  }
0x1a6: {  	s9 =	sadd.s32 s9, s31  }
0x1a7: {  	v10 =	vld [tilespmem:s9+$0x0];
	_ =	sdelay $0x4  }
0x1a8: {  	vm2 =	vge.f32 v10, v9  }
0x1a9: {  	v11 =	vmpcnt.ones.xlane vm2  }
0x1aa: {  	s9 =	spop (v2sf)  }
0x1ab: {  	s21 =	sadd.s32 $0x10, s21;
	(v2sf) =	vpush v11, $0x0;
	s29 =	sadd.s32 s9, s29;
	s17 =	sadd.s32 s9, s17  }
.Ltmp28:
0x1ac: {  	[tilespmem:s29+$0x11000] =	vst.msk vm2, v10;
	v10 =	vor.u32 s21, v0;
	[smem:$0x0] =	sst s29;
	(pc) =	sbr.rel @p2 .LBB2_45-.Ltmp28, $2  }
0x1ad: {  	[tilespmem:s29+$0x11880] =	vst.msk vm2, v10;
	[smem:$0x1] =	sst s17;
	_ =	sdelay $0x2  }
0x1ae: {  	s7 =	sadd.s32 $0x40, s7  }
0x1af: {  	_ =	sdelay $0x8  }
0x1b0: {  	s7 =	spop (v2sf)  }
0x1b1: {  	s29 =	sadd.s32 s7, s29  }
0x1b2: {  	s17 =	sadd.s32 s7, s17;
	[smem:$0x0] =	sst s29  }
0x1b3: {  	[smem:$0x1] =	sst s17  }
.LBB2_47:
0x1b4: {  	s7 =	sadd.s32 $0x80, s29  }
0x1b5: {  	p2 =	slt.s32 s7, $0x801  }
0x1b6: {  	s7 =	sadd.s32 @!p2 $0x1, s17  }
0x1b7: {  	[smem:$0x1] =	sst @!p2 s7;
	s7 =	smov.u32 @p2 s17  }
0x1b8: {  	s17 =	smov.u32 s7  }
.LBB2_48:
0x1b9: {  	v10 =	vmpcnt.ones.xlane vm1;
	_ =	sdelay $0x1  }
0x1ba: {  	(v2sf) =	vpush v10, $0x0;
	_ =	sdelay $0xe  }
0x1bb: {  	s7 =	spop (v2sf)  }
0x1bc: {  	p2 =	slt.s32 s7, $0x1  }
.Ltmp29:
0x1bd: {  	_ = 	snop;
	(pc) =	sbr.rel @p2 .LBB2_54-.Ltmp29, $1  }
0x1be: {  	_ =	sdelay $0x3  }
0x1bf: {  	s7 =	sadd.s32 $0x80, s29  }
0x1c0: {  	p2 =	sgt.s32 s7, $0x800  }
.Ltmp30:
0x1c1: {  	_ = 	snop;
	(pc) =	sbr.rel @p2 .LBB2_53-.Ltmp30, $2  }
0x1c2: {  	_ =	sdelay $0x2  }
0x1c3: {  	s7 =	simm.s32 $0x0  }
0x1c4: {  	s9 =	sshra.s32 s7, $0x2  }
0x1c5: {  	s9 =	sadd.s32 s9, s30  }
0x1c6: {  	v10 =	vld [tilespmem:s9+$0x0];
	_ =	sdelay $0x4  }
0x1c7: {  	vm1 =	vge.f32 v10, v9  }
0x1c8: {  	v11 =	vmpcnt.ones.xlane vm1;
	_ =	sdelay $0x1  }
0x1c9: {  	(v2sf) =	vpush v11, $0x0;
	_ =	sdelay $0x3  }
0x1ca: {  	[tilespmem:s29+$0x11000] =	vst.msk vm1, v10;
	v10 =	vor.u32 s28, v0  }
0x1cb: {  	s7 =	sadd.s32 $0x40, s7;
	s21 =	smov.u32 s28;
	[tilespmem:s29+$0x11880] =	vst.msk vm1, v10  }
.LBB2_51:
0x1cc: {  	s9 =	sshra.s32 s7, $0x2;
	p2 =	sne.s32 s7, $0x1C0  }
0x1cd: {  	s9 =	sadd.s32 s9, s30  }
0x1ce: {  	v10 =	vld [tilespmem:s9+$0x0];
	_ =	sdelay $0x4  }
0x1cf: {  	vm1 =	vge.f32 v10, v9  }
0x1d0: {  	v11 =	vmpcnt.ones.xlane vm1  }
0x1d1: {  	s9 =	spop (v2sf)  }
0x1d2: {  	s21 =	sadd.s32 $0x10, s21;
	(v2sf) =	vpush v11, $0x0;
	s29 =	sadd.s32 s9, s29;
	s17 =	sadd.s32 s9, s17  }
.Ltmp31:
0x1d3: {  	[tilespmem:s29+$0x11000] =	vst.msk vm1, v10;
	v10 =	vor.u32 s21, v0;
	[smem:$0x0] =	sst s29;
	(pc) =	sbr.rel @p2 .LBB2_51-.Ltmp31, $2  }
0x1d4: {  	[tilespmem:s29+$0x11880] =	vst.msk vm1, v10;
	[smem:$0x1] =	sst s17;
	_ =	sdelay $0x2  }
0x1d5: {  	s7 =	sadd.s32 $0x40, s7  }
0x1d6: {  	_ =	sdelay $0x7  }
.Ltmp32:
0x1d7: {  	_ = 	snop;
	(pc) =	sbr.rel .LBB2_53-.Ltmp32, $4  }
0x1d8: {  	s7 =	spop (v2sf)  }
0x1d9: {  	s29 =	sadd.s32 s7, s29  }
0x1da: {  	s17 =	sadd.s32 s7, s17;
	[smem:$0x0] =	sst s29  }
0x1db: {  	[smem:$0x1] =	sst s17  }
.LBB2_55:
0x1dc: {  	v1 =	vadd.f32 v1, v6;
	v3 =	vadd.f32 v3, v8  }
0x1dd: {  	v5 =	vadd.f32 v5, v7;
	v2 =	vadd.f32 v2, v4;
	_ =	sdelay $0x1  }
0x1de: {  	v1 =	vadd.f32 v3, v1;
	v2 =	vadd.f32 v2, v5;
	_ =	sdelay $0x1  }
0x1df: {  	v1 =	vadd.f32 v2, v1;
	_ =	sdelay $0x1  }
0x1e0: {  	(xrf2) =	vadd.scan.msk.f32 $0xffff, v1;
	_ =	sdelay $0x4  }
0x1e1: {  	p2 =	sne.s32 s17, s29  }
.Ltmp33:
0x1e2: {  	_ = 	snop;
	(pc) =	sbr.rel @p2 .LBB2_64-.Ltmp33, $4  }
0x1e3: {  	_ = 	snop  }
0x1e4: {  	v3 =	vimm.f32 $-Inf  }
0x1e5: {  	[tilespmem:s29+$0x11000] =	vst v3;
	v2 =	vimm.s32 $0x7FFFFFFF  }
0x1e6: {  	s0 =	simm.s32 $0x0;
	[tilespmem:s29+$0x11880] =	vst v2;
	v1, _, _ =	vpop (xrf2)  }
0x1e7: {  	s0 =	sadd.s32 $0xF, s29  }
0x1e8: {  	s2 =	sand.u32 $0xF, s0  }
0x1e9: {  	s6 =	sshra.s32 s0, $0x1F;
	p2 =	slt.s32 s0, $0x1;
	p3 =	sne.s32 s2, $0x0  }
0x1ea: {  	s31 =	sshrl.u32 s6, $0x1C;
	p2 =	por !p2, !p3  }
0x1eb: {  	s2 =	simm.s32 $0x1;
	s0 =	sadd.s32 s31, s0;
	p2 =	por !p2, !p2  }
0x1ec: {  	s0 =	sshra.s32 s0, $0x4;
	s2 =	simm.s32 @!p2 $0x0  }
0x1ed: {  	s0 =	ssub.s32 s0, s2  }
0x1ee: {  	p2 =	slt.s32 s0, $0x1  }
.Ltmp34:
0x1ef: {  	_ = 	snop;
	(pc) =	sbr.rel @p2 .LBB2_67-.Ltmp34, $1  }
0x1f0: {  	_ =	sdelay $0x3  }
0x1f1: {  	p4 =	sne.s32 s0, $0x1  }
.Ltmp35:
0x1f2: {  	_ = 	snop;
	(pc) =	sbr.rel @!p4 .LBB2_58-.Ltmp35, $4  }
0x1f3: {  	_ = 	snop  }
0x1f4: {  	s2 =	simm.s32 $0x11000  }
0x1f5: {  	s6 =	simm.s32 $0x11880;
	v4 =	vld [tilespmem:s2+$0x0]  }
0x1f6: {  	s0 =	sadd.s32 $0xFFFFFFFF, s0;
	p2 =	por $0x0, $0x0;
	p3 =	por $0x0, $0x0;
	v5 =	vld [tilespmem:s6+$0x0]  }
0x1f7: {  	p4 =	sne.s32 s0, $0x1  }
.Ltmp36:
0x1f8: {  	_ = 	snop;
	(pc) =	sbr.rel @!p4 .LBB2_60-.Ltmp36, $4  }
0x1f9: {  	_ = 	snop  }
0x1fa: {  	s2 =	simm.s32 $0x11010  }
0x1fb: {  	s31 =	simm.s32 $0x11890;
	(xrf1) =	vsort.ascd.msk.f32 $0xffff, v4, v5;
	v4 =	vld [tilespmem:s2+$0x0]  }
0x1fc: {  	s6 =	sadd.s32 $0xFFFFFFFF, s0;
	p2 =	por $0x1, $0x1;
	v5 =	vld [tilespmem:s31+$0x0]  }
0x1fd: {  	_ =	sdelay $0xb  }
0x1fe: {  	v6, v7, _ =	vpop (xrf1)  }
0x1ff: {  	vm1 =	vge.f32 v3, v6  }
0x200: {  	(xrf1) =	vsort.ascd.msk.f32 $0xffff, v4, v5;
	v5 =	vsel vm1, v3, v6;
	v6 =	vsel vm1, v2, v7  }
0x201: {  	(xrf1) =	vsort.dscd.msk.f32 $0xffff, v5, v6;
	_ =	sdelay $0x6  }
0x202: {  	p4 =	sne.s32 s6, $0x1  }
.Ltmp37:
0x203: {  	_ = 	snop;
	(pc) =	sbr.rel @!p4 .LBB2_63-.Ltmp37, $4  }
0x204: {  	s0 =	simm.s32 $0x11020  }
0x205: {  	s2 =	simm.s32 $0x118A0;
	v4 =	vld [tilespmem:s0+$0x0]  }
0x206: {  	v5 =	vld [tilespmem:s2+$0x0]  }
0x207: {  	s6 =	sadd.s32 $0xFFFFFFFF, s6;
	p3 =	por $0x1, $0x1  }
.LBB2_62:
0x208: {  	p4 =	sne.s32 s6, $0x1;
	v6, v7, _ =	vpop (xrf1)  }
0x209: {  	v8, v9, _ =	vpop (xrf1)  }
0x20a: {  	vm1 =	vge.f32 v8, v6  }
0x20b: {  	(xrf1) =	vsort.ascd.msk.f32 $0xffff, v4, v5;
	v4 =	vsel vm1, v8, v6;
	v5 =	vsel vm1, v9, v7  }
0x20c: {  	(xrf1) =	vsort.dscd.msk.f32 $0xffff, v4, v5;
	_ =	sdelay $0x7  }
.Ltmp38:
0x20d: {  	(pc) =	sbr.rel @p4 .LBB2_62-.Ltmp38, $4  }
0x20e: {  	s0 =	sadd.s32 $0x10, s0  }
0x20f: {  	s2 =	sadd.s32 $0x10, s2;
	v4 =	vld [tilespmem:s0+$0x0]  }
0x210: {  	v5 =	vld [tilespmem:s2+$0x0]  }
0x211: {  	s6 =	sadd.s32 $0xFFFFFFFF, s6  }
.LBB2_63:
0x212: {  	v6, v7, _ =	vpop @p2 (xrf1)  }
0x213: {  	v8, v9, _ =	vpop @p3 (xrf1)  }
0x214: {  	v8 =	vpsel p3, v8, v3  }
0x215: {  	v9 =	vpsel p3, v9, v2;
	vm1 =	vge.f32 @p2 v8, v6  }
0x216: {  	(xrf1) =	vsort.ascd.msk.f32 $0xffff, v4, v5;
	v4 =	vsel @p2 vm1, v8, v6;
	v5 =	vsel @p2 vm1, v9, v7  }
0x217: {  	(xrf1) =	vsort.dscd.msk.f32 @p2 $0xffff, v4, v5;
	_ =	sdelay $0xc  }
0x218: {  	v4, v5, _ =	vpop (xrf1)  }
0x219: {  	v6, v7, _ =	vpop @p2 (xrf1)  }
0x21a: {  	v3 =	vpsel p2, v6, v3  }
0x21b: {  	v2 =	vpsel p2, v7, v2;
	vm1 =	vge.f32 v3, v4  }
0x21c: {  	v3 =	vsel vm1, v3, v4;
	v2 =	vsel vm1, v2, v5  }
0x21d: {  	(xrf1) =	vsort.dscd.msk.f32 $0xffff, v3, v2;
	_ =	sdelay $0xa  }
.Ltmp39:
0x21e: {  	_ = 	snop;
	(pc) =	sbr.rel .LBB2_67-.Ltmp39, $3  }
0x21f: {  	_ =	sdelay $0x1  }
0x220: {  	v3, v2, _ =	vpop (xrf1)  }
0x221: {  	v3 =	vmul.f32 $1.442695020e+00, v3  }
.LBB2_64:
0x222: {  	v4 =	vld [tilespmem:s0+$0x0];
	_ =	sdelay $0x3  }
0x223: {  	v5 =	vor.u32 s0, v0  }
0x224: {  	(xrf1) =	vsort.ascd.msk.f32 $0xffff, v4, v5;
	_ =	sdelay $0x9  }
0x225: {  	s31 =	simm.s32 $0x10  }
0x226: {  	v63 =	vld [tilespmem:s31+$0x0];
	_ =	sdelay $0x2  }
0x227: {  	v5, v6, _ =	vpop (xrf1)  }
0x228: {  	v7 =	vor.u32 s31, v0;
	vm1 =	vge.f32 v3, v5  }
0x229: {  	(xrf1) =	vsort.ascd.msk.f32 $0xffff, v63, v7;
	v3 =	vsel vm1, v3, v5;
	v2 =	vsel vm1, v2, v6  }
0x22a: {  	(xrf1) =	vsort.dscd.msk.f32 $0xffff, v3, v2;
	_ =	sdelay $0x9  }
0x22b: {  	s0 =	simm.s32 $0x20  }
0x22c: {  	v2 =	vld [tilespmem:s0+$0x0]  }
0x22d: {  	s2 =	simm.s32 $0x30;
	s6 =	simm.s32 $0x20  }
.LBB2_65:
0x22e: {  	p2 =	sne.s32 s2, $0x7FF0;
	v3, v4, _ =	vpop (xrf1)  }
0x22f: {  	v5, v6, _ =	vpop (xrf1)  }
0x230: {  	v7 =	vor.u32 s0, v0;
	s0 =	smov.u32 s2;
	vm1 =	vge.f32 v5, v3  }
0x231: {  	(xrf1) =	vsort.ascd.msk.f32 $0xffff, v2, v7;
	v2 =	vsel vm1, v5, v3;
	v3 =	vsel vm1, v6, v4  }
0x232: {  	(xrf1) =	vsort.dscd.msk.f32 $0xffff, v2, v3;
	_ =	sdelay $0x7  }
.Ltmp40:
0x233: {  	(pc) =	sbr.rel @p2 .LBB2_65-.Ltmp40, $4  }
0x234: {  	_ = 	snop  }
0x235: {  	s6 =	sadd.s32 $0x10, s6  }
0x236: {  	v2 =	vld [tilespmem:s6+$0x0]  }
0x237: {  	s2 =	sadd.s32 $0x10, s2  }
0x238: {  	v3, v4, _ =	vpop (xrf1)  }
0x239: {  	v5, v6, _ =	vpop (xrf1)  }
0x23a: {  	v7 =	vor.u32 s0, v0;
	vm1 =	vge.f32 v5, v3  }
0x23b: {  	(xrf1) =	vsort.ascd.msk.f32 $0xffff, v2, v7;
	v2 =	vsel vm1, v5, v3;
	v3 =	vsel vm1, v6, v4  }
0x23c: {  	(xrf1) =	vsort.dscd.msk.f32 $0xffff, v2, v3;
	_ =	sdelay $0xc  }
0x23d: {  	v2, v3, _ =	vpop (xrf1)  }
0x23e: {  	v4, v5, _ =	vpop (xrf1)  }
0x23f: {  	vm1 =	vge.f32 v4, v2  }
0x240: {  	v2 =	vsel vm1, v4, v2;
	v3 =	vsel vm1, v5, v3  }
0x241: {  	(xrf1) =	vsort.dscd.msk.f32 $0xffff, v2, v3;
	_ =	sdelay $0xd  }
0x242: {  	v3, v2, _ =	vpop (xrf1)  }
0x243: {  	v3 =	vmul.f32 $1.442695020e+00, v3  }
.LBB2_67:
0x244: {  	v1 =	vbroadcast v1, $0xF  }
0x245: {  	(erf) = vpow2.f32 v3  }
0x246: {  	(erf) = vrcp.f32 v1;
	_ =	sdelay $0x5  }
0x247: {  	s19 =	sshll.u32 s20, $0x1  }
0x248: {  	s0 =	sor.u32 @!p0 s4, s19  }
0x249: {  	s0 =	sadd.s32 @!p0 $0x2, s0;
	v1 =	vpop (erf)  }
0x24a: {  	s2 =	sshll.u32 @!p0 s0, $0x4;
	v3 =	vpop (erf)  }
0x24b: {  	s6 =	sshll.u32 s20, $0x4;
	s0 =	sshll.u32 @!p0 s0, $0xC;
	s2 =	sand.u32 @!p0 $0x60, s2;
	v1 =	vmul.f32 v1, v3  }
0x24c: {  	s7 =	simm.s32 @!p0 $0x0;
	[tilespmem:s6+$0x12180] =	vst.msk $0xff, v2;
	s0 =	sand.u32 @!p0 $0xFFF8000, s0;
	s2 =	sadd.s32 @!p0 s1, s2  }
0x24d: {  	s0 =	sadd.s32 @!p0 s0, s2;
	s2 =	simm.s32 @!p0 $0x80;
	[tilespmem:s6+$0x12100] =	vst.msk $0xff, v1;
	s6 =	simm.s32 @!p0 $0x400  }
0x24e: {  	[tilespmem:s7], [sflag:$0x1] =	stream.strided.gather @!p0 [hbm4b:s0+s2], $0x8000, s6, s2, $0x38;
	[tilespmem:$0x12200] =	vst v63  }
0x24f: {  	_ =	swait.ge [sflag:s14], $0x8000  }
0x250: {  	[sflag:s14] =	ssyncset.done $0x0  }
0x251: {  	s31 =	simm.s32 $0x80F0;
	[sflag:s14] =	ssyncadd.s32 $0xFFFF8000  }
0x252: {  	v18 =	vld [tilespmem:s31+$0xFFFFFF20]  }
0x253: {  	v1 =	vld [tilespmem:s31+$0x0]  }
0x254: {  	v2 =	vld [tilespmem:s31+$0xFFFFFF80]  }
0x255: {  	v5 =	vld [tilespmem:s31+$0xFFFFFFB0]  }
0x256: {  	v4 =	vld [tilespmem:s31+$0xFFFFFFD0]  }
0x257: {  	v10 =	vld [tilespmem:s31+$0xFFFFFFF0]  }
0x258: {  	v6 =	vld [tilespmem:s31+$0xFFFFFFA0]  }
0x259: {  	v7 =	vld [tilespmem:s31+$0xFFFFFFC0]  }
0x25a: {  	v15 =	vld [tilespmem:s31+$0xFFFFFF90]  }
0x25b: {  	v19 =	vld [tilespmem:s31+$0xFFFFFFE0]  }
0x25c: {  	v20 =	vld [tilespmem:s31+$0xFFFFFF70]  }
0x25d: {  	v9 =	vld [tilespmem:s31+$0xFFFFFF50]  }
0x25e: {  	v12 =	vld [tilespmem:s31+$0xFFFFFF60];
	v3 =	vmul.f32 $1.442695020e+00, v18;
	v8 =	vmul.f32 $1.442695020e+00, v1  }
0x25f: {  	v22 =	vld [tilespmem:s31+$0xFFFFFF40];
	v13 =	vmul.f32 $1.442695020e+00, v4;
	v11 =	vmul.f32 $1.442695020e+00, v2  }
0x260: {  	v23 =	vld [tilespmem:s31+$0xFFFFFF30];
	v14 =	vmul.f32 $1.442695020e+00, v7;
	(erf) = vpow2.f32 v3  }
0x261: {  	v21 =	vld [tilespmem:s31+$0xFFFFFF10];
	v16 =	vmul.f32 $1.442695020e+00, v19;
	v17 =	vmul.f32 $1.442695020e+00, v20  }
0x262: {  	(erf) = vpow2.f32 v8;
	v8 =	vmul.f32 $1.442695020e+00, v10  }
0x263: {  	v27 =	vmul.f32 $1.442695020e+00, v6;
	v26 =	vmul.f32 $1.442695020e+00, v9  }
0x264: {  	v24 =	vmax.f32 v5, v7;
	v7 =	vmul.f32 $1.442695020e+00, v22;
	(erf) = vpow2.f32 v8  }
0x265: {  	v28 =	vmax.f32 v15, v6;
	v25 =	vmul.f32 $1.442695020e+00, v23;
	(erf) = vpow2.f32 v11  }
0x266: {  	v29 =	vmul.f32 $1.442695020e+00, v21;
	v30 =	vmax.f32 v9, v12;
	v3 =	vmul.f32 $1.442695020e+00, v5  }
0x267: {  	v9 =	vimm.f32 $0.0e+00;
	v5 =	vmul.f32 $1.442695020e+00, v12;
	(erf) = vpow2.f32 v14  }
0x268: {  	v12 =	vimm.f32 $0.0e+00;
	v8 =	vimm.f32 $-Inf;
	(erf) = vpow2.f32 v16  }
0x269: {  	v11 =	vimm.f32 $0.0e+00;
	v14 =	vimm.f32 $0.0e+00;
	(erf) = vpow2.f32 v17;
	v6 =	vpop (erf)  }
0x26a: {  	s10 =	simm.s32 $0x81F0;
	(erf) = vpow2.f32 v5;
	v5 =	vimm.f32 $0.0e+00;
	v17 =	vadd.f32 v6, v11  }
0x26b: {  	s0 =	simm.s32 $0x10010;
	s2 =	simm.s32 $0x0;
	s6 =	simm.s32 $0x10010;
	(erf) = vpow2.f32 v7;
	v7 =	vimm.f32 $0.0e+00;
	v16 =	vpop (erf);
	v6 =	vimm.f32 $0.0e+00  }
.LBB2_68:
0x26c: {  	v31 =	vld [tilespmem:s10+$0xFFFFFF20];
	s2 =	sadd.s32 $0x2, s2;
	v15 =	vmul.f32 $1.442695020e+00, v15;
	v24 =	vmax.f32 v28, v24;
	s0 =	sadd.s32 $0x20, s0;
	(erf) = vpow2.f32 v27  }
0x26d: {  	v4 =	vmax.f32 v4, v19;
	v10 =	vmax.f32 v10, v1;
	p2 =	slt.u32 s2, $0xFE;
	v1 =	vld [tilespmem:s10+$0x0];
	(erf) = vpow2.f32 v26;
	v26 =	vpop (erf)  }
0x26e: {  	v18 =	vmax.f32 v21, v18;
	v19 =	vmax.f32 v20, v2;
	v4 =	vmax.f32 v4, v10;
	v2 =	vld [tilespmem:s10+$0xFFFFFF80];
	v20 =	vpop (erf)  }
0x26f: {  	v10 =	vmax.f32 v23, v22;
	v21 =	vmax.f32 v24, v4;
	v27 =	vld [tilespmem:s10+$0xFFFFFFB0];
	(erf) = vpow2.f32 v29  }
0x270: {  	v19 =	vmax.f32 v30, v19;
	v28 =	vmax.f32 v18, v10;
	v4 =	vld [tilespmem:s10+$0xFFFFFFD0];
	[tilespmem:s6+$0x0] =	vst v21;
	v22 =	vpop (erf);
	(erf) = vpow2.f32 v13  }
0x271: {  	v19 =	vmax.f32 v28, v19;
	v29 =	vmul.f32 $1.442695020e+00, v31;
	v10 =	vld [tilespmem:s10+$0xFFFFFFF0];
	(erf) = vpow2.f32 v25;
	v23 =	vpop (erf)  }
0x272: {  	v8 =	vmax.f32 v8, v19;
	v25 =	vld [tilespmem:s10+$0xFFFFFFA0];
	v24 =	vmul.f32 $1.442695020e+00, v1;
	[tilespmem:s6+$0xFFFFFFF0] =	vst v19;
	v18 =	vpop (erf);
	(erf) = vpow2.f32 v3;
	s6 =	smov.u32 s0  }
0x273: {  	v8 =	vmax.f32 v8, v21;
	v28 =	vld [tilespmem:s10+$0xFFFFFFC0];
	v11 =	vadd.f32 v18, v11;
	v3 =	vpop (erf);
	(erf) = vpow2.f32 v15  }
0x274: {  	v12 =	vadd.f32 v20, v12;
	v15 =	vld [tilespmem:s10+$0xFFFFFF90];
	(erf) = vpow2.f32 v29;
	v14 =	vadd.f32 v3, v14;
	v13 =	vpop (erf)  }
0x275: {  	v3 =	vmul.f32 $1.442695020e+00, v27;
	v19 =	vld [tilespmem:s10+$0xFFFFFFE0];
	(erf) = vpow2.f32 v24;
	v7 =	vadd.f32 v13, v7;
	v18 =	vpop (erf)  }
0x276: {  	v13 =	vmul.f32 $1.442695020e+00, v4;
	v21 =	vld [tilespmem:s10+$0xFFFFFF10];
	v29 =	vmul.f32 $1.442695020e+00, v10;
	v17 =	vadd.f32 v18, v17;
	v30 =	vpop (erf)  }
0x277: {  	v12 =	vadd.f32 v16, v12;
	v18 =	vmov v31;
	v20 =	vld [tilespmem:s10+$0xFFFFFF70];
	v7 =	vadd.f32 v22, v7  }
0x278: {  	v16 =	vmul.f32 $1.442695020e+00, v2;
	v11 =	vadd.f32 v26, v11;
	v31 =	vld [tilespmem:s10+$0xFFFFFF50];
	v24 =	vmax.f32 v27, v28;
	v26 =	vpop (erf)  }
0x279: {  	v14 =	vadd.f32 v23, v14;
	v9 =	vadd.f32 v30, v9;
	v33 =	vmul.f32 $1.442695020e+00, v28;
	v32 =	vld [tilespmem:s10+$0xFFFFFF60];
	v30 =	vpop (erf)  }
0x27a: {  	v28 =	vmax.f32 v15, v25;
	v22 =	vld [tilespmem:s10+$0xFFFFFF40];
	v34 =	vmul.f32 $1.442695020e+00, v19;
	(erf) = vpow2.f32 v29;
	v29 =	vpop (erf)  }
0x27b: {  	v5 =	vadd.f32 v26, v5;
	v23 =	vld [tilespmem:s10+$0xFFFFFF30];
	(erf) = vpow2.f32 v16;
	v35 =	vpop (erf)  }
0x27c: {  	v27 =	vmul.f32 $1.442695020e+00, v25;
	v6 =	vadd.f32 v29, v6;
	v36 =	vmul.f32 $1.442695020e+00, v20;
	v16 =	vpop (erf)  }
.Ltmp41:
0x27d: {  	v26 =	vmul.f32 $1.442695020e+00, v31;
	v25 =	vpop (erf);
	(erf) = vpow2.f32 v33;
	v5 =	vadd.f32 v16, v5;
	(pc) =	sbr.rel @p2 .LBB2_68-.Ltmp41, $4  }
0x27e: {  	v9 =	vadd.f32 v30, v9;
	v29 =	vmul.f32 $1.442695020e+00, v32;
	(erf) = vpow2.f32 v34;
	v16 =	vpop (erf)  }
0x27f: {  	v17 =	vadd.f32 v25, v17;
	v33 =	vmul.f32 $1.442695020e+00, v22;
	(erf) = vpow2.f32 v36  }
0x280: {  	v6 =	vadd.f32 v35, v6;
	v25 =	vmul.f32 $1.442695020e+00, v23;
	(erf) = vpow2.f32 v29  }
0x281: {  	s10 =	sadd.s32 $0x100, s10;
	v30 =	vmax.f32 v31, v32;
	v29 =	vmul.f32 $1.442695020e+00, v21;
	(erf) = vpow2.f32 v33  }
0x282: {  	v4 =	vmax.f32 v4, v19  }
0x283: {  	v18 =	vmax.f32 v21, v18;
	v2 =	vmax.f32 v20, v2;
	v54 =	vmax.f32 v23, v22  }
0x284: {  	v1 =	vmax.f32 v10, v1;
	v10 =	vmax.f32 v18, v54;
	v2 =	vmax.f32 v30, v2  }
0x285: {  	v55 =	vmax.f32 v28, v24;
	v1 =	vmax.f32 v4, v1;
	v10 =	vmax.f32 v10, v2  }
0x286: {  	v18 =	vmax.f32 v55, v1;
	v1 =	vmax.f32 v8, v10  }
0x287: {  	v1 =	vmax.f32 v1, v18  }
0x288: {  	(xrf1) =	vsort.dscd.msk.f32 $0xffff, v1, v0;
	_ =	sdelay $0x5  }
0x289: {  	(erf) = vpow2.f32 v27  }
0x28a: {  	(erf) = vpow2.f32 v26;
	v4 =	vpop (erf)  }
0x28b: {  	(erf) = vpow2.f32 v29;
	v1 =	vpop (erf)  }
0x28c: {  	v8 =	vmul.f32 $1.442695020e+00, v15;
	(erf) = vpow2.f32 v13;
	v2 =	vpop (erf)  }
0x28d: {  	(erf) = vpow2.f32 v25;
	v56 =	vpop (erf)  }
0x28e: {  	(erf) = vpow2.f32 v3;
	v57 =	vpop (erf)  }
0x28f: {  	v3 =	vpop (erf);
	(erf) = vpow2.f32 v8  }
0x290: {  	v8 =	vpop (erf)  }
0x291: {  	v58, _, _ =	vpop (xrf1)  }
0x292: {  	v59 =	vpop (erf);
	v7 =	vadd.f32 v8, v7;
	v19 =	vsel vm0, $0xFF800000, v58  }
0x293: {  	s20 =	simm.s32 $0x0;
	v11 =	vadd.f32 v57, v11;
	v60 =	vpop (erf);
	(xrf0) =	vmax.scan.msk.f32 $0xffff, v19  }
0x294: {  	s21 =	simm.s32 $0x8000;
	s22 =	simm.s32 $0x80;
	s23 =	simm.s32 $0x8080;
	v12 =	vadd.f32 v1, v12;
	v8 =	vpop (erf)  }
0x295: {  	s24 =	simm.s32 $0x100;
	s25 =	simm.s32 $0x8100;
	s26 =	simm.s32 $0x180;
	v14 =	vadd.f32 v3, v14;
	v4 =	vadd.f32 v4, v11;
	v61 =	vpop (erf)  }
.Ltmp42:
0x296: {  	s28 =	simm.s32 $0x8180;
	s30 =	simm.s32 $0x200;
	v1 =	vadd.f32 v59, v17;
	v3 =	vadd.f32 v2, v7;
	v7 =	vpop (erf);
	(pc) =	sbr.rel .LBB2_70-.Ltmp42, $4  }
0x297: {  	s31 =	simm.s32 $0x8200;
	s0 =	simm.s32 $0x280;
	s2 =	simm.s32 $0x8280;
	v2 =	vadd.f32 v16, v12;
	v9 =	vadd.f32 v60, v9;
	v11 =	vpop (erf)  }
0x298: {  	s12 =	simm.s32 $0x300;
	s15 =	simm.s32 $0x8300;
	s17 =	simm.s32 $0x380;
	v8 =	vadd.f32 v8, v5;
	v62 =	vadd.f32 v7, v6;
	v6 =	vpop (erf)  }
0x299: {  	s10 =	simm.s32 $0x8380;
	s29 =	simm.s32 $0x0;
	[smem:$0x0] =	sst s20;
	[tilespmem:s6+$0x0] =	vst v18;
	v5 =	vadd.f32 v56, v14;
	v7 =	vadd.f32 v61, v9;
	v63, _, _ =	vpop (xrf0)  }
0x29a: {  	s11 =	simm.s32 $0x0;
	[smem:$0x1] =	sst s20;
	[tilespmem:s6+$0xFFFFFFF0] =	vst v10;
	s6 =	simm.s32 $0x0;
	v6 =	vadd.f32 v6, v8;
	v8 =	vadd.f32 v11, v62;
	v9 =	vbroadcast v63, $0xF  }
.LBB2_118:
0x29b: {  	s7 =	sadd.s32 $0x80, s29  }
0x29c: {  	p2 =	slt.s32 s7, $0x801  }
0x29d: {  	s7 =	sadd.s32 @!p2 $0x1, s11  }
0x29e: {  	[smem:$0x1] =	sst @!p2 s7;
	s7 =	smov.u32 @p2 s11  }
0x29f: {  	s11 =	smov.u32 s7  }
.LBB2_119:
0x2a0: {  	s6 =	sadd.s32 $0x1, s6  }
0x2a1: {  	s21 =	sadd.s32 $0x400, s21;
	s20 =	sadd.s32 $0x400, s20;
	p2 =	sne.s32 s6, $0x20  }
.Ltmp43:
0x2a2: {  	s22 =	sadd.s32 $0x400, s22;
	s23 =	sadd.s32 $0x400, s23;
	(pc) =	sbr.rel @!p2 .LBB2_120-.Ltmp43, $4  }
0x2a3: {  	s24 =	sadd.s32 $0x400, s24;
	s25 =	sadd.s32 $0x400, s25;
	s26 =	sadd.s32 $0x400, s26  }
0x2a4: {  	s28 =	sadd.s32 $0x400, s28;
	s30 =	sadd.s32 $0x400, s30;
	s31 =	sadd.s32 $0x400, s31  }
0x2a5: {  	s0 =	sadd.s32 $0x400, s0;
	s2 =	sadd.s32 $0x400, s2;
	s12 =	sadd.s32 $0x400, s12  }
0x2a6: {  	s15 =	sadd.s32 $0x400, s15;
	s17 =	sadd.s32 $0x400, s17;
	s10 =	sadd.s32 $0x400, s10  }
.LBB2_70:
0x2a7: {  	s7 =	sshll.u32 s6, $0x7  }
0x2a8: {  	s7 =	sand.u32 $0x3FFFFF80, s7  }
0x2a9: {  	v10 =	vld [tilespmem:s7+$0x10000]  }
0x2aa: {  	v11 =	vld [tilespmem:s7+$0x10010]  }
0x2ab: {  	v12 =	vld [tilespmem:s7+$0x10020]  }
0x2ac: {  	v13 =	vld [tilespmem:s7+$0x10030]  }
0x2ad: {  	v14 =	vld [tilespmem:s7+$0x10040]  }
0x2ae: {  	v15 =	vld [tilespmem:s7+$0x10050]  }
0x2af: {  	vm8 =	vge.f32 v10, v9;
	vm7 =	vge.f32 v11, v9;
	v10 =	vld [tilespmem:s7+$0x10060]  }
0x2b0: {  	vm6 =	vge.f32 v12, v9;
	v11 =	vld [tilespmem:s7+$0x10070];
	vm1 =	vmor vm8, vm7  }
0x2b1: {  	vm5 =	vge.f32 v13, v9;
	vm1 =	vmor vm1, vm6  }
0x2b2: {  	vm4 =	vge.f32 v14, v9;
	vm1 =	vmor vm1, vm5  }
0x2b3: {  	vm3 =	vge.f32 v15, v9;
	vm1 =	vmor vm1, vm4  }
0x2b4: {  	vm2 =	vge.f32 v10, v9;
	vm1 =	vmor vm1, vm3  }
0x2b5: {  	vm9 =	vmor vm1, vm2;
	vm1 =	vge.f32 v11, v9  }
0x2b6: {  	vm9 =	vmor vm9, vm1  }
0x2b7: {  	v10 =	vmpcnt.ones.xlane vm9;
	_ =	sdelay $0x1  }
0x2b8: {  	(v2sf) =	vpush v10, $0x0;
	_ =	sdelay $0xe  }
0x2b9: {  	s9 =	spop (v2sf)  }
0x2ba: {  	p2 =	slt.s32 s9, $0x1  }
.Ltmp44:
0x2bb: {  	_ = 	snop;
	(pc) =	sbr.rel @p2 .LBB2_119-.Ltmp44, $1  }
0x2bc: {  	_ =	sdelay $0x3  }
0x2bd: {  	v10 =	vmpcnt.ones.xlane vm8;
	_ =	sdelay $0x1  }
0x2be: {  	(v2sf) =	vpush v10, $0x0;
	_ =	sdelay $0xe  }
0x2bf: {  	s7 =	spop (v2sf)  }
0x2c0: {  	p2 =	slt.s32 s7, $0x1  }
.Ltmp45:
0x2c1: {  	_ = 	snop;
	(pc) =	sbr.rel @p2 .LBB2_77-.Ltmp45, $1  }
0x2c2: {  	_ =	sdelay $0x3  }
0x2c3: {  	s7 =	sadd.s32 $0x80, s29  }
0x2c4: {  	p2 =	sgt.s32 s7, $0x800  }
.Ltmp46:
0x2c5: {  	_ = 	snop;
	(pc) =	sbr.rel @p2 .LBB2_76-.Ltmp46, $2  }
0x2c6: {  	_ =	sdelay $0x2  }
0x2c7: {  	s7 =	simm.s32 $0x0  }
0x2c8: {  	s8 =	sshra.s32 s7, $0x2  }
0x2c9: {  	s8 =	sadd.s32 s8, s21  }
0x2ca: {  	v10 =	vld [tilespmem:s8+$0x0];
	_ =	sdelay $0x4  }
0x2cb: {  	vm8 =	vge.f32 v10, v9  }
0x2cc: {  	v11 =	vmpcnt.ones.xlane vm8;
	_ =	sdelay $0x1  }
0x2cd: {  	(v2sf) =	vpush v11, $0x0;
	_ =	sdelay $0x3  }
0x2ce: {  	[tilespmem:s29+$0x11000] =	vst.msk vm8, v10;
	v10 =	vor.u32 s20, v0  }
0x2cf: {  	s7 =	sadd.s32 $0x40, s7;
	s8 =	smov.u32 s20;
	[tilespmem:s29+$0x11880] =	vst.msk vm8, v10  }
.LBB2_74:
0x2d0: {  	s9 =	sshra.s32 s7, $0x2;
	p2 =	sne.s32 s7, $0x1C0  }
0x2d1: {  	s9 =	sadd.s32 s9, s21  }
0x2d2: {  	v10 =	vld [tilespmem:s9+$0x0];
	_ =	sdelay $0x4  }
0x2d3: {  	vm8 =	vge.f32 v10, v9  }
0x2d4: {  	v11 =	vmpcnt.ones.xlane vm8  }
0x2d5: {  	s9 =	spop (v2sf)  }
0x2d6: {  	s8 =	sadd.s32 $0x10, s8;
	(v2sf) =	vpush v11, $0x0;
	s29 =	sadd.s32 s9, s29;
	s11 =	sadd.s32 s9, s11  }
.Ltmp47:
0x2d7: {  	[tilespmem:s29+$0x11000] =	vst.msk vm8, v10;
	v10 =	vor.u32 s8, v0;
	[smem:$0x0] =	sst s29;
	(pc) =	sbr.rel @p2 .LBB2_74-.Ltmp47, $2  }
0x2d8: {  	[tilespmem:s29+$0x11880] =	vst.msk vm8, v10;
	[smem:$0x1] =	sst s11;
	_ =	sdelay $0x2  }
0x2d9: {  	s7 =	sadd.s32 $0x40, s7  }
0x2da: {  	_ =	sdelay $0x8  }
0x2db: {  	s7 =	spop (v2sf)  }
0x2dc: {  	s29 =	sadd.s32 s7, s29  }
0x2dd: {  	s11 =	sadd.s32 s7, s11;
	[smem:$0x0] =	sst s29  }
0x2de: {  	[smem:$0x1] =	sst s11  }
.LBB2_76:
0x2df: {  	s7 =	sadd.s32 $0x80, s29  }
0x2e0: {  	p2 =	slt.s32 s7, $0x801  }
0x2e1: {  	s7 =	sadd.s32 @!p2 $0x1, s11  }
0x2e2: {  	[smem:$0x1] =	sst @!p2 s7;
	s7 =	smov.u32 @p2 s11  }
0x2e3: {  	s11 =	smov.u32 s7  }
.LBB2_77:
0x2e4: {  	v10 =	vmpcnt.ones.xlane vm7;
	_ =	sdelay $0x1  }
0x2e5: {  	(v2sf) =	vpush v10, $0x0;
	_ =	sdelay $0xe  }
0x2e6: {  	s7 =	spop (v2sf)  }
0x2e7: {  	p2 =	slt.s32 s7, $0x1  }
.Ltmp48:
0x2e8: {  	_ = 	snop;
	(pc) =	sbr.rel @p2 .LBB2_83-.Ltmp48, $1  }
0x2e9: {  	_ =	sdelay $0x3  }
0x2ea: {  	s7 =	sadd.s32 $0x80, s29  }
0x2eb: {  	p2 =	sgt.s32 s7, $0x800  }
.Ltmp49:
0x2ec: {  	_ = 	snop;
	(pc) =	sbr.rel @p2 .LBB2_82-.Ltmp49, $2  }
0x2ed: {  	_ =	sdelay $0x2  }
0x2ee: {  	s7 =	simm.s32 $0x0  }
0x2ef: {  	s8 =	sshra.s32 s7, $0x2  }
0x2f0: {  	s8 =	sadd.s32 s8, s23  }
0x2f1: {  	v10 =	vld [tilespmem:s8+$0x0];
	_ =	sdelay $0x4  }
0x2f2: {  	vm7 =	vge.f32 v10, v9  }
0x2f3: {  	v11 =	vmpcnt.ones.xlane vm7;
	_ =	sdelay $0x1  }
0x2f4: {  	(v2sf) =	vpush v11, $0x0;
	_ =	sdelay $0x3  }
0x2f5: {  	[tilespmem:s29+$0x11000] =	vst.msk vm7, v10;
	v10 =	vor.u32 s22, v0  }
0x2f6: {  	s7 =	sadd.s32 $0x40, s7;
	s8 =	smov.u32 s22;
	[tilespmem:s29+$0x11880] =	vst.msk vm7, v10  }
.LBB2_80:
0x2f7: {  	s9 =	sshra.s32 s7, $0x2;
	p2 =	sne.s32 s7, $0x1C0  }
0x2f8: {  	s9 =	sadd.s32 s9, s23  }
0x2f9: {  	v10 =	vld [tilespmem:s9+$0x0];
	_ =	sdelay $0x4  }
0x2fa: {  	vm7 =	vge.f32 v10, v9  }
0x2fb: {  	v11 =	vmpcnt.ones.xlane vm7  }
0x2fc: {  	s9 =	spop (v2sf)  }
0x2fd: {  	s8 =	sadd.s32 $0x10, s8;
	(v2sf) =	vpush v11, $0x0;
	s29 =	sadd.s32 s9, s29;
	s11 =	sadd.s32 s9, s11  }
.Ltmp50:
0x2fe: {  	[tilespmem:s29+$0x11000] =	vst.msk vm7, v10;
	v10 =	vor.u32 s8, v0;
	[smem:$0x0] =	sst s29;
	(pc) =	sbr.rel @p2 .LBB2_80-.Ltmp50, $2  }
0x2ff: {  	[tilespmem:s29+$0x11880] =	vst.msk vm7, v10;
	[smem:$0x1] =	sst s11;
	_ =	sdelay $0x2  }
0x300: {  	s7 =	sadd.s32 $0x40, s7  }
0x301: {  	_ =	sdelay $0x8  }
0x302: {  	s7 =	spop (v2sf)  }
0x303: {  	s29 =	sadd.s32 s7, s29  }
0x304: {  	s11 =	sadd.s32 s7, s11;
	[smem:$0x0] =	sst s29  }
0x305: {  	[smem:$0x1] =	sst s11  }
.LBB2_82:
0x306: {  	s7 =	sadd.s32 $0x80, s29  }
0x307: {  	p2 =	slt.s32 s7, $0x801  }
0x308: {  	s7 =	sadd.s32 @!p2 $0x1, s11  }
0x309: {  	[smem:$0x1] =	sst @!p2 s7;
	s7 =	smov.u32 @p2 s11  }
0x30a: {  	s11 =	smov.u32 s7  }
.LBB2_83:
0x30b: {  	v10 =	vmpcnt.ones.xlane vm6;
	_ =	sdelay $0x1  }
0x30c: {  	(v2sf) =	vpush v10, $0x0;
	_ =	sdelay $0xe  }
0x30d: {  	s7 =	spop (v2sf)  }
0x30e: {  	p2 =	slt.s32 s7, $0x1  }
.Ltmp51:
0x30f: {  	_ = 	snop;
	(pc) =	sbr.rel @p2 .LBB2_89-.Ltmp51, $1  }
0x310: {  	_ =	sdelay $0x3  }
0x311: {  	s7 =	sadd.s32 $0x80, s29  }
0x312: {  	p2 =	sgt.s32 s7, $0x800  }
.Ltmp52:
0x313: {  	_ = 	snop;
	(pc) =	sbr.rel @p2 .LBB2_88-.Ltmp52, $2  }
0x314: {  	_ =	sdelay $0x2  }
0x315: {  	s7 =	simm.s32 $0x0  }
0x316: {  	s8 =	sshra.s32 s7, $0x2  }
0x317: {  	s8 =	sadd.s32 s8, s25  }
0x318: {  	v10 =	vld [tilespmem:s8+$0x0];
	_ =	sdelay $0x4  }
0x319: {  	vm6 =	vge.f32 v10, v9  }
0x31a: {  	v11 =	vmpcnt.ones.xlane vm6;
	_ =	sdelay $0x1  }
0x31b: {  	(v2sf) =	vpush v11, $0x0;
	_ =	sdelay $0x3  }
0x31c: {  	[tilespmem:s29+$0x11000] =	vst.msk vm6, v10;
	v10 =	vor.u32 s24, v0  }
0x31d: {  	s7 =	sadd.s32 $0x40, s7;
	s8 =	smov.u32 s24;
	[tilespmem:s29+$0x11880] =	vst.msk vm6, v10  }
.LBB2_86:
0x31e: {  	s9 =	sshra.s32 s7, $0x2;
	p2 =	sne.s32 s7, $0x1C0  }
0x31f: {  	s9 =	sadd.s32 s9, s25  }
0x320: {  	v10 =	vld [tilespmem:s9+$0x0];
	_ =	sdelay $0x4  }
0x321: {  	vm6 =	vge.f32 v10, v9  }
0x322: {  	v11 =	vmpcnt.ones.xlane vm6  }
0x323: {  	s9 =	spop (v2sf)  }
0x324: {  	s8 =	sadd.s32 $0x10, s8;
	(v2sf) =	vpush v11, $0x0;
	s29 =	sadd.s32 s9, s29;
	s11 =	sadd.s32 s9, s11  }
.Ltmp53:
0x325: {  	[tilespmem:s29+$0x11000] =	vst.msk vm6, v10;
	v10 =	vor.u32 s8, v0;
	[smem:$0x0] =	sst s29;
	(pc) =	sbr.rel @p2 .LBB2_86-.Ltmp53, $2  }
0x326: {  	[tilespmem:s29+$0x11880] =	vst.msk vm6, v10;
	[smem:$0x1] =	sst s11;
	_ =	sdelay $0x2  }
0x327: {  	s7 =	sadd.s32 $0x40, s7  }
0x328: {  	_ =	sdelay $0x8  }
0x329: {  	s7 =	spop (v2sf)  }
0x32a: {  	s29 =	sadd.s32 s7, s29  }
0x32b: {  	s11 =	sadd.s32 s7, s11;
	[smem:$0x0] =	sst s29  }
0x32c: {  	[smem:$0x1] =	sst s11  }
.LBB2_88:
0x32d: {  	s7 =	sadd.s32 $0x80, s29  }
0x32e: {  	p2 =	slt.s32 s7, $0x801  }
0x32f: {  	s7 =	sadd.s32 @!p2 $0x1, s11  }
0x330: {  	[smem:$0x1] =	sst @!p2 s7;
	s7 =	smov.u32 @p2 s11  }
0x331: {  	s11 =	smov.u32 s7  }
.LBB2_89:
0x332: {  	v10 =	vmpcnt.ones.xlane vm5;
	_ =	sdelay $0x1  }
0x333: {  	(v2sf) =	vpush v10, $0x0;
	_ =	sdelay $0xe  }
0x334: {  	s7 =	spop (v2sf)  }
0x335: {  	p2 =	slt.s32 s7, $0x1  }
.Ltmp54:
0x336: {  	_ = 	snop;
	(pc) =	sbr.rel @p2 .LBB2_95-.Ltmp54, $1  }
0x337: {  	_ =	sdelay $0x3  }
0x338: {  	s7 =	sadd.s32 $0x80, s29  }
0x339: {  	p2 =	sgt.s32 s7, $0x800  }
.Ltmp55:
0x33a: {  	_ = 	snop;
	(pc) =	sbr.rel @p2 .LBB2_94-.Ltmp55, $2  }
0x33b: {  	_ =	sdelay $0x2  }
0x33c: {  	s7 =	simm.s32 $0x0  }
0x33d: {  	s8 =	sshra.s32 s7, $0x2  }
0x33e: {  	s8 =	sadd.s32 s8, s28  }
0x33f: {  	v10 =	vld [tilespmem:s8+$0x0];
	_ =	sdelay $0x4  }
0x340: {  	vm5 =	vge.f32 v10, v9  }
0x341: {  	v11 =	vmpcnt.ones.xlane vm5;
	_ =	sdelay $0x1  }
0x342: {  	(v2sf) =	vpush v11, $0x0;
	_ =	sdelay $0x3  }
0x343: {  	[tilespmem:s29+$0x11000] =	vst.msk vm5, v10;
	v10 =	vor.u32 s26, v0  }
0x344: {  	s7 =	sadd.s32 $0x40, s7;
	s8 =	smov.u32 s26;
	[tilespmem:s29+$0x11880] =	vst.msk vm5, v10  }
.LBB2_92:
0x345: {  	s9 =	sshra.s32 s7, $0x2;
	p2 =	sne.s32 s7, $0x1C0  }
0x346: {  	s9 =	sadd.s32 s9, s28  }
0x347: {  	v10 =	vld [tilespmem:s9+$0x0];
	_ =	sdelay $0x4  }
0x348: {  	vm5 =	vge.f32 v10, v9  }
0x349: {  	v11 =	vmpcnt.ones.xlane vm5  }
0x34a: {  	s9 =	spop (v2sf)  }
0x34b: {  	s8 =	sadd.s32 $0x10, s8;
	(v2sf) =	vpush v11, $0x0;
	s29 =	sadd.s32 s9, s29;
	s11 =	sadd.s32 s9, s11  }
.Ltmp56:
0x34c: {  	[tilespmem:s29+$0x11000] =	vst.msk vm5, v10;
	v10 =	vor.u32 s8, v0;
	[smem:$0x0] =	sst s29;
	(pc) =	sbr.rel @p2 .LBB2_92-.Ltmp56, $2  }
0x34d: {  	[tilespmem:s29+$0x11880] =	vst.msk vm5, v10;
	[smem:$0x1] =	sst s11;
	_ =	sdelay $0x2  }
0x34e: {  	s7 =	sadd.s32 $0x40, s7  }
0x34f: {  	_ =	sdelay $0x8  }
0x350: {  	s7 =	spop (v2sf)  }
0x351: {  	s29 =	sadd.s32 s7, s29  }
0x352: {  	s11 =	sadd.s32 s7, s11;
	[smem:$0x0] =	sst s29  }
0x353: {  	[smem:$0x1] =	sst s11  }
.LBB2_94:
0x354: {  	s7 =	sadd.s32 $0x80, s29  }
0x355: {  	p2 =	slt.s32 s7, $0x801  }
0x356: {  	s7 =	sadd.s32 @!p2 $0x1, s11  }
0x357: {  	[smem:$0x1] =	sst @!p2 s7;
	s7 =	smov.u32 @p2 s11  }
0x358: {  	s11 =	smov.u32 s7  }
.LBB2_95:
0x359: {  	v10 =	vmpcnt.ones.xlane vm4;
	_ =	sdelay $0x1  }
0x35a: {  	(v2sf) =	vpush v10, $0x0;
	_ =	sdelay $0xe  }
0x35b: {  	s7 =	spop (v2sf)  }
0x35c: {  	p2 =	slt.s32 s7, $0x1  }
.Ltmp57:
0x35d: {  	_ = 	snop;
	(pc) =	sbr.rel @p2 .LBB2_101-.Ltmp57, $1  }
0x35e: {  	_ =	sdelay $0x3  }
0x35f: {  	s7 =	sadd.s32 $0x80, s29  }
0x360: {  	p2 =	sgt.s32 s7, $0x800  }
.Ltmp58:
0x361: {  	_ = 	snop;
	(pc) =	sbr.rel @p2 .LBB2_100-.Ltmp58, $2  }
0x362: {  	_ =	sdelay $0x2  }
0x363: {  	s7 =	simm.s32 $0x0  }
0x364: {  	s8 =	sshra.s32 s7, $0x2  }
0x365: {  	s8 =	sadd.s32 s8, s31  }
0x366: {  	v10 =	vld [tilespmem:s8+$0x0];
	_ =	sdelay $0x4  }
0x367: {  	vm4 =	vge.f32 v10, v9  }
0x368: {  	v11 =	vmpcnt.ones.xlane vm4;
	_ =	sdelay $0x1  }
0x369: {  	(v2sf) =	vpush v11, $0x0;
	_ =	sdelay $0x3  }
0x36a: {  	[tilespmem:s29+$0x11000] =	vst.msk vm4, v10;
	v10 =	vor.u32 s30, v0  }
0x36b: {  	s7 =	sadd.s32 $0x40, s7;
	s8 =	smov.u32 s30;
	[tilespmem:s29+$0x11880] =	vst.msk vm4, v10  }
.LBB2_98:
0x36c: {  	s9 =	sshra.s32 s7, $0x2;
	p2 =	sne.s32 s7, $0x1C0  }
0x36d: {  	s9 =	sadd.s32 s9, s31  }
0x36e: {  	v10 =	vld [tilespmem:s9+$0x0];
	_ =	sdelay $0x4  }
0x36f: {  	vm4 =	vge.f32 v10, v9  }
0x370: {  	v11 =	vmpcnt.ones.xlane vm4  }
0x371: {  	s9 =	spop (v2sf)  }
0x372: {  	s8 =	sadd.s32 $0x10, s8;
	(v2sf) =	vpush v11, $0x0;
	s29 =	sadd.s32 s9, s29;
	s11 =	sadd.s32 s9, s11  }
.Ltmp59:
0x373: {  	[tilespmem:s29+$0x11000] =	vst.msk vm4, v10;
	v10 =	vor.u32 s8, v0;
	[smem:$0x0] =	sst s29;
	(pc) =	sbr.rel @p2 .LBB2_98-.Ltmp59, $2  }
0x374: {  	[tilespmem:s29+$0x11880] =	vst.msk vm4, v10;
	[smem:$0x1] =	sst s11;
	_ =	sdelay $0x2  }
0x375: {  	s7 =	sadd.s32 $0x40, s7  }
0x376: {  	_ =	sdelay $0x8  }
0x377: {  	s7 =	spop (v2sf)  }
0x378: {  	s29 =	sadd.s32 s7, s29  }
0x379: {  	s11 =	sadd.s32 s7, s11;
	[smem:$0x0] =	sst s29  }
0x37a: {  	[smem:$0x1] =	sst s11  }
.LBB2_100:
0x37b: {  	s7 =	sadd.s32 $0x80, s29  }
0x37c: {  	p2 =	slt.s32 s7, $0x801  }
0x37d: {  	s7 =	sadd.s32 @!p2 $0x1, s11  }
0x37e: {  	[smem:$0x1] =	sst @!p2 s7;
	s7 =	smov.u32 @p2 s11  }
0x37f: {  	s11 =	smov.u32 s7  }
.LBB2_101:
0x380: {  	v10 =	vmpcnt.ones.xlane vm3;
	_ =	sdelay $0x1  }
0x381: {  	(v2sf) =	vpush v10, $0x0;
	_ =	sdelay $0xe  }
0x382: {  	s7 =	spop (v2sf)  }
0x383: {  	p2 =	slt.s32 s7, $0x1  }
.Ltmp60:
0x384: {  	_ = 	snop;
	(pc) =	sbr.rel @p2 .LBB2_107-.Ltmp60, $1  }
0x385: {  	_ =	sdelay $0x3  }
0x386: {  	s7 =	sadd.s32 $0x80, s29  }
0x387: {  	p2 =	sgt.s32 s7, $0x800  }
.Ltmp61:
0x388: {  	_ = 	snop;
	(pc) =	sbr.rel @p2 .LBB2_106-.Ltmp61, $2  }
0x389: {  	_ =	sdelay $0x2  }
0x38a: {  	s7 =	simm.s32 $0x0  }
0x38b: {  	s8 =	sshra.s32 s7, $0x2  }
0x38c: {  	s8 =	sadd.s32 s8, s2  }
0x38d: {  	v10 =	vld [tilespmem:s8+$0x0];
	_ =	sdelay $0x4  }
0x38e: {  	vm3 =	vge.f32 v10, v9  }
0x38f: {  	v11 =	vmpcnt.ones.xlane vm3;
	_ =	sdelay $0x1  }
0x390: {  	(v2sf) =	vpush v11, $0x0;
	_ =	sdelay $0x3  }
0x391: {  	[tilespmem:s29+$0x11000] =	vst.msk vm3, v10;
	v10 =	vor.u32 s0, v0  }
0x392: {  	s7 =	sadd.s32 $0x40, s7;
	s8 =	smov.u32 s0;
	[tilespmem:s29+$0x11880] =	vst.msk vm3, v10  }
.LBB2_104:
0x393: {  	s9 =	sshra.s32 s7, $0x2;
	p2 =	sne.s32 s7, $0x1C0  }
0x394: {  	s9 =	sadd.s32 s9, s2  }
0x395: {  	v10 =	vld [tilespmem:s9+$0x0];
	_ =	sdelay $0x4  }
0x396: {  	vm3 =	vge.f32 v10, v9  }
0x397: {  	v11 =	vmpcnt.ones.xlane vm3  }
0x398: {  	s9 =	spop (v2sf)  }
0x399: {  	s8 =	sadd.s32 $0x10, s8;
	(v2sf) =	vpush v11, $0x0;
	s29 =	sadd.s32 s9, s29;
	s11 =	sadd.s32 s9, s11  }
.Ltmp62:
0x39a: {  	[tilespmem:s29+$0x11000] =	vst.msk vm3, v10;
	v10 =	vor.u32 s8, v0;
	[smem:$0x0] =	sst s29;
	(pc) =	sbr.rel @p2 .LBB2_104-.Ltmp62, $2  }
0x39b: {  	[tilespmem:s29+$0x11880] =	vst.msk vm3, v10;
	[smem:$0x1] =	sst s11;
	_ =	sdelay $0x2  }
0x39c: {  	s7 =	sadd.s32 $0x40, s7  }
0x39d: {  	_ =	sdelay $0x8  }
0x39e: {  	s7 =	spop (v2sf)  }
0x39f: {  	s29 =	sadd.s32 s7, s29  }
0x3a0: {  	s11 =	sadd.s32 s7, s11;
	[smem:$0x0] =	sst s29  }
0x3a1: {  	[smem:$0x1] =	sst s11  }
.LBB2_106:
0x3a2: {  	s7 =	sadd.s32 $0x80, s29  }
0x3a3: {  	p2 =	slt.s32 s7, $0x801  }
0x3a4: {  	s7 =	sadd.s32 @!p2 $0x1, s11  }
0x3a5: {  	[smem:$0x1] =	sst @!p2 s7;
	s7 =	smov.u32 @p2 s11  }
0x3a6: {  	s11 =	smov.u32 s7  }
.LBB2_107:
0x3a7: {  	v10 =	vmpcnt.ones.xlane vm2;
	_ =	sdelay $0x1  }
0x3a8: {  	(v2sf) =	vpush v10, $0x0;
	_ =	sdelay $0xe  }
0x3a9: {  	s7 =	spop (v2sf)  }
0x3aa: {  	p2 =	slt.s32 s7, $0x1  }
.Ltmp63:
0x3ab: {  	_ = 	snop;
	(pc) =	sbr.rel @p2 .LBB2_113-.Ltmp63, $1  }
0x3ac: {  	_ =	sdelay $0x3  }
0x3ad: {  	s7 =	sadd.s32 $0x80, s29  }
0x3ae: {  	p2 =	sgt.s32 s7, $0x800  }
.Ltmp64:
0x3af: {  	_ = 	snop;
	(pc) =	sbr.rel @p2 .LBB2_112-.Ltmp64, $2  }
0x3b0: {  	_ =	sdelay $0x2  }
0x3b1: {  	s7 =	simm.s32 $0x0  }
0x3b2: {  	s8 =	sshra.s32 s7, $0x2  }
0x3b3: {  	s8 =	sadd.s32 s8, s15  }
0x3b4: {  	v10 =	vld [tilespmem:s8+$0x0];
	_ =	sdelay $0x4  }
0x3b5: {  	vm2 =	vge.f32 v10, v9  }
0x3b6: {  	v11 =	vmpcnt.ones.xlane vm2;
	_ =	sdelay $0x1  }
0x3b7: {  	(v2sf) =	vpush v11, $0x0;
	_ =	sdelay $0x3  }
0x3b8: {  	[tilespmem:s29+$0x11000] =	vst.msk vm2, v10;
	v10 =	vor.u32 s12, v0  }
0x3b9: {  	s7 =	sadd.s32 $0x40, s7;
	s8 =	smov.u32 s12;
	[tilespmem:s29+$0x11880] =	vst.msk vm2, v10  }
.LBB2_110:
0x3ba: {  	s9 =	sshra.s32 s7, $0x2;
	p2 =	sne.s32 s7, $0x1C0  }
0x3bb: {  	s9 =	sadd.s32 s9, s15  }
0x3bc: {  	v10 =	vld [tilespmem:s9+$0x0];
	_ =	sdelay $0x4  }
0x3bd: {  	vm2 =	vge.f32 v10, v9  }
0x3be: {  	v11 =	vmpcnt.ones.xlane vm2  }
0x3bf: {  	s9 =	spop (v2sf)  }
0x3c0: {  	s8 =	sadd.s32 $0x10, s8;
	(v2sf) =	vpush v11, $0x0;
	s29 =	sadd.s32 s9, s29;
	s11 =	sadd.s32 s9, s11  }
.Ltmp65:
0x3c1: {  	[tilespmem:s29+$0x11000] =	vst.msk vm2, v10;
	v10 =	vor.u32 s8, v0;
	[smem:$0x0] =	sst s29;
	(pc) =	sbr.rel @p2 .LBB2_110-.Ltmp65, $2  }
0x3c2: {  	[tilespmem:s29+$0x11880] =	vst.msk vm2, v10;
	[smem:$0x1] =	sst s11;
	_ =	sdelay $0x2  }
0x3c3: {  	s7 =	sadd.s32 $0x40, s7  }
0x3c4: {  	_ =	sdelay $0x8  }
0x3c5: {  	s7 =	spop (v2sf)  }
0x3c6: {  	s29 =	sadd.s32 s7, s29  }
0x3c7: {  	s11 =	sadd.s32 s7, s11;
	[smem:$0x0] =	sst s29  }
0x3c8: {  	[smem:$0x1] =	sst s11  }
.LBB2_112:
0x3c9: {  	s7 =	sadd.s32 $0x80, s29  }
0x3ca: {  	p2 =	slt.s32 s7, $0x801  }
0x3cb: {  	s7 =	sadd.s32 @!p2 $0x1, s11  }
0x3cc: {  	[smem:$0x1] =	sst @!p2 s7;
	s7 =	smov.u32 @p2 s11  }
0x3cd: {  	s11 =	smov.u32 s7  }
.LBB2_113:
0x3ce: {  	v10 =	vmpcnt.ones.xlane vm1;
	_ =	sdelay $0x1  }
0x3cf: {  	(v2sf) =	vpush v10, $0x0;
	_ =	sdelay $0xe  }
0x3d0: {  	s7 =	spop (v2sf)  }
0x3d1: {  	p2 =	slt.s32 s7, $0x1  }
.Ltmp66:
0x3d2: {  	_ = 	snop;
	(pc) =	sbr.rel @p2 .LBB2_119-.Ltmp66, $1  }
0x3d3: {  	_ =	sdelay $0x3  }
0x3d4: {  	s7 =	sadd.s32 $0x80, s29  }
0x3d5: {  	p2 =	sgt.s32 s7, $0x800  }
.Ltmp67:
0x3d6: {  	_ = 	snop;
	(pc) =	sbr.rel @p2 .LBB2_118-.Ltmp67, $2  }
0x3d7: {  	_ =	sdelay $0x2  }
0x3d8: {  	s7 =	simm.s32 $0x0  }
0x3d9: {  	s8 =	sshra.s32 s7, $0x2  }
0x3da: {  	s8 =	sadd.s32 s8, s10  }
0x3db: {  	v10 =	vld [tilespmem:s8+$0x0];
	_ =	sdelay $0x4  }
0x3dc: {  	vm1 =	vge.f32 v10, v9  }
0x3dd: {  	v11 =	vmpcnt.ones.xlane vm1;
	_ =	sdelay $0x1  }
0x3de: {  	(v2sf) =	vpush v11, $0x0;
	_ =	sdelay $0x3  }
0x3df: {  	[tilespmem:s29+$0x11000] =	vst.msk vm1, v10;
	v10 =	vor.u32 s17, v0  }
0x3e0: {  	s7 =	sadd.s32 $0x40, s7;
	s8 =	smov.u32 s17;
	[tilespmem:s29+$0x11880] =	vst.msk vm1, v10  }
.LBB2_116:
0x3e1: {  	s9 =	sshra.s32 s7, $0x2;
	p2 =	sne.s32 s7, $0x1C0  }
0x3e2: {  	s9 =	sadd.s32 s9, s10  }
0x3e3: {  	v10 =	vld [tilespmem:s9+$0x0];
	_ =	sdelay $0x4  }
0x3e4: {  	vm1 =	vge.f32 v10, v9  }
0x3e5: {  	v11 =	vmpcnt.ones.xlane vm1  }
0x3e6: {  	s9 =	spop (v2sf)  }
0x3e7: {  	s8 =	sadd.s32 $0x10, s8;
	(v2sf) =	vpush v11, $0x0;
	s29 =	sadd.s32 s9, s29;
	s11 =	sadd.s32 s9, s11  }
.Ltmp68:
0x3e8: {  	[tilespmem:s29+$0x11000] =	vst.msk vm1, v10;
	v10 =	vor.u32 s8, v0;
	[smem:$0x0] =	sst s29;
	(pc) =	sbr.rel @p2 .LBB2_116-.Ltmp68, $2  }
0x3e9: {  	[tilespmem:s29+$0x11880] =	vst.msk vm1, v10;
	[smem:$0x1] =	sst s11;
	_ =	sdelay $0x2  }
0x3ea: {  	s7 =	sadd.s32 $0x40, s7  }
0x3eb: {  	_ =	sdelay $0x7  }
.Ltmp69:
0x3ec: {  	_ = 	snop;
	(pc) =	sbr.rel .LBB2_118-.Ltmp69, $4  }
0x3ed: {  	s7 =	spop (v2sf)  }
0x3ee: {  	s29 =	sadd.s32 s7, s29  }
0x3ef: {  	s11 =	sadd.s32 s7, s11;
	[smem:$0x0] =	sst s29  }
0x3f0: {  	[smem:$0x1] =	sst s11  }
.LBB2_120:
0x3f1: {  	v1 =	vadd.f32 v1, v6;
	v3 =	vadd.f32 v3, v8  }
0x3f2: {  	v5 =	vadd.f32 v5, v7;
	v2 =	vadd.f32 v2, v4;
	_ =	sdelay $0x1  }
0x3f3: {  	v1 =	vadd.f32 v3, v1;
	v2 =	vadd.f32 v2, v5;
	_ =	sdelay $0x1  }
0x3f4: {  	v1 =	vadd.f32 v2, v1;
	_ =	sdelay $0x1  }
0x3f5: {  	(xrf2) =	vadd.scan.msk.f32 $0xffff, v1;
	_ =	sdelay $0x4  }
0x3f6: {  	p2 =	sne.s32 s11, s29  }
.Ltmp70:
0x3f7: {  	_ = 	snop;
	(pc) =	sbr.rel @p2 .LBB2_129-.Ltmp70, $4  }
0x3f8: {  	_ = 	snop  }
0x3f9: {  	v3 =	vimm.f32 $-Inf  }
0x3fa: {  	[tilespmem:s29+$0x11000] =	vst v3;
	v2 =	vimm.s32 $0x7FFFFFFF  }
0x3fb: {  	s0 =	simm.s32 $0x0;
	[tilespmem:s29+$0x11880] =	vst v2;
	v1, _, _ =	vpop (xrf2)  }
0x3fc: {  	s0 =	sadd.s32 $0xF, s29  }
0x3fd: {  	s2 =	sand.u32 $0xF, s0  }
0x3fe: {  	s6 =	sshra.s32 s0, $0x1F;
	p2 =	slt.s32 s0, $0x1;
	p3 =	sne.s32 s2, $0x0  }
0x3ff: {  	s31 =	sshrl.u32 s6, $0x1C;
	p2 =	por !p2, !p3  }
0x400: {  	s2 =	simm.s32 $0x1;
	s0 =	sadd.s32 s31, s0;
	p2 =	por !p2, !p2  }
0x401: {  	s0 =	sshra.s32 s0, $0x4;
	s2 =	simm.s32 @!p2 $0x0  }
0x402: {  	s0 =	ssub.s32 s0, s2  }
0x403: {  	p2 =	slt.s32 s0, $0x1  }
.Ltmp71:
0x404: {  	_ = 	snop;
	(pc) =	sbr.rel @p2 .LBB2_132-.Ltmp71, $1  }
0x405: {  	_ =	sdelay $0x3  }
0x406: {  	p4 =	sne.s32 s0, $0x1  }
.Ltmp72:
0x407: {  	_ = 	snop;
	(pc) =	sbr.rel @!p4 .LBB2_123-.Ltmp72, $4  }
0x408: {  	_ = 	snop  }
0x409: {  	s2 =	simm.s32 $0x11000  }
0x40a: {  	s6 =	simm.s32 $0x11880;
	v4 =	vld [tilespmem:s2+$0x0]  }
0x40b: {  	s0 =	sadd.s32 $0xFFFFFFFF, s0;
	p2 =	por $0x0, $0x0;
	p3 =	por $0x0, $0x0;
	v5 =	vld [tilespmem:s6+$0x0]  }
0x40c: {  	_ =	sdelay $0x3  }
0x40d: {  	(xrf1) =	vsort.ascd.msk.f32 $0xffff, v4, v5;
	_ =	sdelay $0x7  }
0x40e: {  	p4 =	sne.s32 s0, $0x1  }
.Ltmp73:
0x40f: {  	_ = 	snop;
	(pc) =	sbr.rel @!p4 .LBB2_125-.Ltmp73, $4  }
0x410: {  	_ = 	snop  }
0x411: {  	s2 =	simm.s32 $0x11010  }
0x412: {  	s31 =	simm.s32 $0x11890;
	v4 =	vld [tilespmem:s2+$0x0]  }
0x413: {  	s6 =	sadd.s32 $0xFFFFFFFF, s0;
	p2 =	por $0x1, $0x1;
	v5 =	vld [tilespmem:s31+$0x0]  }
0x414: {  	_ =	sdelay $0x1  }
0x415: {  	v6, v7, _ =	vpop (xrf1)  }
0x416: {  	vm1 =	vge.f32 v3, v6  }
0x417: {  	(xrf1) =	vsort.ascd.msk.f32 $0xffff, v4, v5;
	v5 =	vsel vm1, v3, v6;
	v6 =	vsel vm1, v2, v7  }
0x418: {  	(xrf1) =	vsort.dscd.msk.f32 $0xffff, v5, v6;
	_ =	sdelay $0x6  }
0x419: {  	p4 =	sne.s32 s6, $0x1  }
.Ltmp74:
0x41a: {  	_ = 	snop;
	(pc) =	sbr.rel @!p4 .LBB2_128-.Ltmp74, $4  }
0x41b: {  	s0 =	simm.s32 $0x11020  }
0x41c: {  	s2 =	simm.s32 $0x118A0;
	v4 =	vld [tilespmem:s0+$0x0]  }
0x41d: {  	v5 =	vld [tilespmem:s2+$0x0]  }
0x41e: {  	s6 =	sadd.s32 $0xFFFFFFFF, s6;
	p3 =	por $0x1, $0x1  }
.LBB2_127:
0x41f: {  	p4 =	sne.s32 s6, $0x1;
	v6, v7, _ =	vpop (xrf1)  }
0x420: {  	v8, v9, _ =	vpop (xrf1)  }
0x421: {  	vm1 =	vge.f32 v8, v6  }
0x422: {  	(xrf1) =	vsort.ascd.msk.f32 $0xffff, v4, v5;
	v4 =	vsel vm1, v8, v6;
	v5 =	vsel vm1, v9, v7  }
0x423: {  	(xrf1) =	vsort.dscd.msk.f32 $0xffff, v4, v5;
	_ =	sdelay $0x7  }
.Ltmp75:
0x424: {  	(pc) =	sbr.rel @p4 .LBB2_127-.Ltmp75, $4  }
0x425: {  	s0 =	sadd.s32 $0x10, s0  }
0x426: {  	s2 =	sadd.s32 $0x10, s2;
	v4 =	vld [tilespmem:s0+$0x0]  }
0x427: {  	v5 =	vld [tilespmem:s2+$0x0]  }
0x428: {  	s6 =	sadd.s32 $0xFFFFFFFF, s6  }
.Ltmp76:
0x429: {  	_ = 	snop;
	(pc) =	sbr.rel .LBB2_128-.Ltmp76, $1  }
0x42a: {  	_ =	sdelay $0x3  }
.LBB2_129:
0x42b: {  	s2 =	sand.u32 $0x7FF0, s0  }
0x42c: {  	v4 =	vld [tilespmem:s2+$0x8000];
	_ =	sdelay $0x3  }
0x42d: {  	v5 =	vor.u32 s0, v0  }
0x42e: {  	(xrf1) =	vsort.ascd.msk.f32 $0xffff, v4, v5;
	_ =	sdelay $0x8  }
0x42f: {  	s29 =	simm.s32 $0x10  }
0x430: {  	s30 =	sand.u32 $0x7FF0, s29  }
0x431: {  	v63 =	vld [tilespmem:s30+$0x8000];
	_ =	sdelay $0x2  }
0x432: {  	v5, v6, _ =	vpop (xrf1)  }
0x433: {  	v7 =	vor.u32 s29, v0;
	vm1 =	vge.f32 v3, v5  }
0x434: {  	(xrf1) =	vsort.ascd.msk.f32 $0xffff, v63, v7;
	v3 =	vsel vm1, v3, v5;
	v2 =	vsel vm1, v2, v6  }
0x435: {  	(xrf1) =	vsort.dscd.msk.f32 $0xffff, v3, v2;
	_ =	sdelay $0x8  }
0x436: {  	s0 =	simm.s32 $0x20  }
0x437: {  	s31 =	sand.u32 $0x7FF0, s0  }
0x438: {  	s2 =	simm.s32 $0x30;
	v2 =	vld [tilespmem:s31+$0x8000]  }
.LBB2_130:
0x439: {  	p2 =	sne.s32 s2, $0x7FF0  }
0x43a: {  	v3, v4, _ =	vpop (xrf1)  }
0x43b: {  	v5, v6, _ =	vpop (xrf1)  }
0x43c: {  	v7 =	vor.u32 s0, v0;
	s0 =	smov.u32 s2;
	vm1 =	vge.f32 v5, v3  }
0x43d: {  	(xrf1) =	vsort.ascd.msk.f32 $0xffff, v2, v7;
	v2 =	vsel vm1, v5, v3;
	v3 =	vsel vm1, v6, v4  }
0x43e: {  	(xrf1) =	vsort.dscd.msk.f32 $0xffff, v2, v3;
	_ =	sdelay $0x6  }
.Ltmp77:
0x43f: {  	(pc) =	sbr.rel @p2 .LBB2_130-.Ltmp77, $3  }
0x440: {  	_ =	sdelay $0x1  }
0x441: {  	s6 =	sand.u32 $0x7FF0, s2  }
0x442: {  	s2 =	sadd.s32 $0x10, s2;
	v2 =	vld [tilespmem:s6+$0x8000]  }
0x443: {  	_ = 	snop  }
0x444: {  	v3, v4, _ =	vpop (xrf1)  }
0x445: {  	v5, v6, _ =	vpop (xrf1)  }
0x446: {  	v7 =	vor.u32 s0, v0;
	vm1 =	vge.f32 v5, v3  }
0x447: {  	(xrf1) =	vsort.ascd.msk.f32 $0xffff, v2, v7;
	v2 =	vsel vm1, v5, v3;
	v3 =	vsel vm1, v6, v4  }
0x448: {  	(xrf1) =	vsort.dscd.msk.f32 $0xffff, v2, v3;
	_ =	sdelay $0xc  }
0x449: {  	v2, v3, _ =	vpop (xrf1)  }
0x44a: {  	v4, v5, _ =	vpop (xrf1)  }
0x44b: {  	vm1 =	vge.f32 v4, v2  }
0x44c: {  	v2 =	vsel vm1, v4, v2;
	v3 =	vsel vm1, v5, v3  }
0x44d: {  	(xrf1) =	vsort.dscd.msk.f32 $0xffff, v2, v3;
	_ =	sdelay $0xa  }
.Ltmp78:
0x44e: {  	_ = 	snop;
	(pc) =	sbr.rel .LBB2_132-.Ltmp78, $3  }
0x44f: {  	_ =	sdelay $0x1  }
0x450: {  	v3, v2, _ =	vpop (xrf1)  }
0x451: {  	v3 =	vmul.f32 $1.442695020e+00, v3  }
.LBB2_58:
.Ltmp79:
0x452: {  	(pc) =	sbr.rel .LBB2_63-.Ltmp79, $2  }
0x453: {  	_ =	sdelay $0x2  }
0x454: {  	_ = 	snop  }
.LBB2_60:
.Ltmp80:
0x455: {  	(pc) =	sbr.rel .LBB2_63-.Ltmp80, $2  }
0x456: {  	_ =	sdelay $0x2  }
0x457: {  	_ = 	snop  }
.LBB2_125:
.Ltmp81:
0x458: {  	(pc) =	sbr.rel .LBB2_128-.Ltmp81, $2  }
0x459: {  	_ =	sdelay $0x2  }
0x45a: {  	_ = 	snop  }
.LBB2_134:
0x45b: {  	_ =	sfence.sel $0x180000  }
0x45c: {  	[bflag:$0x0] =	sbarrier.arrive $0xFFFF  }
0x45d: {  	_ =	strace $0x90000047  }
0x45e: {  	s0 =	stileid.u32;
	[bflag:$0x2] =	sbarrier.arrive $0xFFFF  }
0x45f: {  	p0 =	sne.s32 s0, $0x0;
	s0 =	rddreg [dreg:$0x3]  }
0x460: {  	s0 =	sadd.s32 @!p0 $0x100000, s0  }
0x461: {  	[sflag:s0] =	ssyncadd.tile.s32 @!p0 $0x1;
	_ =	shalt  }
.Lfunc_end2:
_tile_overlayer_lowered:
.L_overlay_start_2:
0x462: {  	(tag) =	ssettag $0x2  }
0x463: {  	s0 =	rddreg [dreg:$0x0];
	s2 =	stileid.u32  }
0x464: {  	s1 =	rddreg [dreg:$0x1];
	p0 =	sne.s32 s2, $0x0  }
0x465: {  	s3 =	rddreg [dreg:$0x2];
	[bflag:$0x3] =	sbarrier.arrive $0xFFFF;
	s2 =	simm.s32 @!p0 $0x1C03  }
0x466: {  	[timem:s3], [sflag:s2] =	dma.local @!p0 [hbm:s0], s1  }
0x467: {  	s0 =	simm.s32 @!p0 $0x3  }
0x468: {  	_ =	swait.ge @!p0 [sflag:s0], s1  }
0x469: {  	s1 =	ssub.s32 @!p0 $0x0, s1;
	[sflag:s0] =	ssyncset.done @!p0 $0x0  }
0x46a: {  	[sflag:s0] =	ssyncadd.s32 @!p0 s1  }
0x46b: {  	[bflag:$0x3] =	sbarrier.arrive $0xFFFF  }
0x46c: {  	_ =	shalt  }

</sc_bundles>
